<compile_context>
chip_gen: v7x
topology: tpu7x:2x2x1
jax: 0.10.2.dev20260603
libtpu: 0.0.44.dev20260713+nightly
codegen_flags: <defaults>
</compile_context>

<pallas_src>
import jax
import jax.numpy as jnp
from jax import lax
from jax.experimental import pallas as pl
from jax.experimental.pallas import tpu as pltpu
from jax.experimental.pallas import tpu_sc as plsc

_N = 50000
_D = 256
_S = 512
_NC = 2
_NS = 16
_NW = _NC * _NS
_R = 112
_L = 16
_SEG_PER_TILE = _S // _NW
_SP = 528
_BS = 2000
_G = _N // _BS


def _tc_fn(xb_ref, seg_ref, w_ref, b_ref, st_ref, wgt_ref):
    i = pl.program_id(0)

    @pl.when(i == 0)
    def _init():
        st_ref[...] = jnp.zeros_like(st_ref)

    seg = seg_ref[0]
    lanes = lax.broadcasted_iota(jnp.int32, (_BS, _SP), 1)
    st_ref[...] += jnp.sum((seg < lanes).astype(jnp.int32), axis=0,
                           keepdims=True)
    xb = xb_ref[...]
    z = jnp.sum(xb * w_ref[...], axis=1, keepdims=True) + b_ref[0, 0]
    wgt_ref[...] = jax.nn.sigmoid(z).reshape(1, _BS, 1)


def _sc_body(x_hbm, g_hbm, st_hbm, out_hbm,
             xbuf, gbuf, stv, acc):
    cid = lax.axis_index("c")
    sid = lax.axis_index("s")
    wid = sid * _NC + cid

    pltpu.sync_copy(st_hbm, stv)

    base = wid * _SEG_PER_TILE
    nj = _D // _L

    def _seg(s_local, _):
        s_idx = base + s_local
        a = stv[pl.ds(s_idx, _L)][0]
        e = stv[pl.ds(s_idx + 1, _L)][0]
        a8 = (a >> 3) << 3
        nch = (e - a8 + _R - 1) // _R

        def _chunk(c, regs):
            cs = pl.multiple_of(jnp.minimum(a8 + c * _R, _N - _R), 8)
            pltpu.sync_copy(x_hbm.at[pl.ds(cs, _R)], xbuf)
            pltpu.sync_copy(g_hbm.at[pl.ds(cs, _R)], gbuf.at[pl.ds(0, _R)])
            lo = jnp.maximum(a8 + c * _R, a)

            def _row(r, regs):
                g = cs + r
                valid = jnp.logical_and(g >= lo, g < e)
                wk = jnp.where(valid, gbuf[pl.ds(r, _L)][0], 0.0)
                return tuple(regs[j] + xbuf[r, pl.ds(j * _L, _L)] * wk
                             for j in range(nj))

            return lax.fori_loop(0, _R, _row, regs, unroll=8)

        zero_regs = tuple(jnp.zeros((_L,), jnp.float32) for _ in range(nj))
        regs = lax.fori_loop(0, nch, _chunk, zero_regs)
        for j in range(nj):
            acc[s_local, pl.ds(j * _L, _L)] = regs[j]
        return 0

    lax.fori_loop(0, _SEG_PER_TILE, _seg, 0)
    pltpu.sync_copy(acc, out_hbm.at[pl.ds(base, _SEG_PER_TILE)])


def kernel(x, batch, W, b):
    seg = batch.astype(jnp.int32)
    wr = W.reshape(1, _D).astype(jnp.float32)
    br = b.reshape(1, 1).astype(jnp.float32)

    starts, wgt = pl.pallas_call(
        _tc_fn,
        grid=(_G,),
        in_specs=[
            pl.BlockSpec((_BS, _D), lambda i: (i, 0)),
            pl.BlockSpec((1, _BS, 1), lambda i: (i, 0, 0)),
            pl.BlockSpec((1, _D), lambda i: (0, 0)),
            pl.BlockSpec((1, 1), lambda i: (0, 0)),
        ],
        out_specs=[
            pl.BlockSpec((1, _SP), lambda i: (0, 0)),
            pl.BlockSpec((1, _BS, 1), lambda i: (i, 0, 0)),
        ],
        out_shape=[
            jax.ShapeDtypeStruct((1, _SP), jnp.int32),
            jax.ShapeDtypeStruct((_G, _BS, 1), jnp.float32),
        ],
        compiler_params=pltpu.CompilerParams(
            dimension_semantics=("arbitrary",),
        ),
    )(x, seg.reshape(_G, _BS, 1), wr, br)

    mesh = plsc.VectorSubcoreMesh(
        core_axis_name="c", subcore_axis_name="s",
        num_cores=_NC, num_subcores=_NS)
    sc_fn = pl.kernel(
        _sc_body,
        out_type=jax.ShapeDtypeStruct((_S, _D), jnp.float32),
        mesh=mesh,
        scratch_types=[
            pltpu.VMEM((_R, _D), jnp.float32),
            pltpu.VMEM((_R + _L,), jnp.float32),
            pltpu.VMEM((_SP,), jnp.int32),
            pltpu.VMEM((_SEG_PER_TILE, _D), jnp.float32),
        ],
    )
    return sc_fn(x, wgt.reshape(_N), starts.reshape(_SP))

# --- scband reference (transcript-rebuilt; emitter-appended) ---
"""Pipeline reference for scband-weighted-sum-85547158602061 (READ-ONLY COPY).

The authoritative reference and input builder live on the scoring server;
editing this copy changes nothing except your own understanding.
"""

import jax, jax.numpy as jnp
import numpy as np

NUM_SEGMENTS = 512

def setup_inputs(seed: int = 0) -> dict:
    key = jax.random.key(seed)
    k1, k2, k3, k4 = jax.random.split(key, 4)
    x = jax.random.normal(k1, (50000, 256), dtype=jnp.float32)
    batch = jnp.sort(jax.random.randint(k2, (50000,), 0, NUM_SEGMENTS)).astype(jnp.int64)
    W = jax.random.normal(k3, (256, 1), dtype=jnp.float32) * 0.05
    b = jnp.zeros((1,), dtype=jnp.float32)
    return {"x": x, "batch": batch, "W": W, "b": b}

def reference(x, batch, W, b):
    # weights for each node: sigmoid of a linear combination of that node's features
    weights = jax.nn.sigmoid(x @ W + b)  # [N, 1]
    # scatter(weights * x, batch, dim=0, reduce='sum')
    out = jax.ops.segment_sum(weights * x, batch, num_segments=NUM_SEGMENTS)
    return out

if __name__ == "__main__":
    import jax
    _d = setup_inputs()
    print(jax.jit(kernel)(*tuple(_d.values())))

</pallas_src>

<mosaic_0001>
#map = affine_map<(d0, d1) -> (0, 0)>
#map1 = affine_map<(d0, d1) -> (0)>
module attributes {stable_mosaic.version = 14 : i64} {
  func.func @_sc_body(%arg0: i32, %arg1: i32, %arg2: memref<50000x256xf32, #tpu.memory_space<hbm>>, %arg3: memref<50000xf32, #tpu.memory_space<hbm>>, %arg4: memref<528xi32, #tpu.memory_space<hbm>>, %arg5: memref<512x256xf32, #tpu.memory_space<hbm>>, %arg6: memref<112x256xf32, #tpu.memory_space<vmem>>, %arg7: memref<128xf32, #tpu.memory_space<vmem>>, %arg8: memref<528xi32, #tpu.memory_space<vmem>>, %arg9: memref<16x256xf32, #tpu.memory_space<vmem>>) attributes {dimension_semantics = [#tpu.dimension_semantics<core_parallel>, #tpu.dimension_semantics<subcore_parallel>], iteration_bounds = array<i64: 2, 16>, scalar_prefetch = 0 : i64, scratch_operands = 4 : i64, tpu.core_type = #tpu.core_type<sc_vector_subcore>, window_params = [{transform_indices = #map}, {transform_indices = #map1}, {transform_indices = #map1}, {transform_indices = #map}]} {
    %mul3A = arith.constant 2 : i32
    %mul3A_0 = arith.muli %arg1, %mul3A : i32
    %add3A = arith.addi %mul3A_0, %arg0 : i32
    "tpu.region"() ({
      %run_scoped3A = tpu.sem_alloc : memref<!tpu.dma_semaphore, #tpu.memory_space<semaphore_mem>>
      tpu.enqueue_dma source(%arg4 : memref<528xi32, #tpu.memory_space<hbm>>) target(%arg8 : memref<528xi32, #tpu.memory_space<vmem>>) target_semaphore(%run_scoped3A : memref<!tpu.dma_semaphore, #tpu.memory_space<semaphore_mem>>)
      tpu.wait_dma2 semaphore(%run_scoped3A : memref<!tpu.dma_semaphore, #tpu.memory_space<semaphore_mem>>) src(%arg4 : memref<528xi32, #tpu.memory_space<hbm>>) dst(%arg8 : memref<528xi32, #tpu.memory_space<vmem>>)
      tpu.yield
    }) : () -> ()
    %mul3A_1 = arith.constant 16 : i32
    %mul3A_2 = arith.muli %add3A, %mul3A_1 : i32
    %scan3A = arith.constant 0 : i32
    %scan3A_3 = arith.constant 0 : i32
    %scan3A_4 = arith.constant 16 : i32
    %scan3A_5 = arith.addi %scan3A_3, %scan3A_4 : i32
    %scan3A_6 = arith.constant 1 : i32
    %scan3A_7 = scf.for %scan3A_9 = %scan3A_3 to %scan3A_5 step %scan3A_6 iter_args(%scan3A_10 = %scan3A) -> (i32)  : i32 {
      %add3A_11 = arith.addi %mul3A_2, %scan3A_9 : i32
      %get3A = arith.index_cast %add3A_11 : i32 to index
      %get3A_12 = tpu.vector_load %arg8[%get3A] {strides = array<i32>} : memref<528xi32, #tpu.memory_space<vmem>>, vector<16xi32>,
      %get3A_13 = vector.shape_cast %get3A_12 : vector<16xi32> to vector<16xi32>
      %slice3A = vector.extract_strided_slice %get3A_13 {offsets = [0], sizes = [1], strides = [1]} : vector<16xi32> to vector<1xi32>
      %squeeze3A = vector.extract %slice3A[0] : i32 from vector<1xi32>
      %add3A_14 = arith.constant 1 : i32
      %add3A_15 = arith.addi %add3A_11, %add3A_14 : i32
      %get3A_16 = arith.index_cast %add3A_15 : i32 to index
      %get3A_17 = tpu.vector_load %arg8[%get3A_16] {strides = array<i32>} : memref<528xi32, #tpu.memory_space<vmem>>, vector<16xi32>,
      %get3A_18 = vector.shape_cast %get3A_17 : vector<16xi32> to vector<16xi32>
      %slice3A_19 = vector.extract_strided_slice %get3A_18 {offsets = [0], sizes = [1], strides = [1]} : vector<16xi32> to vector<1xi32>
      %squeeze3A_20 = vector.extract %slice3A_19[0] : i32 from vector<1xi32>
      %shift_right_arithmetic3A = arith.constant 3 : i32
      %shift_right_arithmetic3A_21 = arith.shrsi %squeeze3A, %shift_right_arithmetic3A : i32
      %shift_left3A = arith.constant 3 : i32
      %shift_left3A_22 = arith.shli %shift_right_arithmetic3A_21, %shift_left3A : i32
      %sub3A = arith.subi %squeeze3A_20, %shift_left3A_22 : i32
      %add3A_23 = arith.constant 112 : i32
      %add3A_24 = arith.addi %sub3A, %add3A_23 : i32
      %sub3A_25 = arith.constant 1 : i32
      %sub3A_26 = arith.subi %add3A_24, %sub3A_25 : i32
      %jit3A = arith.constant 112 : i32
      %div3A = arith.divsi %sub3A_26, %jit3A : i32
      %sign3A = arith.constant 0 : i32
      %sign3A_27 = arith.cmpi sgt, %sub3A_26, %sign3A : i32
      %sign3A_28 = arith.extui %sign3A_27 : i1 to i32
      %sign3A_29 = arith.constant 0 : i32
      %sign3A_30 = arith.cmpi slt, %sub3A_26, %sign3A_29 : i32
      %sign3A_31 = arith.extui %sign3A_30 : i1 to i32
      %sign3A_32 = arith.subi %sign3A_28, %sign3A_31 : i32
      %sign3A_33 = arith.constant 0 : i32
      %sign3A_34 = arith.cmpi sgt, %jit3A, %sign3A_33 : i32
      %sign3A_35 = arith.extui %sign3A_34 : i1 to i32
      %sign3A_36 = arith.constant 0 : i32
      %sign3A_37 = arith.cmpi slt, %jit3A, %sign3A_36 : i32
      %sign3A_38 = arith.extui %sign3A_37 : i1 to i32
      %sign3A_39 = arith.subi %sign3A_35, %sign3A_38 : i32
      %ne3A = arith.cmpi ne, %sign3A_32, %sign3A_39 : i32
      %rem3A = arith.remsi %sub3A_26, %jit3A : i32
      %ne3A_40 = arith.constant 0 : i32
      %ne3A_41 = arith.cmpi ne, %rem3A, %ne3A_40 : i32
      %and3A = arith.andi %ne3A, %ne3A_41 : i1
      %sub3A_42 = arith.constant 1 : i32
      %sub3A_43 = arith.subi %div3A, %sub3A_42 : i32
      %select_n3A = arith.select %and3A, %sub3A_43, %div3A : i32
      %broadcast_in_dim3A = arith.constant 0.000000e+00 : f32
      %broadcast_in_dim3A_44 = vector.broadcast %broadcast_in_dim3A : f32 to vector<16xf32>
      %broadcast_in_dim3A_45 = arith.constant 0.000000e+00 : f32
      %broadcast_in_dim3A_46 = vector.broadcast %broadcast_in_dim3A_45 : f32 to vector<16xf32>
      %broadcast_in_dim3A_47 = arith.constant 0.000000e+00 : f32
      %broadcast_in_dim3A_48 = vector.broadcast %broadcast_in_dim3A_47 : f32 to vector<16xf32>
      %broadcast_in_dim3A_49 = arith.constant 0.000000e+00 : f32
      %broadcast_in_dim3A_50 = vector.broadcast %broadcast_in_dim3A_49 : f32 to vector<16xf32>
      %broadcast_in_dim3A_51 = arith.constant 0.000000e+00 : f32
      %broadcast_in_dim3A_52 = vector.broadcast %broadcast_in_dim3A_51 : f32 to vector<16xf32>
      %broadcast_in_dim3A_53 = arith.constant 0.000000e+00 : f32
      %broadcast_in_dim3A_54 = vector.broadcast %broadcast_in_dim3A_53 : f32 to vector<16xf32>
      %broadcast_in_dim3A_55 = arith.constant 0.000000e+00 : f32
      %broadcast_in_dim3A_56 = vector.broadcast %broadcast_in_dim3A_55 : f32 to vector<16xf32>
      %broadcast_in_dim3A_57 = arith.constant 0.000000e+00 : f32
      %broadcast_in_dim3A_58 = vector.broadcast %broadcast_in_dim3A_57 : f32 to vector<16xf32>
      %broadcast_in_dim3A_59 = arith.constant 0.000000e+00 : f32
      %broadcast_in_dim3A_60 = vector.broadcast %broadcast_in_dim3A_59 : f32 to vector<16xf32>
      %broadcast_in_dim3A_61 = arith.constant 0.000000e+00 : f32
      %broadcast_in_dim3A_62 = vector.broadcast %broadcast_in_dim3A_61 : f32 to vector<16xf32>
      %broadcast_in_dim3A_63 = arith.constant 0.000000e+00 : f32
      %broadcast_in_dim3A_64 = vector.broadcast %broadcast_in_dim3A_63 : f32 to vector<16xf32>
      %broadcast_in_dim3A_65 = arith.constant 0.000000e+00 : f32
      %broadcast_in_dim3A_66 = vector.broadcast %broadcast_in_dim3A_65 : f32 to vector<16xf32>
      %broadcast_in_dim3A_67 = arith.constant 0.000000e+00 : f32
      %broadcast_in_dim3A_68 = vector.broadcast %broadcast_in_dim3A_67 : f32 to vector<16xf32>
      %broadcast_in_dim3A_69 = arith.constant 0.000000e+00 : f32
      %broadcast_in_dim3A_70 = vector.broadcast %broadcast_in_dim3A_69 : f32 to vector<16xf32>
      %broadcast_in_dim3A_71 = arith.constant 0.000000e+00 : f32
      %broadcast_in_dim3A_72 = vector.broadcast %broadcast_in_dim3A_71 : f32 to vector<16xf32>
      %broadcast_in_dim3A_73 = arith.constant 0.000000e+00 : f32
      %broadcast_in_dim3A_74 = vector.broadcast %broadcast_in_dim3A_73 : f32 to vector<16xf32>
      %while3A = arith.constant 0 : i32
      %while3A_75 = arith.subi %select_n3A, %while3A : i32
      %while3A_76 = arith.addi %while3A, %while3A_75 : i32
      %while3A_77 = arith.constant 1 : i32
      %while3A_78 = arith.divsi %while3A_75, %while3A_77 : i32
      %while3A_79 = arith.muli %while3A_78, %while3A_77 : i32
      %while3A_80 = arith.addi %while3A, %while3A_79 : i32
      %while3A_81 = arith.constant 1 : i32
      %while3A_82:16 = scf.for %while3A_165 = %while3A to %while3A_80 step %while3A_81 iter_args(%while3A_166 = %broadcast_in_dim3A_44, %while3A_167 = %broadcast_in_dim3A_46, %while3A_168 = %broadcast_in_dim3A_48, %while3A_169 = %broadcast_in_dim3A_50, %while3A_170 = %broadcast_in_dim3A_52, %while3A_171 = %broadcast_in_dim3A_54, %while3A_172 = %broadcast_in_dim3A_56, %while3A_173 = %broadcast_in_dim3A_58, %while3A_174 = %broadcast_in_dim3A_60, %while3A_175 = %broadcast_in_dim3A_62, %while3A_176 = %broadcast_in_dim3A_64, %while3A_177 = %broadcast_in_dim3A_66, %while3A_178 = %broadcast_in_dim3A_68, %while3A_179 = %broadcast_in_dim3A_70, %while3A_180 = %broadcast_in_dim3A_72, %while3A_181 = %broadcast_in_dim3A_74) -> (vector<16xf32>, vector<16xf32>, vector<16xf32>, vector<16xf32>, vector<16xf32>, vector<16xf32>, vector<16xf32>, vector<16xf32>, vector<16xf32>, vector<16xf32>, vector<16xf32>, vector<16xf32>, vector<16xf32>, vector<16xf32>, vector<16xf32>, vector<16xf32>)  : i32 {
        %mul3A_182 = arith.constant 112 : i32
        %mul3A_183 = arith.muli %while3A_165, %mul3A_182 : i32
        %add3A_184 = arith.addi %shift_left3A_22, %mul3A_183 : i32
        %min3A = arith.constant 49888 : i32
        %min3A_185 = arith.minsi %add3A_184, %min3A : i32
        %multiple_of3A = tpu.assume_multiple %min3A_185, 8 : i32
        "tpu.region"() ({
          %run_scoped3A = tpu.sem_alloc : memref<!tpu.dma_semaphore, #tpu.memory_space<semaphore_mem>>
          %dma_start3A = arith.constant 0 : i32
          %dma_start3A_195 = tpu.memref_slice %arg2[%multiple_of3A, %dma_start3A] : memref<50000x256xf32, #tpu.memory_space<hbm>> -> memref<112x256xf32, #tpu.memory_space<hbm>>
          %dma_start3A_196 = arith.constant 0 : i32
          %dma_start3A_197 = tpu.memref_slice %arg2[%multiple_of3A, %dma_start3A_196] : memref<50000x256xf32, #tpu.memory_space<hbm>> -> memref<112x256xf32, #tpu.memory_space<hbm>>
          tpu.enqueue_dma source(%dma_start3A_197 : memref<112x256xf32, #tpu.memory_space<hbm>>) target(%arg6 : memref<112x256xf32, #tpu.memory_space<vmem>>) target_semaphore(%run_scoped3A : memref<!tpu.dma_semaphore, #tpu.memory_space<semaphore_mem>>)
          %dma_wait3A = arith.constant 0 : i32
          %dma_wait3A_198 = tpu.memref_slice %arg2[%multiple_of3A, %dma_wait3A] : memref<50000x256xf32, #tpu.memory_space<hbm>> -> memref<112x256xf32, #tpu.memory_space<hbm>>
          %dma_wait3A_199 = arith.constant 0 : i32
          %dma_wait3A_200 = tpu.memref_slice %arg2[%multiple_of3A, %dma_wait3A_199] : memref<50000x256xf32, #tpu.memory_space<hbm>> -> memref<112x256xf32, #tpu.memory_space<hbm>>
          tpu.wait_dma2 semaphore(%run_scoped3A : memref<!tpu.dma_semaphore, #tpu.memory_space<semaphore_mem>>) src(%dma_wait3A_200 : memref<112x256xf32, #tpu.memory_space<hbm>>) dst(%arg6 : memref<112x256xf32, #tpu.memory_space<vmem>>)
          tpu.yield
        }) : () -> ()
        "tpu.region"() ({
          %run_scoped3A = tpu.sem_alloc : memref<!tpu.dma_semaphore, #tpu.memory_space<semaphore_mem>>
          %dma_start3A = arith.constant 0 : i32
          %dma_start3A_195 = tpu.memref_slice %arg7[%dma_start3A] : memref<128xf32, #tpu.memory_space<vmem>> -> memref<112xf32, #tpu.memory_space<vmem>>
          %dma_start3A_196 = tpu.memref_slice %arg3[%multiple_of3A] : memref<50000xf32, #tpu.memory_space<hbm>> -> memref<112xf32, #tpu.memory_space<hbm>>
          %dma_start3A_197 = arith.constant 0 : i32
          %dma_start3A_198 = tpu.memref_slice %arg7[%dma_start3A_197] : memref<128xf32, #tpu.memory_space<vmem>> -> memref<112xf32, #tpu.memory_space<vmem>>
          %dma_start3A_199 = tpu.memref_slice %arg3[%multiple_of3A] : memref<50000xf32, #tpu.memory_space<hbm>> -> memref<112xf32, #tpu.memory_space<hbm>>
          tpu.enqueue_dma source(%dma_start3A_199 : memref<112xf32, #tpu.memory_space<hbm>>) target(%dma_start3A_198 : memref<112xf32, #tpu.memory_space<vmem>>) target_semaphore(%run_scoped3A : memref<!tpu.dma_semaphore, #tpu.memory_space<semaphore_mem>>)
          %dma_wait3A = arith.constant 0 : i32
          %dma_wait3A_200 = tpu.memref_slice %arg7[%dma_wait3A] : memref<128xf32, #tpu.memory_space<vmem>> -> memref<112xf32, #tpu.memory_space<vmem>>
          %dma_wait3A_201 = tpu.memref_slice %arg3[%multiple_of3A] : memref<50000xf32, #tpu.memory_space<hbm>> -> memref<112xf32, #tpu.memory_space<hbm>>
          %dma_wait3A_202 = arith.constant 0 : i32
          %dma_wait3A_203 = tpu.memref_slice %arg7[%dma_wait3A_202] : memref<128xf32, #tpu.memory_space<vmem>> -> memref<112xf32, #tpu.memory_space<vmem>>
          %dma_wait3A_204 = tpu.memref_slice %arg3[%multiple_of3A] : memref<50000xf32, #tpu.memory_space<hbm>> -> memref<112xf32, #tpu.memory_space<hbm>>
          tpu.wait_dma2 semaphore(%run_scoped3A : memref<!tpu.dma_semaphore, #tpu.memory_space<semaphore_mem>>) src(%dma_wait3A_204 : memref<112xf32, #tpu.memory_space<hbm>>) dst(%dma_wait3A_203 : memref<112xf32, #tpu.memory_space<vmem>>)
          tpu.yield
        }) : () -> ()
        %mul3A_186 = arith.constant 112 : i32
        %mul3A_187 = arith.muli %while3A_165, %mul3A_186 : i32
        %add3A_188 = arith.addi %shift_left3A_22, %mul3A_187 : i32
        %max3A = arith.maxsi %add3A_188, %squeeze3A : i32
        %scan3A_189 = arith.constant 0 : i32
        %scan3A_190 = arith.constant 112 : i32
        %scan3A_191 = arith.addi %scan3A_189, %scan3A_190 : i32
        %scan3A_192 = arith.constant 8 : i32
        %scan3A_193:16 = scf.for %scan3A_195 = %scan3A_189 to %scan3A_191 step %scan3A_192 iter_args(%scan3A_196 = %while3A_166, %scan3A_197 = %while3A_167, %scan3A_198 = %while3A_168, %scan3A_199 = %while3A_169, %scan3A_200 = %while3A_170, %scan3A_201 = %while3A_171, %scan3A_202 = %while3A_172, %scan3A_203 = %while3A_173, %scan3A_204 = %while3A_174, %scan3A_205 = %while3A_175, %scan3A_206 = %while3A_176, %scan3A_207 = %while3A_177, %scan3A_208 = %while3A_178, %scan3A_209 = %while3A_179, %scan3A_210 = %while3A_180, %scan3A_211 = %while3A_181) -> (vector<16xf32>, vector<16xf32>, vector<16xf32>, vector<16xf32>, vector<16xf32>, vector<16xf32>, vector<16xf32>, vector<16xf32>, vector<16xf32>, vector<16xf32>, vector<16xf32>, vector<16xf32>, vector<16xf32>, vector<16xf32>, vector<16xf32>, vector<16xf32>)  : i32 {
          %add3A_212 = arith.addi %multiple_of3A, %scan3A_195 : i32
          %ge3A = arith.cmpi sge, %add3A_212, %max3A : i32
          %lt3A = arith.cmpi slt, %add3A_212, %squeeze3A_20 : i32
          %and3A_213 = arith.andi %ge3A, %lt3A : i1
          %get3A_214 = arith.index_cast %scan3A_195 : i32 to index
          %get3A_215 = tpu.vector_load %arg7[%get3A_214] {strides = array<i32>} : memref<128xf32, #tpu.memory_space<vmem>>, vector<16xf32>,
          %get3A_216 = vector.shape_cast %get3A_215 : vector<16xf32> to vector<16xf32>
          %slice3A_217 = vector.extract_strided_slice %get3A_216 {offsets = [0], sizes = [1], strides = [1]} : vector<16xf32> to vector<1xf32>
          %squeeze3A_218 = vector.extract %slice3A_217[0] : f32 from vector<1xf32>
          %jit3A_219 = arith.constant 0.000000e+00 : f32
          %select_n3A_220 = arith.select %and3A_213, %squeeze3A_218, %jit3A_219 : f32
          %get3A_221 = arith.index_cast %scan3A_195 : i32 to index
          %get3A_222 = arith.constant 0 : index
          %get3A_223 = tpu.vector_load %arg6[%get3A_221, %get3A_222] {strides = array<i32>} : memref<112x256xf32, #tpu.memory_space<vmem>>, vector<1x16xf32>,
          %get3A_224 = vector.shape_cast %get3A_223 : vector<1x16xf32> to vector<16xf32>
          %mul3A_225 = vector.broadcast %select_n3A_220 : f32 to vector<16xf32>
          %mul3A_226 = arith.mulf %get3A_224, %mul3A_225 : vector<16xf32>
          %add3A_227 = arith.addf %scan3A_196, %mul3A_226 : vector<16xf32>
          %get3A_228 = arith.index_cast %scan3A_195 : i32 to index
          %get3A_229 = arith.constant 16 : index
          %get3A_230 = tpu.vector_load %arg6[%get3A_228, %get3A_229] {strides = array<i32>} : memref<112x256xf32, #tpu.memory_space<vmem>>, vector<1x16xf32>,
          %get3A_231 = vector.shape_cast %get3A_230 : vector<1x16xf32> to vector<16xf32>
          %mul3A_232 = vector.broadcast %select_n3A_220 : f32 to vector<16xf32>
          %mul3A_233 = arith.mulf %get3A_231, %mul3A_232 : vector<16xf32>
          %add3A_234 = arith.addf %scan3A_197, %mul3A_233 : vector<16xf32>
          %get3A_235 = arith.index_cast %scan3A_195 : i32 to index
          %get3A_236 = arith.constant 32 : index
          %get3A_237 = tpu.vector_load %arg6[%get3A_235, %get3A_236] {strides = array<i32>} : memref<112x256xf32, #tpu.memory_space<vmem>>, vector<1x16xf32>,
          %get3A_238 = vector.shape_cast %get3A_237 : vector<1x16xf32> to vector<16xf32>
          %mul3A_239 = vector.broadcast %select_n3A_220 : f32 to vector<16xf32>
          %mul3A_240 = arith.mulf %get3A_238, %mul3A_239 : vector<16xf32>
          %add3A_241 = arith.addf %scan3A_198, %mul3A_240 : vector<16xf32>
          %get3A_242 = arith.index_cast %scan3A_195 : i32 to index
          %get3A_243 = arith.constant 48 : index
          %get3A_244 = tpu.vector_load %arg6[%get3A_242, %get3A_243] {strides = array<i32>} : memref<112x256xf32, #tpu.memory_space<vmem>>, vector<1x16xf32>,
          %get3A_245 = vector.shape_cast %get3A_244 : vector<1x16xf32> to vector<16xf32>
          %mul3A_246 = vector.broadcast %select_n3A_220 : f32 to vector<16xf32>
          %mul3A_247 = arith.mulf %get3A_245, %mul3A_246 : vector<16xf32>
          %add3A_248 = arith.addf %scan3A_199, %mul3A_247 : vector<16xf32>
          %get3A_249 = arith.index_cast %scan3A_195 : i32 to index
          %get3A_250 = arith.constant 64 : index
          %get3A_251 = tpu.vector_load %arg6[%get3A_249, %get3A_250] {strides = array<i32>} : memref<112x256xf32, #tpu.memory_space<vmem>>, vector<1x16xf32>,
          %get3A_252 = vector.shape_cast %get3A_251 : vector<1x16xf32> to vector<16xf32>
          %mul3A_253 = vector.broadcast %select_n3A_220 : f32 to vector<16xf32>
          %mul3A_254 = arith.mulf %get3A_252, %mul3A_253 : vector<16xf32>
          %add3A_255 = arith.addf %scan3A_200, %mul3A_254 : vector<16xf32>
          %get3A_256 = arith.index_cast %scan3A_195 : i32 to index
          %get3A_257 = arith.constant 80 : index
          %get3A_258 = tpu.vector_load %arg6[%get3A_256, %get3A_257] {strides = array<i32>} : memref<112x256xf32, #tpu.memory_space<vmem>>, vector<1x16xf32>,
          %get3A_259 = vector.shape_cast %get3A_258 : vector<1x16xf32> to vector<16xf32>
          %mul3A_260 = vector.broadcast %select_n3A_220 : f32 to vector<16xf32>
          %mul3A_261 = arith.mulf %get3A_259, %mul3A_260 : vector<16xf32>
          %add3A_262 = arith.addf %scan3A_201, %mul3A_261 : vector<16xf32>
          %get3A_263 = arith.index_cast %scan3A_195 : i32 to index
          %get3A_264 = arith.constant 96 : index
          %get3A_265 = tpu.vector_load %arg6[%get3A_263, %get3A_264] {strides = array<i32>} : memref<112x256xf32, #tpu.memory_space<vmem>>, vector<1x16xf32>,
          %get3A_266 = vector.shape_cast %get3A_265 : vector<1x16xf32> to vector<16xf32>
          %mul3A_267 = vector.broadcast %select_n3A_220 : f32 to vector<16xf32>
          %mul3A_268 = arith.mulf %get3A_266, %mul3A_267 : vector<16xf32>
          %add3A_269 = arith.addf %scan3A_202, %mul3A_268 : vector<16xf32>
          %get3A_270 = arith.index_cast %scan3A_195 : i32 to index
          %get3A_271 = arith.constant 112 : index
          %get3A_272 = tpu.vector_load %arg6[%get3A_270, %get3A_271] {strides = array<i32>} : memref<112x256xf32, #tpu.memory_space<vmem>>, vector<1x16xf32>,
          %get3A_273 = vector.shape_cast %get3A_272 : vector<1x16xf32> to vector<16xf32>
          %mul3A_274 = vector.broadcast %select_n3A_220 : f32 to vector<16xf32>
          %mul3A_275 = arith.mulf %get3A_273, %mul3A_274 : vector<16xf32>
          %add3A_276 = arith.addf %scan3A_203, %mul3A_275 : vector<16xf32>
          %get3A_277 = arith.index_cast %scan3A_195 : i32 to index
          %get3A_278 = arith.constant 128 : index
          %get3A_279 = tpu.vector_load %arg6[%get3A_277, %get3A_278] {strides = array<i32>} : memref<112x256xf32, #tpu.memory_space<vmem>>, vector<1x16xf32>,
          %get3A_280 = vector.shape_cast %get3A_279 : vector<1x16xf32> to vector<16xf32>
          %mul3A_281 = vector.broadcast %select_n3A_220 : f32 to vector<16xf32>
          %mul3A_282 = arith.mulf %get3A_280, %mul3A_281 : vector<16xf32>
          %add3A_283 = arith.addf %scan3A_204, %mul3A_282 : vector<16xf32>
          %get3A_284 = arith.index_cast %scan3A_195 : i32 to index
          %get3A_285 = arith.constant 144 : index
          %get3A_286 = tpu.vector_load %arg6[%get3A_284, %get3A_285] {strides = array<i32>} : memref<112x256xf32, #tpu.memory_space<vmem>>, vector<1x16xf32>,
          %get3A_287 = vector.shape_cast %get3A_286 : vector<1x16xf32> to vector<16xf32>
          %mul3A_288 = vector.broadcast %select_n3A_220 : f32 to vector<16xf32>
          %mul3A_289 = arith.mulf %get3A_287, %mul3A_288 : vector<16xf32>
          %add3A_290 = arith.addf %scan3A_205, %mul3A_289 : vector<16xf32>
          %get3A_291 = arith.index_cast %scan3A_195 : i32 to index
          %get3A_292 = arith.constant 160 : index
          %get3A_293 = tpu.vector_load %arg6[%get3A_291, %get3A_292] {strides = array<i32>} : memref<112x256xf32, #tpu.memory_space<vmem>>, vector<1x16xf32>,
          %get3A_294 = vector.shape_cast %get3A_293 : vector<1x16xf32> to vector<16xf32>
          %mul3A_295 = vector.broadcast %select_n3A_220 : f32 to vector<16xf32>
          %mul3A_296 = arith.mulf %get3A_294, %mul3A_295 : vector<16xf32>
          %add3A_297 = arith.addf %scan3A_206, %mul3A_296 : vector<16xf32>
          %get3A_298 = arith.index_cast %scan3A_195 : i32 to index
          %get3A_299 = arith.constant 176 : index
          %get3A_300 = tpu.vector_load %arg6[%get3A_298, %get3A_299] {strides = array<i32>} : memref<112x256xf32, #tpu.memory_space<vmem>>, vector<1x16xf32>,
          %get3A_301 = vector.shape_cast %get3A_300 : vector<1x16xf32> to vector<16xf32>
          %mul3A_302 = vector.broadcast %select_n3A_220 : f32 to vector<16xf32>
          %mul3A_303 = arith.mulf %get3A_301, %mul3A_302 : vector<16xf32>
          %add3A_304 = arith.addf %scan3A_207, %mul3A_303 : vector<16xf32>
          %get3A_305 = arith.index_cast %scan3A_195 : i32 to index
          %get3A_306 = arith.constant 192 : index
          %get3A_307 = tpu.vector_load %arg6[%get3A_305, %get3A_306] {strides = array<i32>} : memref<112x256xf32, #tpu.memory_space<vmem>>, vector<1x16xf32>,
          %get3A_308 = vector.shape_cast %get3A_307 : vector<1x16xf32> to vector<16xf32>
          %mul3A_309 = vector.broadcast %select_n3A_220 : f32 to vector<16xf32>
          %mul3A_310 = arith.mulf %get3A_308, %mul3A_309 : vector<16xf32>
          %add3A_311 = arith.addf %scan3A_208, %mul3A_310 : vector<16xf32>
          %get3A_312 = arith.index_cast %scan3A_195 : i32 to index
          %get3A_313 = arith.constant 208 : index
          %get3A_314 = tpu.vector_load %arg6[%get3A_312, %get3A_313] {strides = array<i32>} : memref<112x256xf32, #tpu.memory_space<vmem>>, vector<1x16xf32>,
          %get3A_315 = vector.shape_cast %get3A_314 : vector<1x16xf32> to vector<16xf32>
          %mul3A_316 = vector.broadcast %select_n3A_220 : f32 to vector<16xf32>
          %mul3A_317 = arith.mulf %get3A_315, %mul3A_316 : vector<16xf32>
          %add3A_318 = arith.addf %scan3A_209, %mul3A_317 : vector<16xf32>
          %get3A_319 = arith.index_cast %scan3A_195 : i32 to index
          %get3A_320 = arith.constant 224 : index
          %get3A_321 = tpu.vector_load %arg6[%get3A_319, %get3A_320] {strides = array<i32>} : memref<112x256xf32, #tpu.memory_space<vmem>>, vector<1x16xf32>,
          %get3A_322 = vector.shape_cast %get3A_321 : vector<1x16xf32> to vector<16xf32>
          %mul3A_323 = vector.broadcast %select_n3A_220 : f32 to vector<16xf32>
          %mul3A_324 = arith.mulf %get3A_322, %mul3A_323 : vector<16xf32>
          %add3A_325 = arith.addf %scan3A_210, %mul3A_324 : vector<16xf32>
          %get3A_326 = arith.index_cast %scan3A_195 : i32 to index
          %get3A_327 = arith.constant 240 : index
          %get3A_328 = tpu.vector_load %arg6[%get3A_326, %get3A_327] {strides = array<i32>} : memref<112x256xf32, #tpu.memory_space<vmem>>, vector<1x16xf32>,
          %get3A_329 = vector.shape_cast %get3A_328 : vector<1x16xf32> to vector<16xf32>
          %mul3A_330 = vector.broadcast %select_n3A_220 : f32 to vector<16xf32>
          %mul3A_331 = arith.mulf %get3A_329, %mul3A_330 : vector<16xf32>
          %add3A_332 = arith.addf %scan3A_211, %mul3A_331 : vector<16xf32>
          %scan3A_333 = arith.constant 1 : i32
          %scan3A_334 = arith.addi %scan3A_195, %scan3A_333 : i32
          %add3A_335 = arith.addi %multiple_of3A, %scan3A_334 : i32
          %ge3A_336 = arith.cmpi sge, %add3A_335, %max3A : i32
          %lt3A_337 = arith.cmpi slt, %add3A_335, %squeeze3A_20 : i32
          %and3A_338 = arith.andi %ge3A_336, %lt3A_337 : i1
          %get3A_339 = arith.index_cast %scan3A_334 : i32 to index
          %get3A_340 = tpu.vector_load %arg7[%get3A_339] {strides = array<i32>} : memref<128xf32, #tpu.memory_space<vmem>>, vector<16xf32>,
          %get3A_341 = vector.shape_cast %get3A_340 : vector<16xf32> to vector<16xf32>
          %slice3A_342 = vector.extract_strided_slice %get3A_341 {offsets = [0], sizes = [1], strides = [1]} : vector<16xf32> to vector<1xf32>
          %squeeze3A_343 = vector.extract %slice3A_342[0] : f32 from vector<1xf32>
          %jit3A_344 = arith.constant 0.000000e+00 : f32
          %select_n3A_345 = arith.select %and3A_338, %squeeze3A_343, %jit3A_344 : f32
          %get3A_346 = arith.index_cast %scan3A_334 : i32 to index
          %get3A_347 = arith.constant 0 : index
          %get3A_348 = tpu.vector_load %arg6[%get3A_346, %get3A_347] {strides = array<i32>} : memref<112x256xf32, #tpu.memory_space<vmem>>, vector<1x16xf32>,
          %get3A_349 = vector.shape_cast %get3A_348 : vector<1x16xf32> to vector<16xf32>
          %mul3A_350 = vector.broadcast %select_n3A_345 : f32 to vector<16xf32>
          %mul3A_351 = arith.mulf %get3A_349, %mul3A_350 : vector<16xf32>
          %add3A_352 = arith.addf %add3A_227, %mul3A_351 : vector<16xf32>
          %get3A_353 = arith.index_cast %scan3A_334 : i32 to index
          %get3A_354 = arith.constant 16 : index
          %get3A_355 = tpu.vector_load %arg6[%get3A_353, %get3A_354] {strides = array<i32>} : memref<112x256xf32, #tpu.memory_space<vmem>>, vector<1x16xf32>,
          %get3A_356 = vector.shape_cast %get3A_355 : vector<1x16xf32> to vector<16xf32>
          %mul3A_357 = vector.broadcast %select_n3A_345 : f32 to vector<16xf32>
          %mul3A_358 = arith.mulf %get3A_356, %mul3A_357 : vector<16xf32>
          %add3A_359 = arith.addf %add3A_234, %mul3A_358 : vector<16xf32>
          %get3A_360 = arith.index_cast %scan3A_334 : i32 to index
          %get3A_361 = arith.constant 32 : index
          %get3A_362 = tpu.vector_load %arg6[%get3A_360, %get3A_361] {strides = array<i32>} : memref<112x256xf32, #tpu.memory_space<vmem>>, vector<1x16xf32>,
          %get3A_363 = vector.shape_cast %get3A_362 : vector<1x16xf32> to vector<16xf32>
          %mul3A_364 = vector.broadcast %select_n3A_345 : f32 to vector<16xf32>
          %mul3A_365 = arith.mulf %get3A_363, %mul3A_364 : vector<16xf32>
          %add3A_366 = arith.addf %add3A_241, %mul3A_365 : vector<16xf32>
          %get3A_367 = arith.index_cast %scan3A_334 : i32 to index
          %get3A_368 = arith.constant 48 : index
          %get3A_369 = tpu.vector_load %arg6[%get3A_367, %get3A_368] {strides = array<i32>} : memref<112x256xf32, #tpu.memory_space<vmem>>, vector<1x16xf32>,
          %get3A_370 = vector.shape_cast %get3A_369 : vector<1x16xf32> to vector<16xf32>
          %mul3A_371 = vector.broadcast %select_n3A_345 : f32 to vector<16xf32>
          %mul3A_372 = arith.mulf %get3A_370, %mul3A_371 : vector<16xf32>
          %add3A_373 = arith.addf %add3A_248, %mul3A_372 : vector<16xf32>
          %get3A_374 = arith.index_cast %scan3A_334 : i32 to index
          %get3A_375 = arith.constant 64 : index
          %get3A_376 = tpu.vector_load %arg6[%get3A_374, %get3A_375] {strides = array<i32>} : memref<112x256xf32, #tpu.memory_space<vmem>>, vector<1x16xf32>,
          %get3A_377 = vector.shape_cast %get3A_376 : vector<1x16xf32> to vector<16xf32>
          %mul3A_378 = vector.broadcast %select_n3A_345 : f32 to vector<16xf32>
          %mul3A_379 = arith.mulf %get3A_377, %mul3A_378 : vector<16xf32>
          %add3A_380 = arith.addf %add3A_255, %mul3A_379 : vector<16xf32>
          %get3A_381 = arith.index_cast %scan3A_334 : i32 to index
          %get3A_382 = arith.constant 80 : index
          %get3A_383 = tpu.vector_load %arg6[%get3A_381, %get3A_382] {strides = array<i32>} : memref<112x256xf32, #tpu.memory_space<vmem>>, vector<1x16xf32>,
          %get3A_384 = vector.shape_cast %get3A_383 : vector<1x16xf32> to vector<16xf32>
          %mul3A_385 = vector.broadcast %select_n3A_345 : f32 to vector<16xf32>
          %mul3A_386 = arith.mulf %get3A_384, %mul3A_385 : vector<16xf32>
          %add3A_387 = arith.addf %add3A_262, %mul3A_386 : vector<16xf32>
          %get3A_388 = arith.index_cast %scan3A_334 : i32 to index
          %get3A_389 = arith.constant 96 : index
          %get3A_390 = tpu.vector_load %arg6[%get3A_388, %get3A_389] {strides = array<i32>} : memref<112x256xf32, #tpu.memory_space<vmem>>, vector<1x16xf32>,
          %get3A_391 = vector.shape_cast %get3A_390 : vector<1x16xf32> to vector<16xf32>
          %mul3A_392 = vector.broadcast %select_n3A_345 : f32 to vector<16xf32>
          %mul3A_393 = arith.mulf %get3A_391, %mul3A_392 : vector<16xf32>
          %add3A_394 = arith.addf %add3A_269, %mul3A_393 : vector<16xf32>
          %get3A_395 = arith.index_cast %scan3A_334 : i32 to index
          %get3A_396 = arith.constant 112 : index
          %get3A_397 = tpu.vector_load %arg6[%get3A_395, %get3A_396] {strides = array<i32>} : memref<112x256xf32, #tpu.memory_space<vmem>>, vector<1x16xf32>,
          %get3A_398 = vector.shape_cast %get3A_397 : vector<1x16xf32> to vector<16xf32>
          %mul3A_399 = vector.broadcast %select_n3A_345 : f32 to vector<16xf32>
          %mul3A_400 = arith.mulf %get3A_398, %mul3A_399 : vector<16xf32>
          %add3A_401 = arith.addf %add3A_276, %mul3A_400 : vector<16xf32>
          %get3A_402 = arith.index_cast %scan3A_334 : i32 to index
          %get3A_403 = arith.constant 128 : index
          %get3A_404 = tpu.vector_load %arg6[%get3A_402, %get3A_403] {strides = array<i32>} : memref<112x256xf32, #tpu.memory_space<vmem>>, vector<1x16xf32>,
          %get3A_405 = vector.shape_cast %get3A_404 : vector<1x16xf32> to vector<16xf32>
          %mul3A_406 = vector.broadcast %select_n3A_345 : f32 to vector<16xf32>
          %mul3A_407 = arith.mulf %get3A_405, %mul3A_406 : vector<16xf32>
          %add3A_408 = arith.addf %add3A_283, %mul3A_407 : vector<16xf32>
          %get3A_409 = arith.index_cast %scan3A_334 : i32 to index
          %get3A_410 = arith.constant 144 : index
          %get3A_411 = tpu.vector_load %arg6[%get3A_409, %get3A_410] {strides = array<i32>} : memref<112x256xf32, #tpu.memory_space<vmem>>, vector<1x16xf32>,
          %get3A_412 = vector.shape_cast %get3A_411 : vector<1x16xf32> to vector<16xf32>
          %mul3A_413 = vector.broadcast %select_n3A_345 : f32 to vector<16xf32>
          %mul3A_414 = arith.mulf %get3A_412, %mul3A_413 : vector<16xf32>
          %add3A_415 = arith.addf %add3A_290, %mul3A_414 : vector<16xf32>
          %get3A_416 = arith.index_cast %scan3A_334 : i32 to index
          %get3A_417 = arith.constant 160 : index
          %get3A_418 = tpu.vector_load %arg6[%get3A_416, %get3A_417] {strides = array<i32>} : memref<112x256xf32, #tpu.memory_space<vmem>>, vector<1x16xf32>,
          %get3A_419 = vector.shape_cast %get3A_418 : vector<1x16xf32> to vector<16xf32>
          %mul3A_420 = vector.broadcast %select_n3A_345 : f32 to vector<16xf32>
          %mul3A_421 = arith.mulf %get3A_419, %mul3A_420 : vector<16xf32>
          %add3A_422 = arith.addf %add3A_297, %mul3A_421 : vector<16xf32>
          %get3A_423 = arith.index_cast %scan3A_334 : i32 to index
          %get3A_424 = arith.constant 176 : index
          %get3A_425 = tpu.vector_load %arg6[%get3A_423, %get3A_424] {strides = array<i32>} : memref<112x256xf32, #tpu.memory_space<vmem>>, vector<1x16xf32>,
          %get3A_426 = vector.shape_cast %get3A_425 : vector<1x16xf32> to vector<16xf32>
          %mul3A_427 = vector.broadcast %select_n3A_345 : f32 to vector<16xf32>
          %mul3A_428 = arith.mulf %get3A_426, %mul3A_427 : vector<16xf32>
          %add3A_429 = arith.addf %add3A_304, %mul3A_428 : vector<16xf32>
          %get3A_430 = arith.index_cast %scan3A_334 : i32 to index
          %get3A_431 = arith.constant 192 : index
          %get3A_432 = tpu.vector_load %arg6[%get3A_430, %get3A_431] {strides = array<i32>} : memref<112x256xf32, #tpu.memory_space<vmem>>, vector<1x16xf32>,
          %get3A_433 = vector.shape_cast %get3A_432 : vector<1x16xf32> to vector<16xf32>
          %mul3A_434 = vector.broadcast %select_n3A_345 : f32 to vector<16xf32>
          %mul3A_435 = arith.mulf %get3A_433, %mul3A_434 : vector<16xf32>
          %add3A_436 = arith.addf %add3A_311, %mul3A_435 : vector<16xf32>
          %get3A_437 = arith.index_cast %scan3A_334 : i32 to index
          %get3A_438 = arith.constant 208 : index
          %get3A_439 = tpu.vector_load %arg6[%get3A_437, %get3A_438] {strides = array<i32>} : memref<112x256xf32, #tpu.memory_space<vmem>>, vector<1x16xf32>,
          %get3A_440 = vector.shape_cast %get3A_439 : vector<1x16xf32> to vector<16xf32>
          %mul3A_441 = vector.broadcast %select_n3A_345 : f32 to vector<16xf32>
          %mul3A_442 = arith.mulf %get3A_440, %mul3A_441 : vector<16xf32>
          %add3A_443 = arith.addf %add3A_318, %mul3A_442 : vector<16xf32>
          %get3A_444 = arith.index_cast %scan3A_334 : i32 to index
          %get3A_445 = arith.constant 224 : index
          %get3A_446 = tpu.vector_load %arg6[%get3A_444, %get3A_445] {strides = array<i32>} : memref<112x256xf32, #tpu.memory_space<vmem>>, vector<1x16xf32>,
          %get3A_447 = vector.shape_cast %get3A_446 : vector<1x16xf32> to vector<16xf32>
          %mul3A_448 = vector.broadcast %select_n3A_345 : f32 to vector<16xf32>
          %mul3A_449 = arith.mulf %get3A_447, %mul3A_448 : vector<16xf32>
          %add3A_450 = arith.addf %add3A_325, %mul3A_449 : vector<16xf32>
          %get3A_451 = arith.index_cast %scan3A_334 : i32 to index
          %get3A_452 = arith.constant 240 : index
          %get3A_453 = tpu.vector_load %arg6[%get3A_451, %get3A_452] {strides = array<i32>} : memref<112x256xf32, #tpu.memory_space<vmem>>, vector<1x16xf32>,
          %get3A_454 = vector.shape_cast %get3A_453 : vector<1x16xf32> to vector<16xf32>
          %mul3A_455 = vector.broadcast %select_n3A_345 : f32 to vector<16xf32>
          %mul3A_456 = arith.mulf %get3A_454, %mul3A_455 : vector<16xf32>
          %add3A_457 = arith.addf %add3A_332, %mul3A_456 : vector<16xf32>
          %scan3A_458 = arith.constant 2 : i32
          %scan3A_459 = arith.addi %scan3A_195, %scan3A_458 : i32
          %add3A_460 = arith.addi %multiple_of3A, %scan3A_459 : i32
          %ge3A_461 = arith.cmpi sge, %add3A_460, %max3A : i32
          %lt3A_462 = arith.cmpi slt, %add3A_460, %squeeze3A_20 : i32
          %and3A_463 = arith.andi %ge3A_461, %lt3A_462 : i1
          %get3A_464 = arith.index_cast %scan3A_459 : i32 to index
          %get3A_465 = tpu.vector_load %arg7[%get3A_464] {strides = array<i32>} : memref<128xf32, #tpu.memory_space<vmem>>, vector<16xf32>,
          %get3A_466 = vector.shape_cast %get3A_465 : vector<16xf32> to vector<16xf32>
          %slice3A_467 = vector.extract_strided_slice %get3A_466 {offsets = [0], sizes = [1], strides = [1]} : vector<16xf32> to vector<1xf32>
          %squeeze3A_468 = vector.extract %slice3A_467[0] : f32 from vector<1xf32>
          %jit3A_469 = arith.constant 0.000000e+00 : f32
          %select_n3A_470 = arith.select %and3A_463, %squeeze3A_468, %jit3A_469 : f32
          %get3A_471 = arith.index_cast %scan3A_459 : i32 to index
          %get3A_472 = arith.constant 0 : index
          %get3A_473 = tpu.vector_load %arg6[%get3A_471, %get3A_472] {strides = array<i32>} : memref<112x256xf32, #tpu.memory_space<vmem>>, vector<1x16xf32>,
          %get3A_474 = vector.shape_cast %get3A_473 : vector<1x16xf32> to vector<16xf32>
          %mul3A_475 = vector.broadcast %select_n3A_470 : f32 to vector<16xf32>
          %mul3A_476 = arith.mulf %get3A_474, %mul3A_475 : vector<16xf32>
          %add3A_477 = arith.addf %add3A_352, %mul3A_476 : vector<16xf32>
          %get3A_478 = arith.index_cast %scan3A_459 : i32 to index
          %get3A_479 = arith.constant 16 : index
          %get3A_480 = tpu.vector_load %arg6[%get3A_478, %get3A_479] {strides = array<i32>} : memref<112x256xf32, #tpu.memory_space<vmem>>, vector<1x16xf32>,
          %get3A_481 = vector.shape_cast %get3A_480 : vector<1x16xf32> to vector<16xf32>
          %mul3A_482 = vector.broadcast %select_n3A_470 : f32 to vector<16xf32>
          %mul3A_483 = arith.mulf %get3A_481, %mul3A_482 : vector<16xf32>
          %add3A_484 = arith.addf %add3A_359, %mul3A_483 : vector<16xf32>
          %get3A_485 = arith.index_cast %scan3A_459 : i32 to index
          %get3A_486 = arith.constant 32 : index
          %get3A_487 = tpu.vector_load %arg6[%get3A_485, %get3A_486] {strides = array<i32>} : memref<112x256xf32, #tpu.memory_space<vmem>>, vector<1x16xf32>,
          %get3A_488 = vector.shape_cast %get3A_487 : vector<1x16xf32> to vector<16xf32>
          %mul3A_489 = vector.broadcast %select_n3A_470 : f32 to vector<16xf32>
          %mul3A_490 = arith.mulf %get3A_488, %mul3A_489 : vector<16xf32>
          %add3A_491 = arith.addf %add3A_366, %mul3A_490 : vector<16xf32>
          %get3A_492 = arith.index_cast %scan3A_459 : i32 to index
          %get3A_493 = arith.constant 48 : index
          %get3A_494 = tpu.vector_load %arg6[%get3A_492, %get3A_493] {strides = array<i32>} : memref<112x256xf32, #tpu.memory_space<vmem>>, vector<1x16xf32>,
          %get3A_495 = vector.shape_cast %get3A_494 : vector<1x16xf32> to vector<16xf32>
          %mul3A_496 = vector.broadcast %select_n3A_470 : f32 to vector<16xf32>
          %mul3A_497 = arith.mulf %get3A_495, %mul3A_496 : vector<16xf32>
          %add3A_498 = arith.addf %add3A_373, %mul3A_497 : vector<16xf32>
          %get3A_499 = arith.index_cast %scan3A_459 : i32 to index
          %get3A_500 = arith.constant 64 : index
          %get3A_501 = tpu.vector_load %arg6[%get3A_499, %get3A_500] {strides = array<i32>} : memref<112x256xf32, #tpu.memory_space<vmem>>, vector<1x16xf32>,
          %get3A_502 = vector.shape_cast %get3A_501 : vector<1x16xf32> to vector<16xf32>
          %mul3A_503 = vector.broadcast %select_n3A_470 : f32 to vector<16xf32>
          %mul3A_504 = arith.mulf %get3A_502, %mul3A_503 : vector<16xf32>
          %add3A_505 = arith.addf %add3A_380, %mul3A_504 : vector<16xf32>
          %get3A_506 = arith.index_cast %scan3A_459 : i32 to index
          %get3A_507 = arith.constant 80 : index
          %get3A_508 = tpu.vector_load %arg6[%get3A_506, %get3A_507] {strides = array<i32>} : memref<112x256xf32, #tpu.memory_space<vmem>>, vector<1x16xf32>,
          %get3A_509 = vector.shape_cast %get3A_508 : vector<1x16xf32> to vector<16xf32>
          %mul3A_510 = vector.broadcast %select_n3A_470 : f32 to vector<16xf32>
          %mul3A_511 = arith.mulf %get3A_509, %mul3A_510 : vector<16xf32>
          %add3A_512 = arith.addf %add3A_387, %mul3A_511 : vector<16xf32>
          %get3A_513 = arith.index_cast %scan3A_459 : i32 to index
          %get3A_514 = arith.constant 96 : index
          %get3A_515 = tpu.vector_load %arg6[%get3A_513, %get3A_514] {strides = array<i32>} : memref<112x256xf32, #tpu.memory_space<vmem>>, vector<1x16xf32>,
          %get3A_516 = vector.shape_cast %get3A_515 : vector<1x16xf32> to vector<16xf32>
          %mul3A_517 = vector.broadcast %select_n3A_470 : f32 to vector<16xf32>
          %mul3A_518 = arith.mulf %get3A_516, %mul3A_517 : vector<16xf32>
          %add3A_519 = arith.addf %add3A_394, %mul3A_518 : vector<16xf32>
          %get3A_520 = arith.index_cast %scan3A_459 : i32 to index
          %get3A_521 = arith.constant 112 : index
          %get3A_522 = tpu.vector_load %arg6[%get3A_520, %get3A_521] {strides = array<i32>} : memref<112x256xf32, #tpu.memory_space<vmem>>, vector<1x16xf32>,
          %get3A_523 = vector.shape_cast %get3A_522 : vector<1x16xf32> to vector<16xf32>
          %mul3A_524 = vector.broadcast %select_n3A_470 : f32 to vector<16xf32>
          %mul3A_525 = arith.mulf %get3A_523, %mul3A_524 : vector<16xf32>
          %add3A_526 = arith.addf %add3A_401, %mul3A_525 : vector<16xf32>
          %get3A_527 = arith.index_cast %scan3A_459 : i32 to index
          %get3A_528 = arith.constant 128 : index
          %get3A_529 = tpu.vector_load %arg6[%get3A_527, %get3A_528] {strides = array<i32>} : memref<112x256xf32, #tpu.memory_space<vmem>>, vector<1x16xf32>,
          %get3A_530 = vector.shape_cast %get3A_529 : vector<1x16xf32> to vector<16xf32>
          %mul3A_531 = vector.broadcast %select_n3A_470 : f32 to vector<16xf32>
          %mul3A_532 = arith.mulf %get3A_530, %mul3A_531 : vector<16xf32>
          %add3A_533 = arith.addf %add3A_408, %mul3A_532 : vector<16xf32>
          %get3A_534 = arith.index_cast %scan3A_459 : i32 to index
          %get3A_535 = arith.constant 144 : index
          %get3A_536 = tpu.vector_load %arg6[%get3A_534, %get3A_535] {strides = array<i32>} : memref<112x256xf32, #tpu.memory_space<vmem>>, vector<1x16xf32>,
          %get3A_537 = vector.shape_cast %get3A_536 : vector<1x16xf32> to vector<16xf32>
          %mul3A_538 = vector.broadcast %select_n3A_470 : f32 to vector<16xf32>
          %mul3A_539 = arith.mulf %get3A_537, %mul3A_538 : vector<16xf32>
          %add3A_540 = arith.addf %add3A_415, %mul3A_539 : vector<16xf32>
          %get3A_541 = arith.index_cast %scan3A_459 : i32 to index
          %get3A_542 = arith.constant 160 : index
          %get3A_543 = tpu.vector_load %arg6[%get3A_541, %get3A_542] {strides = array<i32>} : memref<112x256xf32, #tpu.memory_space<vmem>>, vector<1x16xf32>,
          %get3A_544 = vector.shape_cast %get3A_543 : vector<1x16xf32> to vector<16xf32>
          %mul3A_545 = vector.broadcast %select_n3A_470 : f32 to vector<16xf32>
          %mul3A_546 = arith.mulf %get3A_544, %mul3A_545 : vector<16xf32>
          %add3A_547 = arith.addf %add3A_422, %mul3A_546 : vector<16xf32>
          %get3A_548 = arith.index_cast %scan3A_459 : i32 to index
          %get3A_549 = arith.constant 176 : index
          %get3A_550 = tpu.vector_load %arg6[%get3A_548, %get3A_549] {strides = array<i32>} : memref<112x256xf32, #tpu.memory_space<vmem>>, vector<1x16xf32>,
          %get3A_551 = vector.shape_cast %get3A_550 : vector<1x16xf32> to vector<16xf32>
          %mul3A_552 = vector.broadcast %select_n3A_470 : f32 to vector<16xf32>
          %mul3A_553 = arith.mulf %get3A_551, %mul3A_552 : vector<16xf32>
          %add3A_554 = arith.addf %add3A_429, %mul3A_553 : vector<16xf32>
          %get3A_555 = arith.index_cast %scan3A_459 : i32 to index
          %get3A_556 = arith.constant 192 : index
          %get3A_557 = tpu.vector_load %arg6[%get3A_555, %get3A_556] {strides = array<i32>} : memref<112x256xf32, #tpu.memory_space<vmem>>, vector<1x16xf32>,
          %get3A_558 = vector.shape_cast %get3A_557 : vector<1x16xf32> to vector<16xf32>
          %mul3A_559 = vector.broadcast %select_n3A_470 : f32 to vector<16xf32>
          %mul3A_560 = arith.mulf %get3A_558, %mul3A_559 : vector<16xf32>
          %add3A_561 = arith.addf %add3A_436, %mul3A_560 : vector<16xf32>
          %get3A_562 = arith.index_cast %scan3A_459 : i32 to index
          %get3A_563 = arith.constant 208 : index
          %get3A_564 = tpu.vector_load %arg6[%get3A_562, %get3A_563] {strides = array<i32>} : memref<112x256xf32, #tpu.memory_space<vmem>>, vector<1x16xf32>,
          %get3A_565 = vector.shape_cast %get3A_564 : vector<1x16xf32> to vector<16xf32>
          %mul3A_566 = vector.broadcast %select_n3A_470 : f32 to vector<16xf32>
          %mul3A_567 = arith.mulf %get3A_565, %mul3A_566 : vector<16xf32>
          %add3A_568 = arith.addf %add3A_443, %mul3A_567 : vector<16xf32>
          %get3A_569 = arith.index_cast %scan3A_459 : i32 to index
          %get3A_570 = arith.constant 224 : index
          %get3A_571 = tpu.vector_load %arg6[%get3A_569, %get3A_570] {strides = array<i32>} : memref<112x256xf32, #tpu.memory_space<vmem>>, vector<1x16xf32>,
          %get3A_572 = vector.shape_cast %get3A_571 : vector<1x16xf32> to vector<16xf32>
          %mul3A_573 = vector.broadcast %select_n3A_470 : f32 to vector<16xf32>
          %mul3A_574 = arith.mulf %get3A_572, %mul3A_573 : vector<16xf32>
          %add3A_575 = arith.addf %add3A_450, %mul3A_574 : vector<16xf32>
          %get3A_576 = arith.index_cast %scan3A_459 : i32 to index
          %get3A_577 = arith.constant 240 : index
          %get3A_578 = tpu.vector_load %arg6[%get3A_576, %get3A_577] {strides = array<i32>} : memref<112x256xf32, #tpu.memory_space<vmem>>, vector<1x16xf32>,
          %get3A_579 = vector.shape_cast %get3A_578 : vector<1x16xf32> to vector<16xf32>
          %mul3A_580 = vector.broadcast %select_n3A_470 : f32 to vector<16xf32>
          %mul3A_581 = arith.mulf %get3A_579, %mul3A_580 : vector<16xf32>
          %add3A_582 = arith.addf %add3A_457, %mul3A_581 : vector<16xf32>
          %scan3A_583 = arith.constant 3 : i32
          %scan3A_584 = arith.addi %scan3A_195, %scan3A_583 : i32
          %add3A_585 = arith.addi %multiple_of3A, %scan3A_584 : i32
          %ge3A_586 = arith.cmpi sge, %add3A_585, %max3A : i32
          %lt3A_587 = arith.cmpi slt, %add3A_585, %squeeze3A_20 : i32
          %and3A_588 = arith.andi %ge3A_586, %lt3A_587 : i1
          %get3A_589 = arith.index_cast %scan3A_584 : i32 to index
          %get3A_590 = tpu.vector_load %arg7[%get3A_589] {strides = array<i32>} : memref<128xf32, #tpu.memory_space<vmem>>, vector<16xf32>,
          %get3A_591 = vector.shape_cast %get3A_590 : vector<16xf32> to vector<16xf32>
          %slice3A_592 = vector.extract_strided_slice %get3A_591 {offsets = [0], sizes = [1], strides = [1]} : vector<16xf32> to vector<1xf32>
          %squeeze3A_593 = vector.extract %slice3A_592[0] : f32 from vector<1xf32>
          %jit3A_594 = arith.constant 0.000000e+00 : f32
          %select_n3A_595 = arith.select %and3A_588, %squeeze3A_593, %jit3A_594 : f32
          %get3A_596 = arith.index_cast %scan3A_584 : i32 to index
          %get3A_597 = arith.constant 0 : index
          %get3A_598 = tpu.vector_load %arg6[%get3A_596, %get3A_597] {strides = array<i32>} : memref<112x256xf32, #tpu.memory_space<vmem>>, vector<1x16xf32>,
          %get3A_599 = vector.shape_cast %get3A_598 : vector<1x16xf32> to vector<16xf32>
          %mul3A_600 = vector.broadcast %select_n3A_595 : f32 to vector<16xf32>
          %mul3A_601 = arith.mulf %get3A_599, %mul3A_600 : vector<16xf32>
          %add3A_602 = arith.addf %add3A_477, %mul3A_601 : vector<16xf32>
          %get3A_603 = arith.index_cast %scan3A_584 : i32 to index
          %get3A_604 = arith.constant 16 : index
          %get3A_605 = tpu.vector_load %arg6[%get3A_603, %get3A_604] {strides = array<i32>} : memref<112x256xf32, #tpu.memory_space<vmem>>, vector<1x16xf32>,
          %get3A_606 = vector.shape_cast %get3A_605 : vector<1x16xf32> to vector<16xf32>
          %mul3A_607 = vector.broadcast %select_n3A_595 : f32 to vector<16xf32>
          %mul3A_608 = arith.mulf %get3A_606, %mul3A_607 : vector<16xf32>
          %add3A_609 = arith.addf %add3A_484, %mul3A_608 : vector<16xf32>
          %get3A_610 = arith.index_cast %scan3A_584 : i32 to index
          %get3A_611 = arith.constant 32 : index
          %get3A_612 = tpu.vector_load %arg6[%get3A_610, %get3A_611] {strides = array<i32>} : memref<112x256xf32, #tpu.memory_space<vmem>>, vector<1x16xf32>,
          %get3A_613 = vector.shape_cast %get3A_612 : vector<1x16xf32> to vector<16xf32>
          %mul3A_614 = vector.broadcast %select_n3A_595 : f32 to vector<16xf32>
          %mul3A_615 = arith.mulf %get3A_613, %mul3A_614 : vector<16xf32>
          %add3A_616 = arith.addf %add3A_491, %mul3A_615 : vector<16xf32>
          %get3A_617 = arith.index_cast %scan3A_584 : i32 to index
          %get3A_618 = arith.constant 48 : index
          %get3A_619 = tpu.vector_load %arg6[%get3A_617, %get3A_618] {strides = array<i32>} : memref<112x256xf32, #tpu.memory_space<vmem>>, vector<1x16xf32>,
          %get3A_620 = vector.shape_cast %get3A_619 : vector<1x16xf32> to vector<16xf32>
          %mul3A_621 = vector.broadcast %select_n3A_595 : f32 to vector<16xf32>
          %mul3A_622 = arith.mulf %get3A_620, %mul3A_621 : vector<16xf32>
          %add3A_623 = arith.addf %add3A_498, %mul3A_622 : vector<16xf32>
          %get3A_624 = arith.index_cast %scan3A_584 : i32 to index
          %get3A_625 = arith.constant 64 : index
          %get3A_626 = tpu.vector_load %arg6[%get3A_624, %get3A_625] {strides = array<i32>} : memref<112x256xf32, #tpu.memory_space<vmem>>, vector<1x16xf32>,
          %get3A_627 = vector.shape_cast %get3A_626 : vector<1x16xf32> to vector<16xf32>
          %mul3A_628 = vector.broadcast %select_n3A_595 : f32 to vector<16xf32>
          %mul3A_629 = arith.mulf %get3A_627, %mul3A_628 : vector<16xf32>
          %add3A_630 = arith.addf %add3A_505, %mul3A_629 : vector<16xf32>
          %get3A_631 = arith.index_cast %scan3A_584 : i32 to index
          %get3A_632 = arith.constant 80 : index
          %get3A_633 = tpu.vector_load %arg6[%get3A_631, %get3A_632] {strides = array<i32>} : memref<112x256xf32, #tpu.memory_space<vmem>>, vector<1x16xf32>,
          %get3A_634 = vector.shape_cast %get3A_633 : vector<1x16xf32> to vector<16xf32>
          %mul3A_635 = vector.broadcast %select_n3A_595 : f32 to vector<16xf32>
          %mul3A_636 = arith.mulf %get3A_634, %mul3A_635 : vector<16xf32>
          %add3A_637 = arith.addf %add3A_512, %mul3A_636 : vector<16xf32>
          %get3A_638 = arith.index_cast %scan3A_584 : i32 to index
          %get3A_639 = arith.constant 96 : index
          %get3A_640 = tpu.vector_load %arg6[%get3A_638, %get3A_639] {strides = array<i32>} : memref<112x256xf32, #tpu.memory_space<vmem>>, vector<1x16xf32>,
          %get3A_641 = vector.shape_cast %get3A_640 : vector<1x16xf32> to vector<16xf32>
          %mul3A_642 = vector.broadcast %select_n3A_595 : f32 to vector<16xf32>
          %mul3A_643 = arith.mulf %get3A_641, %mul3A_642 : vector<16xf32>
          %add3A_644 = arith.addf %add3A_519, %mul3A_643 : vector<16xf32>
          %get3A_645 = arith.index_cast %scan3A_584 : i32 to index
          %get3A_646 = arith.constant 112 : index
          %get3A_647 = tpu.vector_load %arg6[%get3A_645, %get3A_646] {strides = array<i32>} : memref<112x256xf32, #tpu.memory_space<vmem>>, vector<1x16xf32>,
          %get3A_648 = vector.shape_cast %get3A_647 : vector<1x16xf32> to vector<16xf32>
          %mul3A_649 = vector.broadcast %select_n3A_595 : f32 to vector<16xf32>
          %mul3A_650 = arith.mulf %get3A_648, %mul3A_649 : vector<16xf32>
          %add3A_651 = arith.addf %add3A_526, %mul3A_650 : vector<16xf32>
          %get3A_652 = arith.index_cast %scan3A_584 : i32 to index
          %get3A_653 = arith.constant 128 : index
          %get3A_654 = tpu.vector_load %arg6[%get3A_652, %get3A_653] {strides = array<i32>} : memref<112x256xf32, #tpu.memory_space<vmem>>, vector<1x16xf32>,
          %get3A_655 = vector.shape_cast %get3A_654 : vector<1x16xf32> to vector<16xf32>
          %mul3A_656 = vector.broadcast %select_n3A_595 : f32 to vector<16xf32>
          %mul3A_657 = arith.mulf %get3A_655, %mul3A_656 : vector<16xf32>
          %add3A_658 = arith.addf %add3A_533, %mul3A_657 : vector<16xf32>
          %get3A_659 = arith.index_cast %scan3A_584 : i32 to index
          %get3A_660 = arith.constant 144 : index
          %get3A_661 = tpu.vector_load %arg6[%get3A_659, %get3A_660] {strides = array<i32>} : memref<112x256xf32, #tpu.memory_space<vmem>>, vector<1x16xf32>,
          %get3A_662 = vector.shape_cast %get3A_661 : vector<1x16xf32> to vector<16xf32>
          %mul3A_663 = vector.broadcast %select_n3A_595 : f32 to vector<16xf32>
          %mul3A_664 = arith.mulf %get3A_662, %mul3A_663 : vector<16xf32>
          %add3A_665 = arith.addf %add3A_540, %mul3A_664 : vector<16xf32>
          %get3A_666 = arith.index_cast %scan3A_584 : i32 to index
          %get3A_667 = arith.constant 160 : index
          %get3A_668 = tpu.vector_load %arg6[%get3A_666, %get3A_667] {strides = array<i32>} : memref<112x256xf32, #tpu.memory_space<vmem>>, vector<1x16xf32>,
          %get3A_669 = vector.shape_cast %get3A_668 : vector<1x16xf32> to vector<16xf32>
          %mul3A_670 = vector.broadcast %select_n3A_595 : f32 to vector<16xf32>
          %mul3A_671 = arith.mulf %get3A_669, %mul3A_670 : vector<16xf32>
          %add3A_672 = arith.addf %add3A_547, %mul3A_671 : vector<16xf32>
          %get3A_673 = arith.index_cast %scan3A_584 : i32 to index
          %get3A_674 = arith.constant 176 : index
          %get3A_675 = tpu.vector_load %arg6[%get3A_673, %get3A_674] {strides = array<i32>} : memref<112x256xf32, #tpu.memory_space<vmem>>, vector<1x16xf32>,
          %get3A_676 = vector.shape_cast %get3A_675 : vector<1x16xf32> to vector<16xf32>
          %mul3A_677 = vector.broadcast %select_n3A_595 : f32 to vector<16xf32>
          %mul3A_678 = arith.mulf %get3A_676, %mul3A_677 : vector<16xf32>
          %add3A_679 = arith.addf %add3A_554, %mul3A_678 : vector<16xf32>
          %get3A_680 = arith.index_cast %scan3A_584 : i32 to index
          %get3A_681 = arith.constant 192 : index
          %get3A_682 = tpu.vector_load %arg6[%get3A_680, %get3A_681] {strides = array<i32>} : memref<112x256xf32, #tpu.memory_space<vmem>>, vector<1x16xf32>,
          %get3A_683 = vector.shape_cast %get3A_682 : vector<1x16xf32> to vector<16xf32>
          %mul3A_684 = vector.broadcast %select_n3A_595 : f32 to vector<16xf32>
          %mul3A_685 = arith.mulf %get3A_683, %mul3A_684 : vector<16xf32>
          %add3A_686 = arith.addf %add3A_561, %mul3A_685 : vector<16xf32>
          %get3A_687 = arith.index_cast %scan3A_584 : i32 to index
          %get3A_688 = arith.constant 208 : index
          %get3A_689 = tpu.vector_load %arg6[%get3A_687, %get3A_688] {strides = array<i32>} : memref<112x256xf32, #tpu.memory_space<vmem>>, vector<1x16xf32>,
          %get3A_690 = vector.shape_cast %get3A_689 : vector<1x16xf32> to vector<16xf32>
          %mul3A_691 = vector.broadcast %select_n3A_595 : f32 to vector<16xf32>
          %mul3A_692 = arith.mulf %get3A_690, %mul3A_691 : vector<16xf32>
          %add3A_693 = arith.addf %add3A_568, %mul3A_692 : vector<16xf32>
          %get3A_694 = arith.index_cast %scan3A_584 : i32 to index
          %get3A_695 = arith.constant 224 : index
          %get3A_696 = tpu.vector_load %arg6[%get3A_694, %get3A_695] {strides = array<i32>} : memref<112x256xf32, #tpu.memory_space<vmem>>, vector<1x16xf32>,
          %get3A_697 = vector.shape_cast %get3A_696 : vector<1x16xf32> to vector<16xf32>
          %mul3A_698 = vector.broadcast %select_n3A_595 : f32 to vector<16xf32>
          %mul3A_699 = arith.mulf %get3A_697, %mul3A_698 : vector<16xf32>
          %add3A_700 = arith.addf %add3A_575, %mul3A_699 : vector<16xf32>
          %get3A_701 = arith.index_cast %scan3A_584 : i32 to index
          %get3A_702 = arith.constant 240 : index
          %get3A_703 = tpu.vector_load %arg6[%get3A_701, %get3A_702] {strides = array<i32>} : memref<112x256xf32, #tpu.memory_space<vmem>>, vector<1x16xf32>,
          %get3A_704 = vector.shape_cast %get3A_703 : vector<1x16xf32> to vector<16xf32>
          %mul3A_705 = vector.broadcast %select_n3A_595 : f32 to vector<16xf32>
          %mul3A_706 = arith.mulf %get3A_704, %mul3A_705 : vector<16xf32>
          %add3A_707 = arith.addf %add3A_582, %mul3A_706 : vector<16xf32>
          %scan3A_708 = arith.constant 4 : i32
          %scan3A_709 = arith.addi %scan3A_195, %scan3A_708 : i32
          %add3A_710 = arith.addi %multiple_of3A, %scan3A_709 : i32
          %ge3A_711 = arith.cmpi sge, %add3A_710, %max3A : i32
          %lt3A_712 = arith.cmpi slt, %add3A_710, %squeeze3A_20 : i32
          %and3A_713 = arith.andi %ge3A_711, %lt3A_712 : i1
          %get3A_714 = arith.index_cast %scan3A_709 : i32 to index
          %get3A_715 = tpu.vector_load %arg7[%get3A_714] {strides = array<i32>} : memref<128xf32, #tpu.memory_space<vmem>>, vector<16xf32>,
          %get3A_716 = vector.shape_cast %get3A_715 : vector<16xf32> to vector<16xf32>
          %slice3A_717 = vector.extract_strided_slice %get3A_716 {offsets = [0], sizes = [1], strides = [1]} : vector<16xf32> to vector<1xf32>
          %squeeze3A_718 = vector.extract %slice3A_717[0] : f32 from vector<1xf32>
          %jit3A_719 = arith.constant 0.000000e+00 : f32
          %select_n3A_720 = arith.select %and3A_713, %squeeze3A_718, %jit3A_719 : f32
          %get3A_721 = arith.index_cast %scan3A_709 : i32 to index
          %get3A_722 = arith.constant 0 : index
          %get3A_723 = tpu.vector_load %arg6[%get3A_721, %get3A_722] {strides = array<i32>} : memref<112x256xf32, #tpu.memory_space<vmem>>, vector<1x16xf32>,
          %get3A_724 = vector.shape_cast %get3A_723 : vector<1x16xf32> to vector<16xf32>
          %mul3A_725 = vector.broadcast %select_n3A_720 : f32 to vector<16xf32>
          %mul3A_726 = arith.mulf %get3A_724, %mul3A_725 : vector<16xf32>
          %add3A_727 = arith.addf %add3A_602, %mul3A_726 : vector<16xf32>
          %get3A_728 = arith.index_cast %scan3A_709 : i32 to index
          %get3A_729 = arith.constant 16 : index
          %get3A_730 = tpu.vector_load %arg6[%get3A_728, %get3A_729] {strides = array<i32>} : memref<112x256xf32, #tpu.memory_space<vmem>>, vector<1x16xf32>,
          %get3A_731 = vector.shape_cast %get3A_730 : vector<1x16xf32> to vector<16xf32>
          %mul3A_732 = vector.broadcast %select_n3A_720 : f32 to vector<16xf32>
          %mul3A_733 = arith.mulf %get3A_731, %mul3A_732 : vector<16xf32>
          %add3A_734 = arith.addf %add3A_609, %mul3A_733 : vector<16xf32>
          %get3A_735 = arith.index_cast %scan3A_709 : i32 to index
          %get3A_736 = arith.constant 32 : index
          %get3A_737 = tpu.vector_load %arg6[%get3A_735, %get3A_736] {strides = array<i32>} : memref<112x256xf32, #tpu.memory_space<vmem>>, vector<1x16xf32>,
          %get3A_738 = vector.shape_cast %get3A_737 : vector<1x16xf32> to vector<16xf32>
          %mul3A_739 = vector.broadcast %select_n3A_720 : f32 to vector<16xf32>
          %mul3A_740 = arith.mulf %get3A_738, %mul3A_739 : vector<16xf32>
          %add3A_741 = arith.addf %add3A_616, %mul3A_740 : vector<16xf32>
          %get3A_742 = arith.index_cast %scan3A_709 : i32 to index
          %get3A_743 = arith.constant 48 : index
          %get3A_744 = tpu.vector_load %arg6[%get3A_742, %get3A_743] {strides = array<i32>} : memref<112x256xf32, #tpu.memory_space<vmem>>, vector<1x16xf32>,
          %get3A_745 = vector.shape_cast %get3A_744 : vector<1x16xf32> to vector<16xf32>
          %mul3A_746 = vector.broadcast %select_n3A_720 : f32 to vector<16xf32>
          %mul3A_747 = arith.mulf %get3A_745, %mul3A_746 : vector<16xf32>
          %add3A_748 = arith.addf %add3A_623, %mul3A_747 : vector<16xf32>
          %get3A_749 = arith.index_cast %scan3A_709 : i32 to index
          %get3A_750 = arith.constant 64 : index
          %get3A_751 = tpu.vector_load %arg6[%get3A_749, %get3A_750] {strides = array<i32>} : memref<112x256xf32, #tpu.memory_space<vmem>>, vector<1x16xf32>,
          %get3A_752 = vector.shape_cast %get3A_751 : vector<1x16xf32> to vector<16xf32>
          %mul3A_753 = vector.broadcast %select_n3A_720 : f32 to vector<16xf32>
          %mul3A_754 = arith.mulf %get3A_752, %mul3A_753 : vector<16xf32>
          %add3A_755 = arith.addf %add3A_630, %mul3A_754 : vector<16xf32>
          %get3A_756 = arith.index_cast %scan3A_709 : i32 to index
          %get3A_757 = arith.constant 80 : index
          %get3A_758 = tpu.vector_load %arg6[%get3A_756, %get3A_757] {strides = array<i32>} : memref<112x256xf32, #tpu.memory_space<vmem>>, vector<1x16xf32>,
          %get3A_759 = vector.shape_cast %get3A_758 : vector<1x16xf32> to vector<16xf32>
          %mul3A_760 = vector.broadcast %select_n3A_720 : f32 to vector<16xf32>
          %mul3A_761 = arith.mulf %get3A_759, %mul3A_760 : vector<16xf32>
          %add3A_762 = arith.addf %add3A_637, %mul3A_761 : vector<16xf32>
          %get3A_763 = arith.index_cast %scan3A_709 : i32 to index
          %get3A_764 = arith.constant 96 : index
          %get3A_765 = tpu.vector_load %arg6[%get3A_763, %get3A_764] {strides = array<i32>} : memref<112x256xf32, #tpu.memory_space<vmem>>, vector<1x16xf32>,
          %get3A_766 = vector.shape_cast %get3A_765 : vector<1x16xf32> to vector<16xf32>
          %mul3A_767 = vector.broadcast %select_n3A_720 : f32 to vector<16xf32>
          %mul3A_768 = arith.mulf %get3A_766, %mul3A_767 : vector<16xf32>
          %add3A_769 = arith.addf %add3A_644, %mul3A_768 : vector<16xf32>
          %get3A_770 = arith.index_cast %scan3A_709 : i32 to index
          %get3A_771 = arith.constant 112 : index
          %get3A_772 = tpu.vector_load %arg6[%get3A_770, %get3A_771] {strides = array<i32>} : memref<112x256xf32, #tpu.memory_space<vmem>>, vector<1x16xf32>,
          %get3A_773 = vector.shape_cast %get3A_772 : vector<1x16xf32> to vector<16xf32>
          %mul3A_774 = vector.broadcast %select_n3A_720 : f32 to vector<16xf32>
          %mul3A_775 = arith.mulf %get3A_773, %mul3A_774 : vector<16xf32>
          %add3A_776 = arith.addf %add3A_651, %mul3A_775 : vector<16xf32>
          %get3A_777 = arith.index_cast %scan3A_709 : i32 to index
          %get3A_778 = arith.constant 128 : index
          %get3A_779 = tpu.vector_load %arg6[%get3A_777, %get3A_778] {strides = array<i32>} : memref<112x256xf32, #tpu.memory_space<vmem>>, vector<1x16xf32>,
          %get3A_780 = vector.shape_cast %get3A_779 : vector<1x16xf32> to vector<16xf32>
          %mul3A_781 = vector.broadcast %select_n3A_720 : f32 to vector<16xf32>
          %mul3A_782 = arith.mulf %get3A_780, %mul3A_781 : vector<16xf32>
          %add3A_783 = arith.addf %add3A_658, %mul3A_782 : vector<16xf32>
          %get3A_784 = arith.index_cast %scan3A_709 : i32 to index
          %get3A_785 = arith.constant 144 : index
          %get3A_786 = tpu.vector_load %arg6[%get3A_784, %get3A_785] {strides = array<i32>} : memref<112x256xf32, #tpu.memory_space<vmem>>, vector<1x16xf32>,
          %get3A_787 = vector.shape_cast %get3A_786 : vector<1x16xf32> to vector<16xf32>
          %mul3A_788 = vector.broadcast %select_n3A_720 : f32 to vector<16xf32>
          %mul3A_789 = arith.mulf %get3A_787, %mul3A_788 : vector<16xf32>
          %add3A_790 = arith.addf %add3A_665, %mul3A_789 : vector<16xf32>
          %get3A_791 = arith.index_cast %scan3A_709 : i32 to index
          %get3A_792 = arith.constant 160 : index
          %get3A_793 = tpu.vector_load %arg6[%get3A_791, %get3A_792] {strides = array<i32>} : memref<112x256xf32, #tpu.memory_space<vmem>>, vector<1x16xf32>,
          %get3A_794 = vector.shape_cast %get3A_793 : vector<1x16xf32> to vector<16xf32>
          %mul3A_795 = vector.broadcast %select_n3A_720 : f32 to vector<16xf32>
          %mul3A_796 = arith.mulf %get3A_794, %mul3A_795 : vector<16xf32>
          %add3A_797 = arith.addf %add3A_672, %mul3A_796 : vector<16xf32>
          %get3A_798 = arith.index_cast %scan3A_709 : i32 to index
          %get3A_799 = arith.constant 176 : index
          %get3A_800 = tpu.vector_load %arg6[%get3A_798, %get3A_799] {strides = array<i32>} : memref<112x256xf32, #tpu.memory_space<vmem>>, vector<1x16xf32>,
          %get3A_801 = vector.shape_cast %get3A_800 : vector<1x16xf32> to vector<16xf32>
          %mul3A_802 = vector.broadcast %select_n3A_720 : f32 to vector<16xf32>
          %mul3A_803 = arith.mulf %get3A_801, %mul3A_802 : vector<16xf32>
          %add3A_804 = arith.addf %add3A_679, %mul3A_803 : vector<16xf32>
          %get3A_805 = arith.index_cast %scan3A_709 : i32 to index
          %get3A_806 = arith.constant 192 : index
          %get3A_807 = tpu.vector_load %arg6[%get3A_805, %get3A_806] {strides = array<i32>} : memref<112x256xf32, #tpu.memory_space<vmem>>, vector<1x16xf32>,
          %get3A_808 = vector.shape_cast %get3A_807 : vector<1x16xf32> to vector<16xf32>
          %mul3A_809 = vector.broadcast %select_n3A_720 : f32 to vector<16xf32>
          %mul3A_810 = arith.mulf %get3A_808, %mul3A_809 : vector<16xf32>
          %add3A_811 = arith.addf %add3A_686, %mul3A_810 : vector<16xf32>
          %get3A_812 = arith.index_cast %scan3A_709 : i32 to index
          %get3A_813 = arith.constant 208 : index
          %get3A_814 = tpu.vector_load %arg6[%get3A_812, %get3A_813] {strides = array<i32>} : memref<112x256xf32, #tpu.memory_space<vmem>>, vector<1x16xf32>,
          %get3A_815 = vector.shape_cast %get3A_814 : vector<1x16xf32> to vector<16xf32>
          %mul3A_816 = vector.broadcast %select_n3A_720 : f32 to vector<16xf32>
          %mul3A_817 = arith.mulf %get3A_815, %mul3A_816 : vector<16xf32>
          %add3A_818 = arith.addf %add3A_693, %mul3A_817 : vector<16xf32>
          %get3A_819 = arith.index_cast %scan3A_709 : i32 to index
          %get3A_820 = arith.constant 224 : index
          %get3A_821 = tpu.vector_load %arg6[%get3A_819, %get3A_820] {strides = array<i32>} : memref<112x256xf32, #tpu.memory_space<vmem>>, vector<1x16xf32>,
          %get3A_822 = vector.shape_cast %get3A_821 : vector<1x16xf32> to vector<16xf32>
          %mul3A_823 = vector.broadcast %select_n3A_720 : f32 to vector<16xf32>
          %mul3A_824 = arith.mulf %get3A_822, %mul3A_823 : vector<16xf32>
          %add3A_825 = arith.addf %add3A_700, %mul3A_824 : vector<16xf32>
          %get3A_826 = arith.index_cast %scan3A_709 : i32 to index
          %get3A_827 = arith.constant 240 : index
          %get3A_828 = tpu.vector_load %arg6[%get3A_826, %get3A_827] {strides = array<i32>} : memref<112x256xf32, #tpu.memory_space<vmem>>, vector<1x16xf32>,
          %get3A_829 = vector.shape_cast %get3A_828 : vector<1x16xf32> to vector<16xf32>
          %mul3A_830 = vector.broadcast %select_n3A_720 : f32 to vector<16xf32>
          %mul3A_831 = arith.mulf %get3A_829, %mul3A_830 : vector<16xf32>
          %add3A_832 = arith.addf %add3A_707, %mul3A_831 : vector<16xf32>
          %scan3A_833 = arith.constant 5 : i32
          %scan3A_834 = arith.addi %scan3A_195, %scan3A_833 : i32
          %add3A_835 = arith.addi %multiple_of3A, %scan3A_834 : i32
          %ge3A_836 = arith.cmpi sge, %add3A_835, %max3A : i32
          %lt3A_837 = arith.cmpi slt, %add3A_835, %squeeze3A_20 : i32
          %and3A_838 = arith.andi %ge3A_836, %lt3A_837 : i1
          %get3A_839 = arith.index_cast %scan3A_834 : i32 to index
          %get3A_840 = tpu.vector_load %arg7[%get3A_839] {strides = array<i32>} : memref<128xf32, #tpu.memory_space<vmem>>, vector<16xf32>,
          %get3A_841 = vector.shape_cast %get3A_840 : vector<16xf32> to vector<16xf32>
          %slice3A_842 = vector.extract_strided_slice %get3A_841 {offsets = [0], sizes = [1], strides = [1]} : vector<16xf32> to vector<1xf32>
          %squeeze3A_843 = vector.extract %slice3A_842[0] : f32 from vector<1xf32>
          %jit3A_844 = arith.constant 0.000000e+00 : f32
          %select_n3A_845 = arith.select %and3A_838, %squeeze3A_843, %jit3A_844 : f32
          %get3A_846 = arith.index_cast %scan3A_834 : i32 to index
          %get3A_847 = arith.constant 0 : index
          %get3A_848 = tpu.vector_load %arg6[%get3A_846, %get3A_847] {strides = array<i32>} : memref<112x256xf32, #tpu.memory_space<vmem>>, vector<1x16xf32>,
          %get3A_849 = vector.shape_cast %get3A_848 : vector<1x16xf32> to vector<16xf32>
          %mul3A_850 = vector.broadcast %select_n3A_845 : f32 to vector<16xf32>
          %mul3A_851 = arith.mulf %get3A_849, %mul3A_850 : vector<16xf32>
          %add3A_852 = arith.addf %add3A_727, %mul3A_851 : vector<16xf32>
          %get3A_853 = arith.index_cast %scan3A_834 : i32 to index
          %get3A_854 = arith.constant 16 : index
          %get3A_855 = tpu.vector_load %arg6[%get3A_853, %get3A_854] {strides = array<i32>} : memref<112x256xf32, #tpu.memory_space<vmem>>, vector<1x16xf32>,
          %get3A_856 = vector.shape_cast %get3A_855 : vector<1x16xf32> to vector<16xf32>
          %mul3A_857 = vector.broadcast %select_n3A_845 : f32 to vector<16xf32>
          %mul3A_858 = arith.mulf %get3A_856, %mul3A_857 : vector<16xf32>
          %add3A_859 = arith.addf %add3A_734, %mul3A_858 : vector<16xf32>
          %get3A_860 = arith.index_cast %scan3A_834 : i32 to index
          %get3A_861 = arith.constant 32 : index
          %get3A_862 = tpu.vector_load %arg6[%get3A_860, %get3A_861] {strides = array<i32>} : memref<112x256xf32, #tpu.memory_space<vmem>>, vector<1x16xf32>,
          %get3A_863 = vector.shape_cast %get3A_862 : vector<1x16xf32> to vector<16xf32>
          %mul3A_864 = vector.broadcast %select_n3A_845 : f32 to vector<16xf32>
          %mul3A_865 = arith.mulf %get3A_863, %mul3A_864 : vector<16xf32>
          %add3A_866 = arith.addf %add3A_741, %mul3A_865 : vector<16xf32>
          %get3A_867 = arith.index_cast %scan3A_834 : i32 to index
          %get3A_868 = arith.constant 48 : index
          %get3A_869 = tpu.vector_load %arg6[%get3A_867, %get3A_868] {strides = array<i32>} : memref<112x256xf32, #tpu.memory_space<vmem>>, vector<1x16xf32>,
          %get3A_870 = vector.shape_cast %get3A_869 : vector<1x16xf32> to vector<16xf32>
          %mul3A_871 = vector.broadcast %select_n3A_845 : f32 to vector<16xf32>
          %mul3A_872 = arith.mulf %get3A_870, %mul3A_871 : vector<16xf32>
          %add3A_873 = arith.addf %add3A_748, %mul3A_872 : vector<16xf32>
          %get3A_874 = arith.index_cast %scan3A_834 : i32 to index
          %get3A_875 = arith.constant 64 : index
          %get3A_876 = tpu.vector_load %arg6[%get3A_874, %get3A_875] {strides = array<i32>} : memref<112x256xf32, #tpu.memory_space<vmem>>, vector<1x16xf32>,
          %get3A_877 = vector.shape_cast %get3A_876 : vector<1x16xf32> to vector<16xf32>
          %mul3A_878 = vector.broadcast %select_n3A_845 : f32 to vector<16xf32>
          %mul3A_879 = arith.mulf %get3A_877, %mul3A_878 : vector<16xf32>
          %add3A_880 = arith.addf %add3A_755, %mul3A_879 : vector<16xf32>
          %get3A_881 = arith.index_cast %scan3A_834 : i32 to index
          %get3A_882 = arith.constant 80 : index
          %get3A_883 = tpu.vector_load %arg6[%get3A_881, %get3A_882] {strides = array<i32>} : memref<112x256xf32, #tpu.memory_space<vmem>>, vector<1x16xf32>,
          %get3A_884 = vector.shape_cast %get3A_883 : vector<1x16xf32> to vector<16xf32>
          %mul3A_885 = vector.broadcast %select_n3A_845 : f32 to vector<16xf32>
          %mul3A_886 = arith.mulf %get3A_884, %mul3A_885 : vector<16xf32>
          %add3A_887 = arith.addf %add3A_762, %mul3A_886 : vector<16xf32>
          %get3A_888 = arith.index_cast %scan3A_834 : i32 to index
          %get3A_889 = arith.constant 96 : index
          %get3A_890 = tpu.vector_load %arg6[%get3A_888, %get3A_889] {strides = array<i32>} : memref<112x256xf32, #tpu.memory_space<vmem>>, vector<1x16xf32>,
          %get3A_891 = vector.shape_cast %get3A_890 : vector<1x16xf32> to vector<16xf32>
          %mul3A_892 = vector.broadcast %select_n3A_845 : f32 to vector<16xf32>
          %mul3A_893 = arith.mulf %get3A_891, %mul3A_892 : vector<16xf32>
          %add3A_894 = arith.addf %add3A_769, %mul3A_893 : vector<16xf32>
          %get3A_895 = arith.index_cast %scan3A_834 : i32 to index
          %get3A_896 = arith.constant 112 : index
          %get3A_897 = tpu.vector_load %arg6[%get3A_895, %get3A_896] {strides = array<i32>} : memref<112x256xf32, #tpu.memory_space<vmem>>, vector<1x16xf32>,
          %get3A_898 = vector.shape_cast %get3A_897 : vector<1x16xf32> to vector<16xf32>
          %mul3A_899 = vector.broadcast %select_n3A_845 : f32 to vector<16xf32>
          %mul3A_900 = arith.mulf %get3A_898, %mul3A_899 : vector<16xf32>
          %add3A_901 = arith.addf %add3A_776, %mul3A_900 : vector<16xf32>
          %get3A_902 = arith.index_cast %scan3A_834 : i32 to index
          %get3A_903 = arith.constant 128 : index
          %get3A_904 = tpu.vector_load %arg6[%get3A_902, %get3A_903] {strides = array<i32>} : memref<112x256xf32, #tpu.memory_space<vmem>>, vector<1x16xf32>,
          %get3A_905 = vector.shape_cast %get3A_904 : vector<1x16xf32> to vector<16xf32>
          %mul3A_906 = vector.broadcast %select_n3A_845 : f32 to vector<16xf32>
          %mul3A_907 = arith.mulf %get3A_905, %mul3A_906 : vector<16xf32>
          %add3A_908 = arith.addf %add3A_783, %mul3A_907 : vector<16xf32>
          %get3A_909 = arith.index_cast %scan3A_834 : i32 to index
          %get3A_910 = arith.constant 144 : index
          %get3A_911 = tpu.vector_load %arg6[%get3A_909, %get3A_910] {strides = array<i32>} : memref<112x256xf32, #tpu.memory_space<vmem>>, vector<1x16xf32>,
          %get3A_912 = vector.shape_cast %get3A_911 : vector<1x16xf32> to vector<16xf32>
          %mul3A_913 = vector.broadcast %select_n3A_845 : f32 to vector<16xf32>
          %mul3A_914 = arith.mulf %get3A_912, %mul3A_913 : vector<16xf32>
          %add3A_915 = arith.addf %add3A_790, %mul3A_914 : vector<16xf32>
          %get3A_916 = arith.index_cast %scan3A_834 : i32 to index
          %get3A_917 = arith.constant 160 : index
          %get3A_918 = tpu.vector_load %arg6[%get3A_916, %get3A_917] {strides = array<i32>} : memref<112x256xf32, #tpu.memory_space<vmem>>, vector<1x16xf32>,
          %get3A_919 = vector.shape_cast %get3A_918 : vector<1x16xf32> to vector<16xf32>
          %mul3A_920 = vector.broadcast %select_n3A_845 : f32 to vector<16xf32>
          %mul3A_921 = arith.mulf %get3A_919, %mul3A_920 : vector<16xf32>
          %add3A_922 = arith.addf %add3A_797, %mul3A_921 : vector<16xf32>
          %get3A_923 = arith.index_cast %scan3A_834 : i32 to index
          %get3A_924 = arith.constant 176 : index
          %get3A_925 = tpu.vector_load %arg6[%get3A_923, %get3A_924] {strides = array<i32>} : memref<112x256xf32, #tpu.memory_space<vmem>>, vector<1x16xf32>,
          %get3A_926 = vector.shape_cast %get3A_925 : vector<1x16xf32> to vector<16xf32>
          %mul3A_927 = vector.broadcast %select_n3A_845 : f32 to vector<16xf32>
          %mul3A_928 = arith.mulf %get3A_926, %mul3A_927 : vector<16xf32>
          %add3A_929 = arith.addf %add3A_804, %mul3A_928 : vector<16xf32>
          %get3A_930 = arith.index_cast %scan3A_834 : i32 to index
          %get3A_931 = arith.constant 192 : index
          %get3A_932 = tpu.vector_load %arg6[%get3A_930, %get3A_931] {strides = array<i32>} : memref<112x256xf32, #tpu.memory_space<vmem>>, vector<1x16xf32>,
          %get3A_933 = vector.shape_cast %get3A_932 : vector<1x16xf32> to vector<16xf32>
          %mul3A_934 = vector.broadcast %select_n3A_845 : f32 to vector<16xf32>
          %mul3A_935 = arith.mulf %get3A_933, %mul3A_934 : vector<16xf32>
          %add3A_936 = arith.addf %add3A_811, %mul3A_935 : vector<16xf32>
          %get3A_937 = arith.index_cast %scan3A_834 : i32 to index
          %get3A_938 = arith.constant 208 : index
          %get3A_939 = tpu.vector_load %arg6[%get3A_937, %get3A_938] {strides = array<i32>} : memref<112x256xf32, #tpu.memory_space<vmem>>, vector<1x16xf32>,
          %get3A_940 = vector.shape_cast %get3A_939 : vector<1x16xf32> to vector<16xf32>
          %mul3A_941 = vector.broadcast %select_n3A_845 : f32 to vector<16xf32>
          %mul3A_942 = arith.mulf %get3A_940, %mul3A_941 : vector<16xf32>
          %add3A_943 = arith.addf %add3A_818, %mul3A_942 : vector<16xf32>
          %get3A_944 = arith.index_cast %scan3A_834 : i32 to index
          %get3A_945 = arith.constant 224 : index
          %get3A_946 = tpu.vector_load %arg6[%get3A_944, %get3A_945] {strides = array<i32>} : memref<112x256xf32, #tpu.memory_space<vmem>>, vector<1x16xf32>,
          %get3A_947 = vector.shape_cast %get3A_946 : vector<1x16xf32> to vector<16xf32>
          %mul3A_948 = vector.broadcast %select_n3A_845 : f32 to vector<16xf32>
          %mul3A_949 = arith.mulf %get3A_947, %mul3A_948 : vector<16xf32>
          %add3A_950 = arith.addf %add3A_825, %mul3A_949 : vector<16xf32>
          %get3A_951 = arith.index_cast %scan3A_834 : i32 to index
          %get3A_952 = arith.constant 240 : index
          %get3A_953 = tpu.vector_load %arg6[%get3A_951, %get3A_952] {strides = array<i32>} : memref<112x256xf32, #tpu.memory_space<vmem>>, vector<1x16xf32>,
          %get3A_954 = vector.shape_cast %get3A_953 : vector<1x16xf32> to vector<16xf32>
          %mul3A_955 = vector.broadcast %select_n3A_845 : f32 to vector<16xf32>
          %mul3A_956 = arith.mulf %get3A_954, %mul3A_955 : vector<16xf32>
          %add3A_957 = arith.addf %add3A_832, %mul3A_956 : vector<16xf32>
          %scan3A_958 = arith.constant 6 : i32
          %scan3A_959 = arith.addi %scan3A_195, %scan3A_958 : i32
          %add3A_960 = arith.addi %multiple_of3A, %scan3A_959 : i32
          %ge3A_961 = arith.cmpi sge, %add3A_960, %max3A : i32
          %lt3A_962 = arith.cmpi slt, %add3A_960, %squeeze3A_20 : i32
          %and3A_963 = arith.andi %ge3A_961, %lt3A_962 : i1
          %get3A_964 = arith.index_cast %scan3A_959 : i32 to index
          %get3A_965 = tpu.vector_load %arg7[%get3A_964] {strides = array<i32>} : memref<128xf32, #tpu.memory_space<vmem>>, vector<16xf32>,
          %get3A_966 = vector.shape_cast %get3A_965 : vector<16xf32> to vector<16xf32>
          %slice3A_967 = vector.extract_strided_slice %get3A_966 {offsets = [0], sizes = [1], strides = [1]} : vector<16xf32> to vector<1xf32>
          %squeeze3A_968 = vector.extract %slice3A_967[0] : f32 from vector<1xf32>
          %jit3A_969 = arith.constant 0.000000e+00 : f32
          %select_n3A_970 = arith.select %and3A_963, %squeeze3A_968, %jit3A_969 : f32
          %get3A_971 = arith.index_cast %scan3A_959 : i32 to index
          %get3A_972 = arith.constant 0 : index
          %get3A_973 = tpu.vector_load %arg6[%get3A_971, %get3A_972] {strides = array<i32>} : memref<112x256xf32, #tpu.memory_space<vmem>>, vector<1x16xf32>,
          %get3A_974 = vector.shape_cast %get3A_973 : vector<1x16xf32> to vector<16xf32>
          %mul3A_975 = vector.broadcast %select_n3A_970 : f32 to vector<16xf32>
          %mul3A_976 = arith.mulf %get3A_974, %mul3A_975 : vector<16xf32>
          %add3A_977 = arith.addf %add3A_852, %mul3A_976 : vector<16xf32>
          %get3A_978 = arith.index_cast %scan3A_959 : i32 to index
          %get3A_979 = arith.constant 16 : index
          %get3A_980 = tpu.vector_load %arg6[%get3A_978, %get3A_979] {strides = array<i32>} : memref<112x256xf32, #tpu.memory_space<vmem>>, vector<1x16xf32>,
          %get3A_981 = vector.shape_cast %get3A_980 : vector<1x16xf32> to vector<16xf32>
          %mul3A_982 = vector.broadcast %select_n3A_970 : f32 to vector<16xf32>
          %mul3A_983 = arith.mulf %get3A_981, %mul3A_982 : vector<16xf32>
          %add3A_984 = arith.addf %add3A_859, %mul3A_983 : vector<16xf32>
          %get3A_985 = arith.index_cast %scan3A_959 : i32 to index
          %get3A_986 = arith.constant 32 : index
          %get3A_987 = tpu.vector_load %arg6[%get3A_985, %get3A_986] {strides = array<i32>} : memref<112x256xf32, #tpu.memory_space<vmem>>, vector<1x16xf32>,
          %get3A_988 = vector.shape_cast %get3A_987 : vector<1x16xf32> to vector<16xf32>
          %mul3A_989 = vector.broadcast %select_n3A_970 : f32 to vector<16xf32>
          %mul3A_990 = arith.mulf %get3A_988, %mul3A_989 : vector<16xf32>
          %add3A_991 = arith.addf %add3A_866, %mul3A_990 : vector<16xf32>
          %get3A_992 = arith.index_cast %scan3A_959 : i32 to index
          %get3A_993 = arith.constant 48 : index
          %get3A_994 = tpu.vector_load %arg6[%get3A_992, %get3A_993] {strides = array<i32>} : memref<112x256xf32, #tpu.memory_space<vmem>>, vector<1x16xf32>,
          %get3A_995 = vector.shape_cast %get3A_994 : vector<1x16xf32> to vector<16xf32>
          %mul3A_996 = vector.broadcast %select_n3A_970 : f32 to vector<16xf32>
          %mul3A_997 = arith.mulf %get3A_995, %mul3A_996 : vector<16xf32>
          %add3A_998 = arith.addf %add3A_873, %mul3A_997 : vector<16xf32>
          %get3A_999 = arith.index_cast %scan3A_959 : i32 to index
          %get3A_1000 = arith.constant 64 : index
          %get3A_1001 = tpu.vector_load %arg6[%get3A_999, %get3A_1000] {strides = array<i32>} : memref<112x256xf32, #tpu.memory_space<vmem>>, vector<1x16xf32>,
          %get3A_1002 = vector.shape_cast %get3A_1001 : vector<1x16xf32> to vector<16xf32>
          %mul3A_1003 = vector.broadcast %select_n3A_970 : f32 to vector<16xf32>
          %mul3A_1004 = arith.mulf %get3A_1002, %mul3A_1003 : vector<16xf32>
          %add3A_1005 = arith.addf %add3A_880, %mul3A_1004 : vector<16xf32>
          %get3A_1006 = arith.index_cast %scan3A_959 : i32 to index
          %get3A_1007 = arith.constant 80 : index
          %get3A_1008 = tpu.vector_load %arg6[%get3A_1006, %get3A_1007] {strides = array<i32>} : memref<112x256xf32, #tpu.memory_space<vmem>>, vector<1x16xf32>,
          %get3A_1009 = vector.shape_cast %get3A_1008 : vector<1x16xf32> to vector<16xf32>
          %mul3A_1010 = vector.broadcast %select_n3A_970 : f32 to vector<16xf32>
          %mul3A_1011 = arith.mulf %get3A_1009, %mul3A_1010 : vector<16xf32>
          %add3A_1012 = arith.addf %add3A_887, %mul3A_1011 : vector<16xf32>
          %get3A_1013 = arith.index_cast %scan3A_959 : i32 to index
          %get3A_1014 = arith.constant 96 : index
          %get3A_1015 = tpu.vector_load %arg6[%get3A_1013, %get3A_1014] {strides = array<i32>} : memref<112x256xf32, #tpu.memory_space<vmem>>, vector<1x16xf32>,
          %get3A_1016 = vector.shape_cast %get3A_1015 : vector<1x16xf32> to vector<16xf32>
          %mul3A_1017 = vector.broadcast %select_n3A_970 : f32 to vector<16xf32>
          %mul3A_1018 = arith.mulf %get3A_1016, %mul3A_1017 : vector<16xf32>
          %add3A_1019 = arith.addf %add3A_894, %mul3A_1018 : vector<16xf32>
          %get3A_1020 = arith.index_cast %scan3A_959 : i32 to index
          %get3A_1021 = arith.constant 112 : index
          %get3A_1022 = tpu.vector_load %arg6[%get3A_1020, %get3A_1021] {strides = array<i32>} : memref<112x256xf32, #tpu.memory_space<vmem>>, vector<1x16xf32>,
          %get3A_1023 = vector.shape_cast %get3A_1022 : vector<1x16xf32> to vector<16xf32>
          %mul3A_1024 = vector.broadcast %select_n3A_970 : f32 to vector<16xf32>
          %mul3A_1025 = arith.mulf %get3A_1023, %mul3A_1024 : vector<16xf32>
          %add3A_1026 = arith.addf %add3A_901, %mul3A_1025 : vector<16xf32>
          %get3A_1027 = arith.index_cast %scan3A_959 : i32 to index
          %get3A_1028 = arith.constant 128 : index
          %get3A_1029 = tpu.vector_load %arg6[%get3A_1027, %get3A_1028] {strides = array<i32>} : memref<112x256xf32, #tpu.memory_space<vmem>>, vector<1x16xf32>,
          %get3A_1030 = vector.shape_cast %get3A_1029 : vector<1x16xf32> to vector<16xf32>
          %mul3A_1031 = vector.broadcast %select_n3A_970 : f32 to vector<16xf32>
          %mul3A_1032 = arith.mulf %get3A_1030, %mul3A_1031 : vector<16xf32>
          %add3A_1033 = arith.addf %add3A_908, %mul3A_1032 : vector<16xf32>
          %get3A_1034 = arith.index_cast %scan3A_959 : i32 to index
          %get3A_1035 = arith.constant 144 : index
          %get3A_1036 = tpu.vector_load %arg6[%get3A_1034, %get3A_1035] {strides = array<i32>} : memref<112x256xf32, #tpu.memory_space<vmem>>, vector<1x16xf32>,
          %get3A_1037 = vector.shape_cast %get3A_1036 : vector<1x16xf32> to vector<16xf32>
          %mul3A_1038 = vector.broadcast %select_n3A_970 : f32 to vector<16xf32>
          %mul3A_1039 = arith.mulf %get3A_1037, %mul3A_1038 : vector<16xf32>
          %add3A_1040 = arith.addf %add3A_915, %mul3A_1039 : vector<16xf32>
          %get3A_1041 = arith.index_cast %scan3A_959 : i32 to index
          %get3A_1042 = arith.constant 160 : index
          %get3A_1043 = tpu.vector_load %arg6[%get3A_1041, %get3A_1042] {strides = array<i32>} : memref<112x256xf32, #tpu.memory_space<vmem>>, vector<1x16xf32>,
          %get3A_1044 = vector.shape_cast %get3A_1043 : vector<1x16xf32> to vector<16xf32>
          %mul3A_1045 = vector.broadcast %select_n3A_970 : f32 to vector<16xf32>
          %mul3A_1046 = arith.mulf %get3A_1044, %mul3A_1045 : vector<16xf32>
          %add3A_1047 = arith.addf %add3A_922, %mul3A_1046 : vector<16xf32>
          %get3A_1048 = arith.index_cast %scan3A_959 : i32 to index
          %get3A_1049 = arith.constant 176 : index
          %get3A_1050 = tpu.vector_load %arg6[%get3A_1048, %get3A_1049] {strides = array<i32>} : memref<112x256xf32, #tpu.memory_space<vmem>>, vector<1x16xf32>,
          %get3A_1051 = vector.shape_cast %get3A_1050 : vector<1x16xf32> to vector<16xf32>
          %mul3A_1052 = vector.broadcast %select_n3A_970 : f32 to vector<16xf32>
          %mul3A_1053 = arith.mulf %get3A_1051, %mul3A_1052 : vector<16xf32>
          %add3A_1054 = arith.addf %add3A_929, %mul3A_1053 : vector<16xf32>
          %get3A_1055 = arith.index_cast %scan3A_959 : i32 to index
          %get3A_1056 = arith.constant 192 : index
          %get3A_1057 = tpu.vector_load %arg6[%get3A_1055, %get3A_1056] {strides = array<i32>} : memref<112x256xf32, #tpu.memory_space<vmem>>, vector<1x16xf32>,
          %get3A_1058 = vector.shape_cast %get3A_1057 : vector<1x16xf32> to vector<16xf32>
          %mul3A_1059 = vector.broadcast %select_n3A_970 : f32 to vector<16xf32>
          %mul3A_1060 = arith.mulf %get3A_1058, %mul3A_1059 : vector<16xf32>
          %add3A_1061 = arith.addf %add3A_936, %mul3A_1060 : vector<16xf32>
          %get3A_1062 = arith.index_cast %scan3A_959 : i32 to index
          %get3A_1063 = arith.constant 208 : index
          %get3A_1064 = tpu.vector_load %arg6[%get3A_1062, %get3A_1063] {strides = array<i32>} : memref<112x256xf32, #tpu.memory_space<vmem>>, vector<1x16xf32>,
          %get3A_1065 = vector.shape_cast %get3A_1064 : vector<1x16xf32> to vector<16xf32>
          %mul3A_1066 = vector.broadcast %select_n3A_970 : f32 to vector<16xf32>
          %mul3A_1067 = arith.mulf %get3A_1065, %mul3A_1066 : vector<16xf32>
          %add3A_1068 = arith.addf %add3A_943, %mul3A_1067 : vector<16xf32>
          %get3A_1069 = arith.index_cast %scan3A_959 : i32 to index
          %get3A_1070 = arith.constant 224 : index
          %get3A_1071 = tpu.vector_load %arg6[%get3A_1069, %get3A_1070] {strides = array<i32>} : memref<112x256xf32, #tpu.memory_space<vmem>>, vector<1x16xf32>,
          %get3A_1072 = vector.shape_cast %get3A_1071 : vector<1x16xf32> to vector<16xf32>
          %mul3A_1073 = vector.broadcast %select_n3A_970 : f32 to vector<16xf32>
          %mul3A_1074 = arith.mulf %get3A_1072, %mul3A_1073 : vector<16xf32>
          %add3A_1075 = arith.addf %add3A_950, %mul3A_1074 : vector<16xf32>
          %get3A_1076 = arith.index_cast %scan3A_959 : i32 to index
          %get3A_1077 = arith.constant 240 : index
          %get3A_1078 = tpu.vector_load %arg6[%get3A_1076, %get3A_1077] {strides = array<i32>} : memref<112x256xf32, #tpu.memory_space<vmem>>, vector<1x16xf32>,
          %get3A_1079 = vector.shape_cast %get3A_1078 : vector<1x16xf32> to vector<16xf32>
          %mul3A_1080 = vector.broadcast %select_n3A_970 : f32 to vector<16xf32>
          %mul3A_1081 = arith.mulf %get3A_1079, %mul3A_1080 : vector<16xf32>
          %add3A_1082 = arith.addf %add3A_957, %mul3A_1081 : vector<16xf32>
          %scan3A_1083 = arith.constant 7 : i32
          %scan3A_1084 = arith.addi %scan3A_195, %scan3A_1083 : i32
          %add3A_1085 = arith.addi %multiple_of3A, %scan3A_1084 : i32
          %ge3A_1086 = arith.cmpi sge, %add3A_1085, %max3A : i32
          %lt3A_1087 = arith.cmpi slt, %add3A_1085, %squeeze3A_20 : i32
          %and3A_1088 = arith.andi %ge3A_1086, %lt3A_1087 : i1
          %get3A_1089 = arith.index_cast %scan3A_1084 : i32 to index
          %get3A_1090 = tpu.vector_load %arg7[%get3A_1089] {strides = array<i32>} : memref<128xf32, #tpu.memory_space<vmem>>, vector<16xf32>,
          %get3A_1091 = vector.shape_cast %get3A_1090 : vector<16xf32> to vector<16xf32>
          %slice3A_1092 = vector.extract_strided_slice %get3A_1091 {offsets = [0], sizes = [1], strides = [1]} : vector<16xf32> to vector<1xf32>
          %squeeze3A_1093 = vector.extract %slice3A_1092[0] : f32 from vector<1xf32>
          %jit3A_1094 = arith.constant 0.000000e+00 : f32
          %select_n3A_1095 = arith.select %and3A_1088, %squeeze3A_1093, %jit3A_1094 : f32
          %get3A_1096 = arith.index_cast %scan3A_1084 : i32 to index
          %get3A_1097 = arith.constant 0 : index
          %get3A_1098 = tpu.vector_load %arg6[%get3A_1096, %get3A_1097] {strides = array<i32>} : memref<112x256xf32, #tpu.memory_space<vmem>>, vector<1x16xf32>,
          %get3A_1099 = vector.shape_cast %get3A_1098 : vector<1x16xf32> to vector<16xf32>
          %mul3A_1100 = vector.broadcast %select_n3A_1095 : f32 to vector<16xf32>
          %mul3A_1101 = arith.mulf %get3A_1099, %mul3A_1100 : vector<16xf32>
          %add3A_1102 = arith.addf %add3A_977, %mul3A_1101 : vector<16xf32>
          %get3A_1103 = arith.index_cast %scan3A_1084 : i32 to index
          %get3A_1104 = arith.constant 16 : index
          %get3A_1105 = tpu.vector_load %arg6[%get3A_1103, %get3A_1104] {strides = array<i32>} : memref<112x256xf32, #tpu.memory_space<vmem>>, vector<1x16xf32>,
          %get3A_1106 = vector.shape_cast %get3A_1105 : vector<1x16xf32> to vector<16xf32>
          %mul3A_1107 = vector.broadcast %select_n3A_1095 : f32 to vector<16xf32>
          %mul3A_1108 = arith.mulf %get3A_1106, %mul3A_1107 : vector<16xf32>
          %add3A_1109 = arith.addf %add3A_984, %mul3A_1108 : vector<16xf32>
          %get3A_1110 = arith.index_cast %scan3A_1084 : i32 to index
          %get3A_1111 = arith.constant 32 : index
          %get3A_1112 = tpu.vector_load %arg6[%get3A_1110, %get3A_1111] {strides = array<i32>} : memref<112x256xf32, #tpu.memory_space<vmem>>, vector<1x16xf32>,
          %get3A_1113 = vector.shape_cast %get3A_1112 : vector<1x16xf32> to vector<16xf32>
          %mul3A_1114 = vector.broadcast %select_n3A_1095 : f32 to vector<16xf32>
          %mul3A_1115 = arith.mulf %get3A_1113, %mul3A_1114 : vector<16xf32>
          %add3A_1116 = arith.addf %add3A_991, %mul3A_1115 : vector<16xf32>
          %get3A_1117 = arith.index_cast %scan3A_1084 : i32 to index
          %get3A_1118 = arith.constant 48 : index
          %get3A_1119 = tpu.vector_load %arg6[%get3A_1117, %get3A_1118] {strides = array<i32>} : memref<112x256xf32, #tpu.memory_space<vmem>>, vector<1x16xf32>,
          %get3A_1120 = vector.shape_cast %get3A_1119 : vector<1x16xf32> to vector<16xf32>
          %mul3A_1121 = vector.broadcast %select_n3A_1095 : f32 to vector<16xf32>
          %mul3A_1122 = arith.mulf %get3A_1120, %mul3A_1121 : vector<16xf32>
          %add3A_1123 = arith.addf %add3A_998, %mul3A_1122 : vector<16xf32>
          %get3A_1124 = arith.index_cast %scan3A_1084 : i32 to index
          %get3A_1125 = arith.constant 64 : index
          %get3A_1126 = tpu.vector_load %arg6[%get3A_1124, %get3A_1125] {strides = array<i32>} : memref<112x256xf32, #tpu.memory_space<vmem>>, vector<1x16xf32>,
          %get3A_1127 = vector.shape_cast %get3A_1126 : vector<1x16xf32> to vector<16xf32>
          %mul3A_1128 = vector.broadcast %select_n3A_1095 : f32 to vector<16xf32>
          %mul3A_1129 = arith.mulf %get3A_1127, %mul3A_1128 : vector<16xf32>
          %add3A_1130 = arith.addf %add3A_1005, %mul3A_1129 : vector<16xf32>
          %get3A_1131 = arith.index_cast %scan3A_1084 : i32 to index
          %get3A_1132 = arith.constant 80 : index
          %get3A_1133 = tpu.vector_load %arg6[%get3A_1131, %get3A_1132] {strides = array<i32>} : memref<112x256xf32, #tpu.memory_space<vmem>>, vector<1x16xf32>,
          %get3A_1134 = vector.shape_cast %get3A_1133 : vector<1x16xf32> to vector<16xf32>
          %mul3A_1135 = vector.broadcast %select_n3A_1095 : f32 to vector<16xf32>
          %mul3A_1136 = arith.mulf %get3A_1134, %mul3A_1135 : vector<16xf32>
          %add3A_1137 = arith.addf %add3A_1012, %mul3A_1136 : vector<16xf32>
          %get3A_1138 = arith.index_cast %scan3A_1084 : i32 to index
          %get3A_1139 = arith.constant 96 : index
          %get3A_1140 = tpu.vector_load %arg6[%get3A_1138, %get3A_1139] {strides = array<i32>} : memref<112x256xf32, #tpu.memory_space<vmem>>, vector<1x16xf32>,
          %get3A_1141 = vector.shape_cast %get3A_1140 : vector<1x16xf32> to vector<16xf32>
          %mul3A_1142 = vector.broadcast %select_n3A_1095 : f32 to vector<16xf32>
          %mul3A_1143 = arith.mulf %get3A_1141, %mul3A_1142 : vector<16xf32>
          %add3A_1144 = arith.addf %add3A_1019, %mul3A_1143 : vector<16xf32>
          %get3A_1145 = arith.index_cast %scan3A_1084 : i32 to index
          %get3A_1146 = arith.constant 112 : index
          %get3A_1147 = tpu.vector_load %arg6[%get3A_1145, %get3A_1146] {strides = array<i32>} : memref<112x256xf32, #tpu.memory_space<vmem>>, vector<1x16xf32>,
          %get3A_1148 = vector.shape_cast %get3A_1147 : vector<1x16xf32> to vector<16xf32>
          %mul3A_1149 = vector.broadcast %select_n3A_1095 : f32 to vector<16xf32>
          %mul3A_1150 = arith.mulf %get3A_1148, %mul3A_1149 : vector<16xf32>
          %add3A_1151 = arith.addf %add3A_1026, %mul3A_1150 : vector<16xf32>
          %get3A_1152 = arith.index_cast %scan3A_1084 : i32 to index
          %get3A_1153 = arith.constant 128 : index
          %get3A_1154 = tpu.vector_load %arg6[%get3A_1152, %get3A_1153] {strides = array<i32>} : memref<112x256xf32, #tpu.memory_space<vmem>>, vector<1x16xf32>,
          %get3A_1155 = vector.shape_cast %get3A_1154 : vector<1x16xf32> to vector<16xf32>
          %mul3A_1156 = vector.broadcast %select_n3A_1095 : f32 to vector<16xf32>
          %mul3A_1157 = arith.mulf %get3A_1155, %mul3A_1156 : vector<16xf32>
          %add3A_1158 = arith.addf %add3A_1033, %mul3A_1157 : vector<16xf32>
          %get3A_1159 = arith.index_cast %scan3A_1084 : i32 to index
          %get3A_1160 = arith.constant 144 : index
          %get3A_1161 = tpu.vector_load %arg6[%get3A_1159, %get3A_1160] {strides = array<i32>} : memref<112x256xf32, #tpu.memory_space<vmem>>, vector<1x16xf32>,
          %get3A_1162 = vector.shape_cast %get3A_1161 : vector<1x16xf32> to vector<16xf32>
          %mul3A_1163 = vector.broadcast %select_n3A_1095 : f32 to vector<16xf32>
          %mul3A_1164 = arith.mulf %get3A_1162, %mul3A_1163 : vector<16xf32>
          %add3A_1165 = arith.addf %add3A_1040, %mul3A_1164 : vector<16xf32>
          %get3A_1166 = arith.index_cast %scan3A_1084 : i32 to index
          %get3A_1167 = arith.constant 160 : index
          %get3A_1168 = tpu.vector_load %arg6[%get3A_1166, %get3A_1167] {strides = array<i32>} : memref<112x256xf32, #tpu.memory_space<vmem>>, vector<1x16xf32>,
          %get3A_1169 = vector.shape_cast %get3A_1168 : vector<1x16xf32> to vector<16xf32>
          %mul3A_1170 = vector.broadcast %select_n3A_1095 : f32 to vector<16xf32>
          %mul3A_1171 = arith.mulf %get3A_1169, %mul3A_1170 : vector<16xf32>
          %add3A_1172 = arith.addf %add3A_1047, %mul3A_1171 : vector<16xf32>
          %get3A_1173 = arith.index_cast %scan3A_1084 : i32 to index
          %get3A_1174 = arith.constant 176 : index
          %get3A_1175 = tpu.vector_load %arg6[%get3A_1173, %get3A_1174] {strides = array<i32>} : memref<112x256xf32, #tpu.memory_space<vmem>>, vector<1x16xf32>,
          %get3A_1176 = vector.shape_cast %get3A_1175 : vector<1x16xf32> to vector<16xf32>
          %mul3A_1177 = vector.broadcast %select_n3A_1095 : f32 to vector<16xf32>
          %mul3A_1178 = arith.mulf %get3A_1176, %mul3A_1177 : vector<16xf32>
          %add3A_1179 = arith.addf %add3A_1054, %mul3A_1178 : vector<16xf32>
          %get3A_1180 = arith.index_cast %scan3A_1084 : i32 to index
          %get3A_1181 = arith.constant 192 : index
          %get3A_1182 = tpu.vector_load %arg6[%get3A_1180, %get3A_1181] {strides = array<i32>} : memref<112x256xf32, #tpu.memory_space<vmem>>, vector<1x16xf32>,
          %get3A_1183 = vector.shape_cast %get3A_1182 : vector<1x16xf32> to vector<16xf32>
          %mul3A_1184 = vector.broadcast %select_n3A_1095 : f32 to vector<16xf32>
          %mul3A_1185 = arith.mulf %get3A_1183, %mul3A_1184 : vector<16xf32>
          %add3A_1186 = arith.addf %add3A_1061, %mul3A_1185 : vector<16xf32>
          %get3A_1187 = arith.index_cast %scan3A_1084 : i32 to index
          %get3A_1188 = arith.constant 208 : index
          %get3A_1189 = tpu.vector_load %arg6[%get3A_1187, %get3A_1188] {strides = array<i32>} : memref<112x256xf32, #tpu.memory_space<vmem>>, vector<1x16xf32>,
          %get3A_1190 = vector.shape_cast %get3A_1189 : vector<1x16xf32> to vector<16xf32>
          %mul3A_1191 = vector.broadcast %select_n3A_1095 : f32 to vector<16xf32>
          %mul3A_1192 = arith.mulf %get3A_1190, %mul3A_1191 : vector<16xf32>
          %add3A_1193 = arith.addf %add3A_1068, %mul3A_1192 : vector<16xf32>
          %get3A_1194 = arith.index_cast %scan3A_1084 : i32 to index
          %get3A_1195 = arith.constant 224 : index
          %get3A_1196 = tpu.vector_load %arg6[%get3A_1194, %get3A_1195] {strides = array<i32>} : memref<112x256xf32, #tpu.memory_space<vmem>>, vector<1x16xf32>,
          %get3A_1197 = vector.shape_cast %get3A_1196 : vector<1x16xf32> to vector<16xf32>
          %mul3A_1198 = vector.broadcast %select_n3A_1095 : f32 to vector<16xf32>
          %mul3A_1199 = arith.mulf %get3A_1197, %mul3A_1198 : vector<16xf32>
          %add3A_1200 = arith.addf %add3A_1075, %mul3A_1199 : vector<16xf32>
          %get3A_1201 = arith.index_cast %scan3A_1084 : i32 to index
          %get3A_1202 = arith.constant 240 : index
          %get3A_1203 = tpu.vector_load %arg6[%get3A_1201, %get3A_1202] {strides = array<i32>} : memref<112x256xf32, #tpu.memory_space<vmem>>, vector<1x16xf32>,
          %get3A_1204 = vector.shape_cast %get3A_1203 : vector<1x16xf32> to vector<16xf32>
          %mul3A_1205 = vector.broadcast %select_n3A_1095 : f32 to vector<16xf32>
          %mul3A_1206 = arith.mulf %get3A_1204, %mul3A_1205 : vector<16xf32>
          %add3A_1207 = arith.addf %add3A_1082, %mul3A_1206 : vector<16xf32>
          scf.yield %add3A_1102, %add3A_1109, %add3A_1116, %add3A_1123, %add3A_1130, %add3A_1137, %add3A_1144, %add3A_1151, %add3A_1158, %add3A_1165, %add3A_1172, %add3A_1179, %add3A_1186, %add3A_1193, %add3A_1200, %add3A_1207 : vector<16xf32>, vector<16xf32>, vector<16xf32>, vector<16xf32>, vector<16xf32>, vector<16xf32>, vector<16xf32>, vector<16xf32>, vector<16xf32>, vector<16xf32>, vector<16xf32>, vector<16xf32>, vector<16xf32>, vector<16xf32>, vector<16xf32>, vector<16xf32>
        }
        %scan3A_194 = arith.constant 112 : i32
        scf.yield %scan3A_193#0, %scan3A_193#1, %scan3A_193#2, %scan3A_193#3, %scan3A_193#4, %scan3A_193#5, %scan3A_193#6, %scan3A_193#7, %scan3A_193#8, %scan3A_193#9, %scan3A_193#10, %scan3A_193#11, %scan3A_193#12, %scan3A_193#13, %scan3A_193#14, %scan3A_193#15 : vector<16xf32>, vector<16xf32>, vector<16xf32>, vector<16xf32>, vector<16xf32>, vector<16xf32>, vector<16xf32>, vector<16xf32>, vector<16xf32>, vector<16xf32>, vector<16xf32>, vector<16xf32>, vector<16xf32>, vector<16xf32>, vector<16xf32>, vector<16xf32>
      }
      %while3A_83 = arith.constant 1 : i32
      %while3A_84:16 = scf.for %while3A_165 = %while3A_80 to %while3A_76 step %while3A_83 iter_args(%while3A_166 = %while3A_82#0, %while3A_167 = %while3A_82#1, %while3A_168 = %while3A_82#2, %while3A_169 = %while3A_82#3, %while3A_170 = %while3A_82#4, %while3A_171 = %while3A_82#5, %while3A_172 = %while3A_82#6, %while3A_173 = %while3A_82#7, %while3A_174 = %while3A_82#8, %while3A_175 = %while3A_82#9, %while3A_176 = %while3A_82#10, %while3A_177 = %while3A_82#11, %while3A_178 = %while3A_82#12, %while3A_179 = %while3A_82#13, %while3A_180 = %while3A_82#14, %while3A_181 = %while3A_82#15) -> (vector<16xf32>, vector<16xf32>, vector<16xf32>, vector<16xf32>, vector<16xf32>, vector<16xf32>, vector<16xf32>, vector<16xf32>, vector<16xf32>, vector<16xf32>, vector<16xf32>, vector<16xf32>, vector<16xf32>, vector<16xf32>, vector<16xf32>, vector<16xf32>)  : i32 {
        %mul3A_182 = arith.constant 112 : i32
        %mul3A_183 = arith.muli %while3A_165, %mul3A_182 : i32
        %add3A_184 = arith.addi %shift_left3A_22, %mul3A_183 : i32
        %min3A = arith.constant 49888 : i32
        %min3A_185 = arith.minsi %add3A_184, %min3A : i32
        %multiple_of3A = tpu.assume_multiple %min3A_185, 8 : i32
        "tpu.region"() ({
          %run_scoped3A = tpu.sem_alloc : memref<!tpu.dma_semaphore, #tpu.memory_space<semaphore_mem>>
          %dma_start3A = arith.constant 0 : i32
          %dma_start3A_195 = tpu.memref_slice %arg2[%multiple_of3A, %dma_start3A] : memref<50000x256xf32, #tpu.memory_space<hbm>> -> memref<112x256xf32, #tpu.memory_space<hbm>>
          %dma_start3A_196 = arith.constant 0 : i32
          %dma_start3A_197 = tpu.memref_slice %arg2[%multiple_of3A, %dma_start3A_196] : memref<50000x256xf32, #tpu.memory_space<hbm>> -> memref<112x256xf32, #tpu.memory_space<hbm>>
          tpu.enqueue_dma source(%dma_start3A_197 : memref<112x256xf32, #tpu.memory_space<hbm>>) target(%arg6 : memref<112x256xf32, #tpu.memory_space<vmem>>) target_semaphore(%run_scoped3A : memref<!tpu.dma_semaphore, #tpu.memory_space<semaphore_mem>>)
          %dma_wait3A = arith.constant 0 : i32
          %dma_wait3A_198 = tpu.memref_slice %arg2[%multiple_of3A, %dma_wait3A] : memref<50000x256xf32, #tpu.memory_space<hbm>> -> memref<112x256xf32, #tpu.memory_space<hbm>>
          %dma_wait3A_199 = arith.constant 0 : i32
          %dma_wait3A_200 = tpu.memref_slice %arg2[%multiple_of3A, %dma_wait3A_199] : memref<50000x256xf32, #tpu.memory_space<hbm>> -> memref<112x256xf32, #tpu.memory_space<hbm>>
          tpu.wait_dma2 semaphore(%run_scoped3A : memref<!tpu.dma_semaphore, #tpu.memory_space<semaphore_mem>>) src(%dma_wait3A_200 : memref<112x256xf32, #tpu.memory_space<hbm>>) dst(%arg6 : memref<112x256xf32, #tpu.memory_space<vmem>>)
          tpu.yield
        }) : () -> ()
        "tpu.region"() ({
          %run_scoped3A = tpu.sem_alloc : memref<!tpu.dma_semaphore, #tpu.memory_space<semaphore_mem>>
          %dma_start3A = arith.constant 0 : i32
          %dma_start3A_195 = tpu.memref_slice %arg7[%dma_start3A] : memref<128xf32, #tpu.memory_space<vmem>> -> memref<112xf32, #tpu.memory_space<vmem>>
          %dma_start3A_196 = tpu.memref_slice %arg3[%multiple_of3A] : memref<50000xf32, #tpu.memory_space<hbm>> -> memref<112xf32, #tpu.memory_space<hbm>>
          %dma_start3A_197 = arith.constant 0 : i32
          %dma_start3A_198 = tpu.memref_slice %arg7[%dma_start3A_197] : memref<128xf32, #tpu.memory_space<vmem>> -> memref<112xf32, #tpu.memory_space<vmem>>
          %dma_start3A_199 = tpu.memref_slice %arg3[%multiple_of3A] : memref<50000xf32, #tpu.memory_space<hbm>> -> memref<112xf32, #tpu.memory_space<hbm>>
          tpu.enqueue_dma source(%dma_start3A_199 : memref<112xf32, #tpu.memory_space<hbm>>) target(%dma_start3A_198 : memref<112xf32, #tpu.memory_space<vmem>>) target_semaphore(%run_scoped3A : memref<!tpu.dma_semaphore, #tpu.memory_space<semaphore_mem>>)
          %dma_wait3A = arith.constant 0 : i32
          %dma_wait3A_200 = tpu.memref_slice %arg7[%dma_wait3A] : memref<128xf32, #tpu.memory_space<vmem>> -> memref<112xf32, #tpu.memory_space<vmem>>
          %dma_wait3A_201 = tpu.memref_slice %arg3[%multiple_of3A] : memref<50000xf32, #tpu.memory_space<hbm>> -> memref<112xf32, #tpu.memory_space<hbm>>
          %dma_wait3A_202 = arith.constant 0 : i32
          %dma_wait3A_203 = tpu.memref_slice %arg7[%dma_wait3A_202] : memref<128xf32, #tpu.memory_space<vmem>> -> memref<112xf32, #tpu.memory_space<vmem>>
          %dma_wait3A_204 = tpu.memref_slice %arg3[%multiple_of3A] : memref<50000xf32, #tpu.memory_space<hbm>> -> memref<112xf32, #tpu.memory_space<hbm>>
          tpu.wait_dma2 semaphore(%run_scoped3A : memref<!tpu.dma_semaphore, #tpu.memory_space<semaphore_mem>>) src(%dma_wait3A_204 : memref<112xf32, #tpu.memory_space<hbm>>) dst(%dma_wait3A_203 : memref<112xf32, #tpu.memory_space<vmem>>)
          tpu.yield
        }) : () -> ()
        %mul3A_186 = arith.constant 112 : i32
        %mul3A_187 = arith.muli %while3A_165, %mul3A_186 : i32
        %add3A_188 = arith.addi %shift_left3A_22, %mul3A_187 : i32
        %max3A = arith.maxsi %add3A_188, %squeeze3A : i32
        %scan3A_189 = arith.constant 0 : i32
        %scan3A_190 = arith.constant 112 : i32
        %scan3A_191 = arith.addi %scan3A_189, %scan3A_190 : i32
        %scan3A_192 = arith.constant 8 : i32
        %scan3A_193:16 = scf.for %scan3A_195 = %scan3A_189 to %scan3A_191 step %scan3A_192 iter_args(%scan3A_196 = %while3A_166, %scan3A_197 = %while3A_167, %scan3A_198 = %while3A_168, %scan3A_199 = %while3A_169, %scan3A_200 = %while3A_170, %scan3A_201 = %while3A_171, %scan3A_202 = %while3A_172, %scan3A_203 = %while3A_173, %scan3A_204 = %while3A_174, %scan3A_205 = %while3A_175, %scan3A_206 = %while3A_176, %scan3A_207 = %while3A_177, %scan3A_208 = %while3A_178, %scan3A_209 = %while3A_179, %scan3A_210 = %while3A_180, %scan3A_211 = %while3A_181) -> (vector<16xf32>, vector<16xf32>, vector<16xf32>, vector<16xf32>, vector<16xf32>, vector<16xf32>, vector<16xf32>, vector<16xf32>, vector<16xf32>, vector<16xf32>, vector<16xf32>, vector<16xf32>, vector<16xf32>, vector<16xf32>, vector<16xf32>, vector<16xf32>)  : i32 {
          %add3A_212 = arith.addi %multiple_of3A, %scan3A_195 : i32
          %ge3A = arith.cmpi sge, %add3A_212, %max3A : i32
          %lt3A = arith.cmpi slt, %add3A_212, %squeeze3A_20 : i32
          %and3A_213 = arith.andi %ge3A, %lt3A : i1
          %get3A_214 = arith.index_cast %scan3A_195 : i32 to index
          %get3A_215 = tpu.vector_load %arg7[%get3A_214] {strides = array<i32>} : memref<128xf32, #tpu.memory_space<vmem>>, vector<16xf32>,
          %get3A_216 = vector.shape_cast %get3A_215 : vector<16xf32> to vector<16xf32>
          %slice3A_217 = vector.extract_strided_slice %get3A_216 {offsets = [0], sizes = [1], strides = [1]} : vector<16xf32> to vector<1xf32>
          %squeeze3A_218 = vector.extract %slice3A_217[0] : f32 from vector<1xf32>
          %jit3A_219 = arith.constant 0.000000e+00 : f32
          %select_n3A_220 = arith.select %and3A_213, %squeeze3A_218, %jit3A_219 : f32
          %get3A_221 = arith.index_cast %scan3A_195 : i32 to index
          %get3A_222 = arith.constant 0 : index
          %get3A_223 = tpu.vector_load %arg6[%get3A_221, %get3A_222] {strides = array<i32>} : memref<112x256xf32, #tpu.memory_space<vmem>>, vector<1x16xf32>,
          %get3A_224 = vector.shape_cast %get3A_223 : vector<1x16xf32> to vector<16xf32>
          %mul3A_225 = vector.broadcast %select_n3A_220 : f32 to vector<16xf32>
          %mul3A_226 = arith.mulf %get3A_224, %mul3A_225 : vector<16xf32>
          %add3A_227 = arith.addf %scan3A_196, %mul3A_226 : vector<16xf32>
          %get3A_228 = arith.index_cast %scan3A_195 : i32 to index
          %get3A_229 = arith.constant 16 : index
          %get3A_230 = tpu.vector_load %arg6[%get3A_228, %get3A_229] {strides = array<i32>} : memref<112x256xf32, #tpu.memory_space<vmem>>, vector<1x16xf32>,
          %get3A_231 = vector.shape_cast %get3A_230 : vector<1x16xf32> to vector<16xf32>
          %mul3A_232 = vector.broadcast %select_n3A_220 : f32 to vector<16xf32>
          %mul3A_233 = arith.mulf %get3A_231, %mul3A_232 : vector<16xf32>
          %add3A_234 = arith.addf %scan3A_197, %mul3A_233 : vector<16xf32>
          %get3A_235 = arith.index_cast %scan3A_195 : i32 to index
          %get3A_236 = arith.constant 32 : index
          %get3A_237 = tpu.vector_load %arg6[%get3A_235, %get3A_236] {strides = array<i32>} : memref<112x256xf32, #tpu.memory_space<vmem>>, vector<1x16xf32>,
          %get3A_238 = vector.shape_cast %get3A_237 : vector<1x16xf32> to vector<16xf32>
          %mul3A_239 = vector.broadcast %select_n3A_220 : f32 to vector<16xf32>
          %mul3A_240 = arith.mulf %get3A_238, %mul3A_239 : vector<16xf32>
          %add3A_241 = arith.addf %scan3A_198, %mul3A_240 : vector<16xf32>
          %get3A_242 = arith.index_cast %scan3A_195 : i32 to index
          %get3A_243 = arith.constant 48 : index
          %get3A_244 = tpu.vector_load %arg6[%get3A_242, %get3A_243] {strides = array<i32>} : memref<112x256xf32, #tpu.memory_space<vmem>>, vector<1x16xf32>,
          %get3A_245 = vector.shape_cast %get3A_244 : vector<1x16xf32> to vector<16xf32>
          %mul3A_246 = vector.broadcast %select_n3A_220 : f32 to vector<16xf32>
          %mul3A_247 = arith.mulf %get3A_245, %mul3A_246 : vector<16xf32>
          %add3A_248 = arith.addf %scan3A_199, %mul3A_247 : vector<16xf32>
          %get3A_249 = arith.index_cast %scan3A_195 : i32 to index
          %get3A_250 = arith.constant 64 : index
          %get3A_251 = tpu.vector_load %arg6[%get3A_249, %get3A_250] {strides = array<i32>} : memref<112x256xf32, #tpu.memory_space<vmem>>, vector<1x16xf32>,
          %get3A_252 = vector.shape_cast %get3A_251 : vector<1x16xf32> to vector<16xf32>
          %mul3A_253 = vector.broadcast %select_n3A_220 : f32 to vector<16xf32>
          %mul3A_254 = arith.mulf %get3A_252, %mul3A_253 : vector<16xf32>
          %add3A_255 = arith.addf %scan3A_200, %mul3A_254 : vector<16xf32>
          %get3A_256 = arith.index_cast %scan3A_195 : i32 to index
          %get3A_257 = arith.constant 80 : index
          %get3A_258 = tpu.vector_load %arg6[%get3A_256, %get3A_257] {strides = array<i32>} : memref<112x256xf32, #tpu.memory_space<vmem>>, vector<1x16xf32>,
          %get3A_259 = vector.shape_cast %get3A_258 : vector<1x16xf32> to vector<16xf32>
          %mul3A_260 = vector.broadcast %select_n3A_220 : f32 to vector<16xf32>
          %mul3A_261 = arith.mulf %get3A_259, %mul3A_260 : vector<16xf32>
          %add3A_262 = arith.addf %scan3A_201, %mul3A_261 : vector<16xf32>
          %get3A_263 = arith.index_cast %scan3A_195 : i32 to index
          %get3A_264 = arith.constant 96 : index
          %get3A_265 = tpu.vector_load %arg6[%get3A_263, %get3A_264] {strides = array<i32>} : memref<112x256xf32, #tpu.memory_space<vmem>>, vector<1x16xf32>,
          %get3A_266 = vector.shape_cast %get3A_265 : vector<1x16xf32> to vector<16xf32>
          %mul3A_267 = vector.broadcast %select_n3A_220 : f32 to vector<16xf32>
          %mul3A_268 = arith.mulf %get3A_266, %mul3A_267 : vector<16xf32>
          %add3A_269 = arith.addf %scan3A_202, %mul3A_268 : vector<16xf32>
          %get3A_270 = arith.index_cast %scan3A_195 : i32 to index
          %get3A_271 = arith.constant 112 : index
          %get3A_272 = tpu.vector_load %arg6[%get3A_270, %get3A_271] {strides = array<i32>} : memref<112x256xf32, #tpu.memory_space<vmem>>, vector<1x16xf32>,
          %get3A_273 = vector.shape_cast %get3A_272 : vector<1x16xf32> to vector<16xf32>
          %mul3A_274 = vector.broadcast %select_n3A_220 : f32 to vector<16xf32>
          %mul3A_275 = arith.mulf %get3A_273, %mul3A_274 : vector<16xf32>
          %add3A_276 = arith.addf %scan3A_203, %mul3A_275 : vector<16xf32>
          %get3A_277 = arith.index_cast %scan3A_195 : i32 to index
          %get3A_278 = arith.constant 128 : index
          %get3A_279 = tpu.vector_load %arg6[%get3A_277, %get3A_278] {strides = array<i32>} : memref<112x256xf32, #tpu.memory_space<vmem>>, vector<1x16xf32>,
          %get3A_280 = vector.shape_cast %get3A_279 : vector<1x16xf32> to vector<16xf32>
          %mul3A_281 = vector.broadcast %select_n3A_220 : f32 to vector<16xf32>
          %mul3A_282 = arith.mulf %get3A_280, %mul3A_281 : vector<16xf32>
          %add3A_283 = arith.addf %scan3A_204, %mul3A_282 : vector<16xf32>
          %get3A_284 = arith.index_cast %scan3A_195 : i32 to index
          %get3A_285 = arith.constant 144 : index
          %get3A_286 = tpu.vector_load %arg6[%get3A_284, %get3A_285] {strides = array<i32>} : memref<112x256xf32, #tpu.memory_space<vmem>>, vector<1x16xf32>,
          %get3A_287 = vector.shape_cast %get3A_286 : vector<1x16xf32> to vector<16xf32>
          %mul3A_288 = vector.broadcast %select_n3A_220 : f32 to vector<16xf32>
          %mul3A_289 = arith.mulf %get3A_287, %mul3A_288 : vector<16xf32>
          %add3A_290 = arith.addf %scan3A_205, %mul3A_289 : vector<16xf32>
          %get3A_291 = arith.index_cast %scan3A_195 : i32 to index
          %get3A_292 = arith.constant 160 : index
          %get3A_293 = tpu.vector_load %arg6[%get3A_291, %get3A_292] {strides = array<i32>} : memref<112x256xf32, #tpu.memory_space<vmem>>, vector<1x16xf32>,
          %get3A_294 = vector.shape_cast %get3A_293 : vector<1x16xf32> to vector<16xf32>
          %mul3A_295 = vector.broadcast %select_n3A_220 : f32 to vector<16xf32>
          %mul3A_296 = arith.mulf %get3A_294, %mul3A_295 : vector<16xf32>
          %add3A_297 = arith.addf %scan3A_206, %mul3A_296 : vector<16xf32>
          %get3A_298 = arith.index_cast %scan3A_195 : i32 to index
          %get3A_299 = arith.constant 176 : index
          %get3A_300 = tpu.vector_load %arg6[%get3A_298, %get3A_299] {strides = array<i32>} : memref<112x256xf32, #tpu.memory_space<vmem>>, vector<1x16xf32>,
          %get3A_301 = vector.shape_cast %get3A_300 : vector<1x16xf32> to vector<16xf32>
          %mul3A_302 = vector.broadcast %select_n3A_220 : f32 to vector<16xf32>
          %mul3A_303 = arith.mulf %get3A_301, %mul3A_302 : vector<16xf32>
          %add3A_304 = arith.addf %scan3A_207, %mul3A_303 : vector<16xf32>
          %get3A_305 = arith.index_cast %scan3A_195 : i32 to index
          %get3A_306 = arith.constant 192 : index
          %get3A_307 = tpu.vector_load %arg6[%get3A_305, %get3A_306] {strides = array<i32>} : memref<112x256xf32, #tpu.memory_space<vmem>>, vector<1x16xf32>,
          %get3A_308 = vector.shape_cast %get3A_307 : vector<1x16xf32> to vector<16xf32>
          %mul3A_309 = vector.broadcast %select_n3A_220 : f32 to vector<16xf32>
          %mul3A_310 = arith.mulf %get3A_308, %mul3A_309 : vector<16xf32>
          %add3A_311 = arith.addf %scan3A_208, %mul3A_310 : vector<16xf32>
          %get3A_312 = arith.index_cast %scan3A_195 : i32 to index
          %get3A_313 = arith.constant 208 : index
          %get3A_314 = tpu.vector_load %arg6[%get3A_312, %get3A_313] {strides = array<i32>} : memref<112x256xf32, #tpu.memory_space<vmem>>, vector<1x16xf32>,
          %get3A_315 = vector.shape_cast %get3A_314 : vector<1x16xf32> to vector<16xf32>
          %mul3A_316 = vector.broadcast %select_n3A_220 : f32 to vector<16xf32>
          %mul3A_317 = arith.mulf %get3A_315, %mul3A_316 : vector<16xf32>
          %add3A_318 = arith.addf %scan3A_209, %mul3A_317 : vector<16xf32>
          %get3A_319 = arith.index_cast %scan3A_195 : i32 to index
          %get3A_320 = arith.constant 224 : index
          %get3A_321 = tpu.vector_load %arg6[%get3A_319, %get3A_320] {strides = array<i32>} : memref<112x256xf32, #tpu.memory_space<vmem>>, vector<1x16xf32>,
          %get3A_322 = vector.shape_cast %get3A_321 : vector<1x16xf32> to vector<16xf32>
          %mul3A_323 = vector.broadcast %select_n3A_220 : f32 to vector<16xf32>
          %mul3A_324 = arith.mulf %get3A_322, %mul3A_323 : vector<16xf32>
          %add3A_325 = arith.addf %scan3A_210, %mul3A_324 : vector<16xf32>
          %get3A_326 = arith.index_cast %scan3A_195 : i32 to index
          %get3A_327 = arith.constant 240 : index
          %get3A_328 = tpu.vector_load %arg6[%get3A_326, %get3A_327] {strides = array<i32>} : memref<112x256xf32, #tpu.memory_space<vmem>>, vector<1x16xf32>,
          %get3A_329 = vector.shape_cast %get3A_328 : vector<1x16xf32> to vector<16xf32>
          %mul3A_330 = vector.broadcast %select_n3A_220 : f32 to vector<16xf32>
          %mul3A_331 = arith.mulf %get3A_329, %mul3A_330 : vector<16xf32>
          %add3A_332 = arith.addf %scan3A_211, %mul3A_331 : vector<16xf32>
          %scan3A_333 = arith.constant 1 : i32
          %scan3A_334 = arith.addi %scan3A_195, %scan3A_333 : i32
          %add3A_335 = arith.addi %multiple_of3A, %scan3A_334 : i32
          %ge3A_336 = arith.cmpi sge, %add3A_335, %max3A : i32
          %lt3A_337 = arith.cmpi slt, %add3A_335, %squeeze3A_20 : i32
          %and3A_338 = arith.andi %ge3A_336, %lt3A_337 : i1
          %get3A_339 = arith.index_cast %scan3A_334 : i32 to index
          %get3A_340 = tpu.vector_load %arg7[%get3A_339] {strides = array<i32>} : memref<128xf32, #tpu.memory_space<vmem>>, vector<16xf32>,
          %get3A_341 = vector.shape_cast %get3A_340 : vector<16xf32> to vector<16xf32>
          %slice3A_342 = vector.extract_strided_slice %get3A_341 {offsets = [0], sizes = [1], strides = [1]} : vector<16xf32> to vector<1xf32>
          %squeeze3A_343 = vector.extract %slice3A_342[0] : f32 from vector<1xf32>
          %jit3A_344 = arith.constant 0.000000e+00 : f32
          %select_n3A_345 = arith.select %and3A_338, %squeeze3A_343, %jit3A_344 : f32
          %get3A_346 = arith.index_cast %scan3A_334 : i32 to index
          %get3A_347 = arith.constant 0 : index
          %get3A_348 = tpu.vector_load %arg6[%get3A_346, %get3A_347] {strides = array<i32>} : memref<112x256xf32, #tpu.memory_space<vmem>>, vector<1x16xf32>,
          %get3A_349 = vector.shape_cast %get3A_348 : vector<1x16xf32> to vector<16xf32>
          %mul3A_350 = vector.broadcast %select_n3A_345 : f32 to vector<16xf32>
          %mul3A_351 = arith.mulf %get3A_349, %mul3A_350 : vector<16xf32>
          %add3A_352 = arith.addf %add3A_227, %mul3A_351 : vector<16xf32>
          %get3A_353 = arith.index_cast %scan3A_334 : i32 to index
          %get3A_354 = arith.constant 16 : index
          %get3A_355 = tpu.vector_load %arg6[%get3A_353, %get3A_354] {strides = array<i32>} : memref<112x256xf32, #tpu.memory_space<vmem>>, vector<1x16xf32>,
          %get3A_356 = vector.shape_cast %get3A_355 : vector<1x16xf32> to vector<16xf32>
          %mul3A_357 = vector.broadcast %select_n3A_345 : f32 to vector<16xf32>
          %mul3A_358 = arith.mulf %get3A_356, %mul3A_357 : vector<16xf32>
          %add3A_359 = arith.addf %add3A_234, %mul3A_358 : vector<16xf32>
          %get3A_360 = arith.index_cast %scan3A_334 : i32 to index
          %get3A_361 = arith.constant 32 : index
          %get3A_362 = tpu.vector_load %arg6[%get3A_360, %get3A_361] {strides = array<i32>} : memref<112x256xf32, #tpu.memory_space<vmem>>, vector<1x16xf32>,
          %get3A_363 = vector.shape_cast %get3A_362 : vector<1x16xf32> to vector<16xf32>
          %mul3A_364 = vector.broadcast %select_n3A_345 : f32 to vector<16xf32>
          %mul3A_365 = arith.mulf %get3A_363, %mul3A_364 : vector<16xf32>
          %add3A_366 = arith.addf %add3A_241, %mul3A_365 : vector<16xf32>
          %get3A_367 = arith.index_cast %scan3A_334 : i32 to index
          %get3A_368 = arith.constant 48 : index
          %get3A_369 = tpu.vector_load %arg6[%get3A_367, %get3A_368] {strides = array<i32>} : memref<112x256xf32, #tpu.memory_space<vmem>>, vector<1x16xf32>,
          %get3A_370 = vector.shape_cast %get3A_369 : vector<1x16xf32> to vector<16xf32>
          %mul3A_371 = vector.broadcast %select_n3A_345 : f32 to vector<16xf32>
          %mul3A_372 = arith.mulf %get3A_370, %mul3A_371 : vector<16xf32>
          %add3A_373 = arith.addf %add3A_248, %mul3A_372 : vector<16xf32>
          %get3A_374 = arith.index_cast %scan3A_334 : i32 to index
          %get3A_375 = arith.constant 64 : index
          %get3A_376 = tpu.vector_load %arg6[%get3A_374, %get3A_375] {strides = array<i32>} : memref<112x256xf32, #tpu.memory_space<vmem>>, vector<1x16xf32>,
          %get3A_377 = vector.shape_cast %get3A_376 : vector<1x16xf32> to vector<16xf32>
          %mul3A_378 = vector.broadcast %select_n3A_345 : f32 to vector<16xf32>
          %mul3A_379 = arith.mulf %get3A_377, %mul3A_378 : vector<16xf32>
          %add3A_380 = arith.addf %add3A_255, %mul3A_379 : vector<16xf32>
          %get3A_381 = arith.index_cast %scan3A_334 : i32 to index
          %get3A_382 = arith.constant 80 : index
          %get3A_383 = tpu.vector_load %arg6[%get3A_381, %get3A_382] {strides = array<i32>} : memref<112x256xf32, #tpu.memory_space<vmem>>, vector<1x16xf32>,
          %get3A_384 = vector.shape_cast %get3A_383 : vector<1x16xf32> to vector<16xf32>
          %mul3A_385 = vector.broadcast %select_n3A_345 : f32 to vector<16xf32>
          %mul3A_386 = arith.mulf %get3A_384, %mul3A_385 : vector<16xf32>
          %add3A_387 = arith.addf %add3A_262, %mul3A_386 : vector<16xf32>
          %get3A_388 = arith.index_cast %scan3A_334 : i32 to index
          %get3A_389 = arith.constant 96 : index
          %get3A_390 = tpu.vector_load %arg6[%get3A_388, %get3A_389] {strides = array<i32>} : memref<112x256xf32, #tpu.memory_space<vmem>>, vector<1x16xf32>,
          %get3A_391 = vector.shape_cast %get3A_390 : vector<1x16xf32> to vector<16xf32>
          %mul3A_392 = vector.broadcast %select_n3A_345 : f32 to vector<16xf32>
          %mul3A_393 = arith.mulf %get3A_391, %mul3A_392 : vector<16xf32>
          %add3A_394 = arith.addf %add3A_269, %mul3A_393 : vector<16xf32>
          %get3A_395 = arith.index_cast %scan3A_334 : i32 to index
          %get3A_396 = arith.constant 112 : index
          %get3A_397 = tpu.vector_load %arg6[%get3A_395, %get3A_396] {strides = array<i32>} : memref<112x256xf32, #tpu.memory_space<vmem>>, vector<1x16xf32>,
          %get3A_398 = vector.shape_cast %get3A_397 : vector<1x16xf32> to vector<16xf32>
          %mul3A_399 = vector.broadcast %select_n3A_345 : f32 to vector<16xf32>
          %mul3A_400 = arith.mulf %get3A_398, %mul3A_399 : vector<16xf32>
          %add3A_401 = arith.addf %add3A_276, %mul3A_400 : vector<16xf32>
          %get3A_402 = arith.index_cast %scan3A_334 : i32 to index
          %get3A_403 = arith.constant 128 : index
          %get3A_404 = tpu.vector_load %arg6[%get3A_402, %get3A_403] {strides = array<i32>} : memref<112x256xf32, #tpu.memory_space<vmem>>, vector<1x16xf32>,
          %get3A_405 = vector.shape_cast %get3A_404 : vector<1x16xf32> to vector<16xf32>
          %mul3A_406 = vector.broadcast %select_n3A_345 : f32 to vector<16xf32>
          %mul3A_407 = arith.mulf %get3A_405, %mul3A_406 : vector<16xf32>
          %add3A_408 = arith.addf %add3A_283, %mul3A_407 : vector<16xf32>
          %get3A_409 = arith.index_cast %scan3A_334 : i32 to index
          %get3A_410 = arith.constant 144 : index
          %get3A_411 = tpu.vector_load %arg6[%get3A_409, %get3A_410] {strides = array<i32>} : memref<112x256xf32, #tpu.memory_space<vmem>>, vector<1x16xf32>,
          %get3A_412 = vector.shape_cast %get3A_411 : vector<1x16xf32> to vector<16xf32>
          %mul3A_413 = vector.broadcast %select_n3A_345 : f32 to vector<16xf32>
          %mul3A_414 = arith.mulf %get3A_412, %mul3A_413 : vector<16xf32>
          %add3A_415 = arith.addf %add3A_290, %mul3A_414 : vector<16xf32>
          %get3A_416 = arith.index_cast %scan3A_334 : i32 to index
          %get3A_417 = arith.constant 160 : index
          %get3A_418 = tpu.vector_load %arg6[%get3A_416, %get3A_417] {strides = array<i32>} : memref<112x256xf32, #tpu.memory_space<vmem>>, vector<1x16xf32>,
          %get3A_419 = vector.shape_cast %get3A_418 : vector<1x16xf32> to vector<16xf32>
          %mul3A_420 = vector.broadcast %select_n3A_345 : f32 to vector<16xf32>
          %mul3A_421 = arith.mulf %get3A_419, %mul3A_420 : vector<16xf32>
          %add3A_422 = arith.addf %add3A_297, %mul3A_421 : vector<16xf32>
          %get3A_423 = arith.index_cast %scan3A_334 : i32 to index
          %get3A_424 = arith.constant 176 : index
          %get3A_425 = tpu.vector_load %arg6[%get3A_423, %get3A_424] {strides = array<i32>} : memref<112x256xf32, #tpu.memory_space<vmem>>, vector<1x16xf32>,
          %get3A_426 = vector.shape_cast %get3A_425 : vector<1x16xf32> to vector<16xf32>
          %mul3A_427 = vector.broadcast %select_n3A_345 : f32 to vector<16xf32>
          %mul3A_428 = arith.mulf %get3A_426, %mul3A_427 : vector<16xf32>
          %add3A_429 = arith.addf %add3A_304, %mul3A_428 : vector<16xf32>
          %get3A_430 = arith.index_cast %scan3A_334 : i32 to index
          %get3A_431 = arith.constant 192 : index
          %get3A_432 = tpu.vector_load %arg6[%get3A_430, %get3A_431] {strides = array<i32>} : memref<112x256xf32, #tpu.memory_space<vmem>>, vector<1x16xf32>,
          %get3A_433 = vector.shape_cast %get3A_432 : vector<1x16xf32> to vector<16xf32>
          %mul3A_434 = vector.broadcast %select_n3A_345 : f32 to vector<16xf32>
          %mul3A_435 = arith.mulf %get3A_433, %mul3A_434 : vector<16xf32>
          %add3A_436 = arith.addf %add3A_311, %mul3A_435 : vector<16xf32>
          %get3A_437 = arith.index_cast %scan3A_334 : i32 to index
          %get3A_438 = arith.constant 208 : index
          %get3A_439 = tpu.vector_load %arg6[%get3A_437, %get3A_438] {strides = array<i32>} : memref<112x256xf32, #tpu.memory_space<vmem>>, vector<1x16xf32>,
          %get3A_440 = vector.shape_cast %get3A_439 : vector<1x16xf32> to vector<16xf32>
          %mul3A_441 = vector.broadcast %select_n3A_345 : f32 to vector<16xf32>
          %mul3A_442 = arith.mulf %get3A_440, %mul3A_441 : vector<16xf32>
          %add3A_443 = arith.addf %add3A_318, %mul3A_442 : vector<16xf32>
          %get3A_444 = arith.index_cast %scan3A_334 : i32 to index
          %get3A_445 = arith.constant 224 : index
          %get3A_446 = tpu.vector_load %arg6[%get3A_444, %get3A_445] {strides = array<i32>} : memref<112x256xf32, #tpu.memory_space<vmem>>, vector<1x16xf32>,
          %get3A_447 = vector.shape_cast %get3A_446 : vector<1x16xf32> to vector<16xf32>
          %mul3A_448 = vector.broadcast %select_n3A_345 : f32 to vector<16xf32>
          %mul3A_449 = arith.mulf %get3A_447, %mul3A_448 : vector<16xf32>
          %add3A_450 = arith.addf %add3A_325, %mul3A_449 : vector<16xf32>
          %get3A_451 = arith.index_cast %scan3A_334 : i32 to index
          %get3A_452 = arith.constant 240 : index
          %get3A_453 = tpu.vector_load %arg6[%get3A_451, %get3A_452] {strides = array<i32>} : memref<112x256xf32, #tpu.memory_space<vmem>>, vector<1x16xf32>,
          %get3A_454 = vector.shape_cast %get3A_453 : vector<1x16xf32> to vector<16xf32>
          %mul3A_455 = vector.broadcast %select_n3A_345 : f32 to vector<16xf32>
          %mul3A_456 = arith.mulf %get3A_454, %mul3A_455 : vector<16xf32>
          %add3A_457 = arith.addf %add3A_332, %mul3A_456 : vector<16xf32>
          %scan3A_458 = arith.constant 2 : i32
          %scan3A_459 = arith.addi %scan3A_195, %scan3A_458 : i32
          %add3A_460 = arith.addi %multiple_of3A, %scan3A_459 : i32
          %ge3A_461 = arith.cmpi sge, %add3A_460, %max3A : i32
          %lt3A_462 = arith.cmpi slt, %add3A_460, %squeeze3A_20 : i32
          %and3A_463 = arith.andi %ge3A_461, %lt3A_462 : i1
          %get3A_464 = arith.index_cast %scan3A_459 : i32 to index
          %get3A_465 = tpu.vector_load %arg7[%get3A_464] {strides = array<i32>} : memref<128xf32, #tpu.memory_space<vmem>>, vector<16xf32>,
          %get3A_466 = vector.shape_cast %get3A_465 : vector<16xf32> to vector<16xf32>
          %slice3A_467 = vector.extract_strided_slice %get3A_466 {offsets = [0], sizes = [1], strides = [1]} : vector<16xf32> to vector<1xf32>
          %squeeze3A_468 = vector.extract %slice3A_467[0] : f32 from vector<1xf32>
          %jit3A_469 = arith.constant 0.000000e+00 : f32
          %select_n3A_470 = arith.select %and3A_463, %squeeze3A_468, %jit3A_469 : f32
          %get3A_471 = arith.index_cast %scan3A_459 : i32 to index
          %get3A_472 = arith.constant 0 : index
          %get3A_473 = tpu.vector_load %arg6[%get3A_471, %get3A_472] {strides = array<i32>} : memref<112x256xf32, #tpu.memory_space<vmem>>, vector<1x16xf32>,
          %get3A_474 = vector.shape_cast %get3A_473 : vector<1x16xf32> to vector<16xf32>
          %mul3A_475 = vector.broadcast %select_n3A_470 : f32 to vector<16xf32>
          %mul3A_476 = arith.mulf %get3A_474, %mul3A_475 : vector<16xf32>
          %add3A_477 = arith.addf %add3A_352, %mul3A_476 : vector<16xf32>
          %get3A_478 = arith.index_cast %scan3A_459 : i32 to index
          %get3A_479 = arith.constant 16 : index
          %get3A_480 = tpu.vector_load %arg6[%get3A_478, %get3A_479] {strides = array<i32>} : memref<112x256xf32, #tpu.memory_space<vmem>>, vector<1x16xf32>,
          %get3A_481 = vector.shape_cast %get3A_480 : vector<1x16xf32> to vector<16xf32>
          %mul3A_482 = vector.broadcast %select_n3A_470 : f32 to vector<16xf32>
          %mul3A_483 = arith.mulf %get3A_481, %mul3A_482 : vector<16xf32>
          %add3A_484 = arith.addf %add3A_359, %mul3A_483 : vector<16xf32>
          %get3A_485 = arith.index_cast %scan3A_459 : i32 to index
          %get3A_486 = arith.constant 32 : index
          %get3A_487 = tpu.vector_load %arg6[%get3A_485, %get3A_486] {strides = array<i32>} : memref<112x256xf32, #tpu.memory_space<vmem>>, vector<1x16xf32>,
          %get3A_488 = vector.shape_cast %get3A_487 : vector<1x16xf32> to vector<16xf32>
          %mul3A_489 = vector.broadcast %select_n3A_470 : f32 to vector<16xf32>
          %mul3A_490 = arith.mulf %get3A_488, %mul3A_489 : vector<16xf32>
          %add3A_491 = arith.addf %add3A_366, %mul3A_490 : vector<16xf32>
          %get3A_492 = arith.index_cast %scan3A_459 : i32 to index
          %get3A_493 = arith.constant 48 : index
          %get3A_494 = tpu.vector_load %arg6[%get3A_492, %get3A_493] {strides = array<i32>} : memref<112x256xf32, #tpu.memory_space<vmem>>, vector<1x16xf32>,
          %get3A_495 = vector.shape_cast %get3A_494 : vector<1x16xf32> to vector<16xf32>
          %mul3A_496 = vector.broadcast %select_n3A_470 : f32 to vector<16xf32>
          %mul3A_497 = arith.mulf %get3A_495, %mul3A_496 : vector<16xf32>
          %add3A_498 = arith.addf %add3A_373, %mul3A_497 : vector<16xf32>
          %get3A_499 = arith.index_cast %scan3A_459 : i32 to index
          %get3A_500 = arith.constant 64 : index
          %get3A_501 = tpu.vector_load %arg6[%get3A_499, %get3A_500] {strides = array<i32>} : memref<112x256xf32, #tpu.memory_space<vmem>>, vector<1x16xf32>,
          %get3A_502 = vector.shape_cast %get3A_501 : vector<1x16xf32> to vector<16xf32>
          %mul3A_503 = vector.broadcast %select_n3A_470 : f32 to vector<16xf32>
          %mul3A_504 = arith.mulf %get3A_502, %mul3A_503 : vector<16xf32>
          %add3A_505 = arith.addf %add3A_380, %mul3A_504 : vector<16xf32>
          %get3A_506 = arith.index_cast %scan3A_459 : i32 to index
          %get3A_507 = arith.constant 80 : index
          %get3A_508 = tpu.vector_load %arg6[%get3A_506, %get3A_507] {strides = array<i32>} : memref<112x256xf32, #tpu.memory_space<vmem>>, vector<1x16xf32>,
          %get3A_509 = vector.shape_cast %get3A_508 : vector<1x16xf32> to vector<16xf32>
          %mul3A_510 = vector.broadcast %select_n3A_470 : f32 to vector<16xf32>
          %mul3A_511 = arith.mulf %get3A_509, %mul3A_510 : vector<16xf32>
          %add3A_512 = arith.addf %add3A_387, %mul3A_511 : vector<16xf32>
          %get3A_513 = arith.index_cast %scan3A_459 : i32 to index
          %get3A_514 = arith.constant 96 : index
          %get3A_515 = tpu.vector_load %arg6[%get3A_513, %get3A_514] {strides = array<i32>} : memref<112x256xf32, #tpu.memory_space<vmem>>, vector<1x16xf32>,
          %get3A_516 = vector.shape_cast %get3A_515 : vector<1x16xf32> to vector<16xf32>
          %mul3A_517 = vector.broadcast %select_n3A_470 : f32 to vector<16xf32>
          %mul3A_518 = arith.mulf %get3A_516, %mul3A_517 : vector<16xf32>
          %add3A_519 = arith.addf %add3A_394, %mul3A_518 : vector<16xf32>
          %get3A_520 = arith.index_cast %scan3A_459 : i32 to index
          %get3A_521 = arith.constant 112 : index
          %get3A_522 = tpu.vector_load %arg6[%get3A_520, %get3A_521] {strides = array<i32>} : memref<112x256xf32, #tpu.memory_space<vmem>>, vector<1x16xf32>,
          %get3A_523 = vector.shape_cast %get3A_522 : vector<1x16xf32> to vector<16xf32>
          %mul3A_524 = vector.broadcast %select_n3A_470 : f32 to vector<16xf32>
          %mul3A_525 = arith.mulf %get3A_523, %mul3A_524 : vector<16xf32>
          %add3A_526 = arith.addf %add3A_401, %mul3A_525 : vector<16xf32>
          %get3A_527 = arith.index_cast %scan3A_459 : i32 to index
          %get3A_528 = arith.constant 128 : index
          %get3A_529 = tpu.vector_load %arg6[%get3A_527, %get3A_528] {strides = array<i32>} : memref<112x256xf32, #tpu.memory_space<vmem>>, vector<1x16xf32>,
          %get3A_530 = vector.shape_cast %get3A_529 : vector<1x16xf32> to vector<16xf32>
          %mul3A_531 = vector.broadcast %select_n3A_470 : f32 to vector<16xf32>
          %mul3A_532 = arith.mulf %get3A_530, %mul3A_531 : vector<16xf32>
          %add3A_533 = arith.addf %add3A_408, %mul3A_532 : vector<16xf32>
          %get3A_534 = arith.index_cast %scan3A_459 : i32 to index
          %get3A_535 = arith.constant 144 : index
          %get3A_536 = tpu.vector_load %arg6[%get3A_534, %get3A_535] {strides = array<i32>} : memref<112x256xf32, #tpu.memory_space<vmem>>, vector<1x16xf32>,
          %get3A_537 = vector.shape_cast %get3A_536 : vector<1x16xf32> to vector<16xf32>
          %mul3A_538 = vector.broadcast %select_n3A_470 : f32 to vector<16xf32>
          %mul3A_539 = arith.mulf %get3A_537, %mul3A_538 : vector<16xf32>
          %add3A_540 = arith.addf %add3A_415, %mul3A_539 : vector<16xf32>
          %get3A_541 = arith.index_cast %scan3A_459 : i32 to index
          %get3A_542 = arith.constant 160 : index
          %get3A_543 = tpu.vector_load %arg6[%get3A_541, %get3A_542] {strides = array<i32>} : memref<112x256xf32, #tpu.memory_space<vmem>>, vector<1x16xf32>,
          %get3A_544 = vector.shape_cast %get3A_543 : vector<1x16xf32> to vector<16xf32>
          %mul3A_545 = vector.broadcast %select_n3A_470 : f32 to vector<16xf32>
          %mul3A_546 = arith.mulf %get3A_544, %mul3A_545 : vector<16xf32>
          %add3A_547 = arith.addf %add3A_422, %mul3A_546 : vector<16xf32>
          %get3A_548 = arith.index_cast %scan3A_459 : i32 to index
          %get3A_549 = arith.constant 176 : index
          %get3A_550 = tpu.vector_load %arg6[%get3A_548, %get3A_549] {strides = array<i32>} : memref<112x256xf32, #tpu.memory_space<vmem>>, vector<1x16xf32>,
          %get3A_551 = vector.shape_cast %get3A_550 : vector<1x16xf32> to vector<16xf32>
          %mul3A_552 = vector.broadcast %select_n3A_470 : f32 to vector<16xf32>
          %mul3A_553 = arith.mulf %get3A_551, %mul3A_552 : vector<16xf32>
          %add3A_554 = arith.addf %add3A_429, %mul3A_553 : vector<16xf32>
          %get3A_555 = arith.index_cast %scan3A_459 : i32 to index
          %get3A_556 = arith.constant 192 : index
          %get3A_557 = tpu.vector_load %arg6[%get3A_555, %get3A_556] {strides = array<i32>} : memref<112x256xf32, #tpu.memory_space<vmem>>, vector<1x16xf32>,
          %get3A_558 = vector.shape_cast %get3A_557 : vector<1x16xf32> to vector<16xf32>
          %mul3A_559 = vector.broadcast %select_n3A_470 : f32 to vector<16xf32>
          %mul3A_560 = arith.mulf %get3A_558, %mul3A_559 : vector<16xf32>
          %add3A_561 = arith.addf %add3A_436, %mul3A_560 : vector<16xf32>
          %get3A_562 = arith.index_cast %scan3A_459 : i32 to index
          %get3A_563 = arith.constant 208 : index
          %get3A_564 = tpu.vector_load %arg6[%get3A_562, %get3A_563] {strides = array<i32>} : memref<112x256xf32, #tpu.memory_space<vmem>>, vector<1x16xf32>,
          %get3A_565 = vector.shape_cast %get3A_564 : vector<1x16xf32> to vector<16xf32>
          %mul3A_566 = vector.broadcast %select_n3A_470 : f32 to vector<16xf32>
          %mul3A_567 = arith.mulf %get3A_565, %mul3A_566 : vector<16xf32>
          %add3A_568 = arith.addf %add3A_443, %mul3A_567 : vector<16xf32>
          %get3A_569 = arith.index_cast %scan3A_459 : i32 to index
          %get3A_570 = arith.constant 224 : index
          %get3A_571 = tpu.vector_load %arg6[%get3A_569, %get3A_570] {strides = array<i32>} : memref<112x256xf32, #tpu.memory_space<vmem>>, vector<1x16xf32>,
          %get3A_572 = vector.shape_cast %get3A_571 : vector<1x16xf32> to vector<16xf32>
          %mul3A_573 = vector.broadcast %select_n3A_470 : f32 to vector<16xf32>
          %mul3A_574 = arith.mulf %get3A_572, %mul3A_573 : vector<16xf32>
          %add3A_575 = arith.addf %add3A_450, %mul3A_574 : vector<16xf32>
          %get3A_576 = arith.index_cast %scan3A_459 : i32 to index
          %get3A_577 = arith.constant 240 : index
          %get3A_578 = tpu.vector_load %arg6[%get3A_576, %get3A_577] {strides = array<i32>} : memref<112x256xf32, #tpu.memory_space<vmem>>, vector<1x16xf32>,
          %get3A_579 = vector.shape_cast %get3A_578 : vector<1x16xf32> to vector<16xf32>
          %mul3A_580 = vector.broadcast %select_n3A_470 : f32 to vector<16xf32>
          %mul3A_581 = arith.mulf %get3A_579, %mul3A_580 : vector<16xf32>
          %add3A_582 = arith.addf %add3A_457, %mul3A_581 : vector<16xf32>
          %scan3A_583 = arith.constant 3 : i32
          %scan3A_584 = arith.addi %scan3A_195, %scan3A_583 : i32
          %add3A_585 = arith.addi %multiple_of3A, %scan3A_584 : i32
          %ge3A_586 = arith.cmpi sge, %add3A_585, %max3A : i32
          %lt3A_587 = arith.cmpi slt, %add3A_585, %squeeze3A_20 : i32
          %and3A_588 = arith.andi %ge3A_586, %lt3A_587 : i1
          %get3A_589 = arith.index_cast %scan3A_584 : i32 to index
          %get3A_590 = tpu.vector_load %arg7[%get3A_589] {strides = array<i32>} : memref<128xf32, #tpu.memory_space<vmem>>, vector<16xf32>,
          %get3A_591 = vector.shape_cast %get3A_590 : vector<16xf32> to vector<16xf32>
          %slice3A_592 = vector.extract_strided_slice %get3A_591 {offsets = [0], sizes = [1], strides = [1]} : vector<16xf32> to vector<1xf32>
          %squeeze3A_593 = vector.extract %slice3A_592[0] : f32 from vector<1xf32>
          %jit3A_594 = arith.constant 0.000000e+00 : f32
          %select_n3A_595 = arith.select %and3A_588, %squeeze3A_593, %jit3A_594 : f32
          %get3A_596 = arith.index_cast %scan3A_584 : i32 to index
          %get3A_597 = arith.constant 0 : index
          %get3A_598 = tpu.vector_load %arg6[%get3A_596, %get3A_597] {strides = array<i32>} : memref<112x256xf32, #tpu.memory_space<vmem>>, vector<1x16xf32>,
          %get3A_599 = vector.shape_cast %get3A_598 : vector<1x16xf32> to vector<16xf32>
          %mul3A_600 = vector.broadcast %select_n3A_595 : f32 to vector<16xf32>
          %mul3A_601 = arith.mulf %get3A_599, %mul3A_600 : vector<16xf32>
          %add3A_602 = arith.addf %add3A_477, %mul3A_601 : vector<16xf32>
          %get3A_603 = arith.index_cast %scan3A_584 : i32 to index
          %get3A_604 = arith.constant 16 : index
          %get3A_605 = tpu.vector_load %arg6[%get3A_603, %get3A_604] {strides = array<i32>} : memref<112x256xf32, #tpu.memory_space<vmem>>, vector<1x16xf32>,
          %get3A_606 = vector.shape_cast %get3A_605 : vector<1x16xf32> to vector<16xf32>
          %mul3A_607 = vector.broadcast %select_n3A_595 : f32 to vector<16xf32>
          %mul3A_608 = arith.mulf %get3A_606, %mul3A_607 : vector<16xf32>
          %add3A_609 = arith.addf %add3A_484, %mul3A_608 : vector<16xf32>
          %get3A_610 = arith.index_cast %scan3A_584 : i32 to index
          %get3A_611 = arith.constant 32 : index
          %get3A_612 = tpu.vector_load %arg6[%get3A_610, %get3A_611] {strides = array<i32>} : memref<112x256xf32, #tpu.memory_space<vmem>>, vector<1x16xf32>,
          %get3A_613 = vector.shape_cast %get3A_612 : vector<1x16xf32> to vector<16xf32>
          %mul3A_614 = vector.broadcast %select_n3A_595 : f32 to vector<16xf32>
          %mul3A_615 = arith.mulf %get3A_613, %mul3A_614 : vector<16xf32>
          %add3A_616 = arith.addf %add3A_491, %mul3A_615 : vector<16xf32>
          %get3A_617 = arith.index_cast %scan3A_584 : i32 to index
          %get3A_618 = arith.constant 48 : index
          %get3A_619 = tpu.vector_load %arg6[%get3A_617, %get3A_618] {strides = array<i32>} : memref<112x256xf32, #tpu.memory_space<vmem>>, vector<1x16xf32>,
          %get3A_620 = vector.shape_cast %get3A_619 : vector<1x16xf32> to vector<16xf32>
          %mul3A_621 = vector.broadcast %select_n3A_595 : f32 to vector<16xf32>
          %mul3A_622 = arith.mulf %get3A_620, %mul3A_621 : vector<16xf32>
          %add3A_623 = arith.addf %add3A_498, %mul3A_622 : vector<16xf32>
          %get3A_624 = arith.index_cast %scan3A_584 : i32 to index
          %get3A_625 = arith.constant 64 : index
          %get3A_626 = tpu.vector_load %arg6[%get3A_624, %get3A_625] {strides = array<i32>} : memref<112x256xf32, #tpu.memory_space<vmem>>, vector<1x16xf32>,
          %get3A_627 = vector.shape_cast %get3A_626 : vector<1x16xf32> to vector<16xf32>
          %mul3A_628 = vector.broadcast %select_n3A_595 : f32 to vector<16xf32>
          %mul3A_629 = arith.mulf %get3A_627, %mul3A_628 : vector<16xf32>
          %add3A_630 = arith.addf %add3A_505, %mul3A_629 : vector<16xf32>
          %get3A_631 = arith.index_cast %scan3A_584 : i32 to index
          %get3A_632 = arith.constant 80 : index
          %get3A_633 = tpu.vector_load %arg6[%get3A_631, %get3A_632] {strides = array<i32>} : memref<112x256xf32, #tpu.memory_space<vmem>>, vector<1x16xf32>,
          %get3A_634 = vector.shape_cast %get3A_633 : vector<1x16xf32> to vector<16xf32>
          %mul3A_635 = vector.broadcast %select_n3A_595 : f32 to vector<16xf32>
          %mul3A_636 = arith.mulf %get3A_634, %mul3A_635 : vector<16xf32>
          %add3A_637 = arith.addf %add3A_512, %mul3A_636 : vector<16xf32>
          %get3A_638 = arith.index_cast %scan3A_584 : i32 to index
          %get3A_639 = arith.constant 96 : index
          %get3A_640 = tpu.vector_load %arg6[%get3A_638, %get3A_639] {strides = array<i32>} : memref<112x256xf32, #tpu.memory_space<vmem>>, vector<1x16xf32>,
          %get3A_641 = vector.shape_cast %get3A_640 : vector<1x16xf32> to vector<16xf32>
          %mul3A_642 = vector.broadcast %select_n3A_595 : f32 to vector<16xf32>
          %mul3A_643 = arith.mulf %get3A_641, %mul3A_642 : vector<16xf32>
          %add3A_644 = arith.addf %add3A_519, %mul3A_643 : vector<16xf32>
          %get3A_645 = arith.index_cast %scan3A_584 : i32 to index
          %get3A_646 = arith.constant 112 : index
          %get3A_647 = tpu.vector_load %arg6[%get3A_645, %get3A_646] {strides = array<i32>} : memref<112x256xf32, #tpu.memory_space<vmem>>, vector<1x16xf32>,
          %get3A_648 = vector.shape_cast %get3A_647 : vector<1x16xf32> to vector<16xf32>
          %mul3A_649 = vector.broadcast %select_n3A_595 : f32 to vector<16xf32>
          %mul3A_650 = arith.mulf %get3A_648, %mul3A_649 : vector<16xf32>
          %add3A_651 = arith.addf %add3A_526, %mul3A_650 : vector<16xf32>
          %get3A_652 = arith.index_cast %scan3A_584 : i32 to index
          %get3A_653 = arith.constant 128 : index
          %get3A_654 = tpu.vector_load %arg6[%get3A_652, %get3A_653] {strides = array<i32>} : memref<112x256xf32, #tpu.memory_space<vmem>>, vector<1x16xf32>,
          %get3A_655 = vector.shape_cast %get3A_654 : vector<1x16xf32> to vector<16xf32>
          %mul3A_656 = vector.broadcast %select_n3A_595 : f32 to vector<16xf32>
          %mul3A_657 = arith.mulf %get3A_655, %mul3A_656 : vector<16xf32>
          %add3A_658 = arith.addf %add3A_533, %mul3A_657 : vector<16xf32>
          %get3A_659 = arith.index_cast %scan3A_584 : i32 to index
          %get3A_660 = arith.constant 144 : index
          %get3A_661 = tpu.vector_load %arg6[%get3A_659, %get3A_660] {strides = array<i32>} : memref<112x256xf32, #tpu.memory_space<vmem>>, vector<1x16xf32>,
          %get3A_662 = vector.shape_cast %get3A_661 : vector<1x16xf32> to vector<16xf32>
          %mul3A_663 = vector.broadcast %select_n3A_595 : f32 to vector<16xf32>
          %mul3A_664 = arith.mulf %get3A_662, %mul3A_663 : vector<16xf32>
          %add3A_665 = arith.addf %add3A_540, %mul3A_664 : vector<16xf32>
          %get3A_666 = arith.index_cast %scan3A_584 : i32 to index
          %get3A_667 = arith.constant 160 : index
          %get3A_668 = tpu.vector_load %arg6[%get3A_666, %get3A_667] {strides = array<i32>} : memref<112x256xf32, #tpu.memory_space<vmem>>, vector<1x16xf32>,
          %get3A_669 = vector.shape_cast %get3A_668 : vector<1x16xf32> to vector<16xf32>
          %mul3A_670 = vector.broadcast %select_n3A_595 : f32 to vector<16xf32>
          %mul3A_671 = arith.mulf %get3A_669, %mul3A_670 : vector<16xf32>
          %add3A_672 = arith.addf %add3A_547, %mul3A_671 : vector<16xf32>
          %get3A_673 = arith.index_cast %scan3A_584 : i32 to index
          %get3A_674 = arith.constant 176 : index
          %get3A_675 = tpu.vector_load %arg6[%get3A_673, %get3A_674] {strides = array<i32>} : memref<112x256xf32, #tpu.memory_space<vmem>>, vector<1x16xf32>,
          %get3A_676 = vector.shape_cast %get3A_675 : vector<1x16xf32> to vector<16xf32>
          %mul3A_677 = vector.broadcast %select_n3A_595 : f32 to vector<16xf32>
          %mul3A_678 = arith.mulf %get3A_676, %mul3A_677 : vector<16xf32>
          %add3A_679 = arith.addf %add3A_554, %mul3A_678 : vector<16xf32>
          %get3A_680 = arith.index_cast %scan3A_584 : i32 to index
          %get3A_681 = arith.constant 192 : index
          %get3A_682 = tpu.vector_load %arg6[%get3A_680, %get3A_681] {strides = array<i32>} : memref<112x256xf32, #tpu.memory_space<vmem>>, vector<1x16xf32>,
          %get3A_683 = vector.shape_cast %get3A_682 : vector<1x16xf32> to vector<16xf32>
          %mul3A_684 = vector.broadcast %select_n3A_595 : f32 to vector<16xf32>
          %mul3A_685 = arith.mulf %get3A_683, %mul3A_684 : vector<16xf32>
          %add3A_686 = arith.addf %add3A_561, %mul3A_685 : vector<16xf32>
          %get3A_687 = arith.index_cast %scan3A_584 : i32 to index
          %get3A_688 = arith.constant 208 : index
          %get3A_689 = tpu.vector_load %arg6[%get3A_687, %get3A_688] {strides = array<i32>} : memref<112x256xf32, #tpu.memory_space<vmem>>, vector<1x16xf32>,
          %get3A_690 = vector.shape_cast %get3A_689 : vector<1x16xf32> to vector<16xf32>
          %mul3A_691 = vector.broadcast %select_n3A_595 : f32 to vector<16xf32>
          %mul3A_692 = arith.mulf %get3A_690, %mul3A_691 : vector<16xf32>
          %add3A_693 = arith.addf %add3A_568, %mul3A_692 : vector<16xf32>
          %get3A_694 = arith.index_cast %scan3A_584 : i32 to index
          %get3A_695 = arith.constant 224 : index
          %get3A_696 = tpu.vector_load %arg6[%get3A_694, %get3A_695] {strides = array<i32>} : memref<112x256xf32, #tpu.memory_space<vmem>>, vector<1x16xf32>,
          %get3A_697 = vector.shape_cast %get3A_696 : vector<1x16xf32> to vector<16xf32>
          %mul3A_698 = vector.broadcast %select_n3A_595 : f32 to vector<16xf32>
          %mul3A_699 = arith.mulf %get3A_697, %mul3A_698 : vector<16xf32>
          %add3A_700 = arith.addf %add3A_575, %mul3A_699 : vector<16xf32>
          %get3A_701 = arith.index_cast %scan3A_584 : i32 to index
          %get3A_702 = arith.constant 240 : index
          %get3A_703 = tpu.vector_load %arg6[%get3A_701, %get3A_702] {strides = array<i32>} : memref<112x256xf32, #tpu.memory_space<vmem>>, vector<1x16xf32>,
          %get3A_704 = vector.shape_cast %get3A_703 : vector<1x16xf32> to vector<16xf32>
          %mul3A_705 = vector.broadcast %select_n3A_595 : f32 to vector<16xf32>
          %mul3A_706 = arith.mulf %get3A_704, %mul3A_705 : vector<16xf32>
          %add3A_707 = arith.addf %add3A_582, %mul3A_706 : vector<16xf32>
          %scan3A_708 = arith.constant 4 : i32
          %scan3A_709 = arith.addi %scan3A_195, %scan3A_708 : i32
          %add3A_710 = arith.addi %multiple_of3A, %scan3A_709 : i32
          %ge3A_711 = arith.cmpi sge, %add3A_710, %max3A : i32
          %lt3A_712 = arith.cmpi slt, %add3A_710, %squeeze3A_20 : i32
          %and3A_713 = arith.andi %ge3A_711, %lt3A_712 : i1
          %get3A_714 = arith.index_cast %scan3A_709 : i32 to index
          %get3A_715 = tpu.vector_load %arg7[%get3A_714] {strides = array<i32>} : memref<128xf32, #tpu.memory_space<vmem>>, vector<16xf32>,
          %get3A_716 = vector.shape_cast %get3A_715 : vector<16xf32> to vector<16xf32>
          %slice3A_717 = vector.extract_strided_slice %get3A_716 {offsets = [0], sizes = [1], strides = [1]} : vector<16xf32> to vector<1xf32>
          %squeeze3A_718 = vector.extract %slice3A_717[0] : f32 from vector<1xf32>
          %jit3A_719 = arith.constant 0.000000e+00 : f32
          %select_n3A_720 = arith.select %and3A_713, %squeeze3A_718, %jit3A_719 : f32
          %get3A_721 = arith.index_cast %scan3A_709 : i32 to index
          %get3A_722 = arith.constant 0 : index
          %get3A_723 = tpu.vector_load %arg6[%get3A_721, %get3A_722] {strides = array<i32>} : memref<112x256xf32, #tpu.memory_space<vmem>>, vector<1x16xf32>,
          %get3A_724 = vector.shape_cast %get3A_723 : vector<1x16xf32> to vector<16xf32>
          %mul3A_725 = vector.broadcast %select_n3A_720 : f32 to vector<16xf32>
          %mul3A_726 = arith.mulf %get3A_724, %mul3A_725 : vector<16xf32>
          %add3A_727 = arith.addf %add3A_602, %mul3A_726 : vector<16xf32>
          %get3A_728 = arith.index_cast %scan3A_709 : i32 to index
          %get3A_729 = arith.constant 16 : index
          %get3A_730 = tpu.vector_load %arg6[%get3A_728, %get3A_729] {strides = array<i32>} : memref<112x256xf32, #tpu.memory_space<vmem>>, vector<1x16xf32>,
          %get3A_731 = vector.shape_cast %get3A_730 : vector<1x16xf32> to vector<16xf32>
          %mul3A_732 = vector.broadcast %select_n3A_720 : f32 to vector<16xf32>
          %mul3A_733 = arith.mulf %get3A_731, %mul3A_732 : vector<16xf32>
          %add3A_734 = arith.addf %add3A_609, %mul3A_733 : vector<16xf32>
          %get3A_735 = arith.index_cast %scan3A_709 : i32 to index
          %get3A_736 = arith.constant 32 : index
          %get3A_737 = tpu.vector_load %arg6[%get3A_735, %get3A_736] {strides = array<i32>} : memref<112x256xf32, #tpu.memory_space<vmem>>, vector<1x16xf32>,
          %get3A_738 = vector.shape_cast %get3A_737 : vector<1x16xf32> to vector<16xf32>
          %mul3A_739 = vector.broadcast %select_n3A_720 : f32 to vector<16xf32>
          %mul3A_740 = arith.mulf %get3A_738, %mul3A_739 : vector<16xf32>
          %add3A_741 = arith.addf %add3A_616, %mul3A_740 : vector<16xf32>
          %get3A_742 = arith.index_cast %scan3A_709 : i32 to index
          %get3A_743 = arith.constant 48 : index
          %get3A_744 = tpu.vector_load %arg6[%get3A_742, %get3A_743] {strides = array<i32>} : memref<112x256xf32, #tpu.memory_space<vmem>>, vector<1x16xf32>,
          %get3A_745 = vector.shape_cast %get3A_744 : vector<1x16xf32> to vector<16xf32>
          %mul3A_746 = vector.broadcast %select_n3A_720 : f32 to vector<16xf32>
          %mul3A_747 = arith.mulf %get3A_745, %mul3A_746 : vector<16xf32>
          %add3A_748 = arith.addf %add3A_623, %mul3A_747 : vector<16xf32>
          %get3A_749 = arith.index_cast %scan3A_709 : i32 to index
          %get3A_750 = arith.constant 64 : index
          %get3A_751 = tpu.vector_load %arg6[%get3A_749, %get3A_750] {strides = array<i32>} : memref<112x256xf32, #tpu.memory_space<vmem>>, vector<1x16xf32>,
          %get3A_752 = vector.shape_cast %get3A_751 : vector<1x16xf32> to vector<16xf32>
          %mul3A_753 = vector.broadcast %select_n3A_720 : f32 to vector<16xf32>
          %mul3A_754 = arith.mulf %get3A_752, %mul3A_753 : vector<16xf32>
          %add3A_755 = arith.addf %add3A_630, %mul3A_754 : vector<16xf32>
          %get3A_756 = arith.index_cast %scan3A_709 : i32 to index
          %get3A_757 = arith.constant 80 : index
          %get3A_758 = tpu.vector_load %arg6[%get3A_756, %get3A_757] {strides = array<i32>} : memref<112x256xf32, #tpu.memory_space<vmem>>, vector<1x16xf32>,
          %get3A_759 = vector.shape_cast %get3A_758 : vector<1x16xf32> to vector<16xf32>
          %mul3A_760 = vector.broadcast %select_n3A_720 : f32 to vector<16xf32>
          %mul3A_761 = arith.mulf %get3A_759, %mul3A_760 : vector<16xf32>
          %add3A_762 = arith.addf %add3A_637, %mul3A_761 : vector<16xf32>
          %get3A_763 = arith.index_cast %scan3A_709 : i32 to index
          %get3A_764 = arith.constant 96 : index
          %get3A_765 = tpu.vector_load %arg6[%get3A_763, %get3A_764] {strides = array<i32>} : memref<112x256xf32, #tpu.memory_space<vmem>>, vector<1x16xf32>,
          %get3A_766 = vector.shape_cast %get3A_765 : vector<1x16xf32> to vector<16xf32>
          %mul3A_767 = vector.broadcast %select_n3A_720 : f32 to vector<16xf32>
          %mul3A_768 = arith.mulf %get3A_766, %mul3A_767 : vector<16xf32>
          %add3A_769 = arith.addf %add3A_644, %mul3A_768 : vector<16xf32>
          %get3A_770 = arith.index_cast %scan3A_709 : i32 to index
          %get3A_771 = arith.constant 112 : index
          %get3A_772 = tpu.vector_load %arg6[%get3A_770, %get3A_771] {strides = array<i32>} : memref<112x256xf32, #tpu.memory_space<vmem>>, vector<1x16xf32>,
          %get3A_773 = vector.shape_cast %get3A_772 : vector<1x16xf32> to vector<16xf32>
          %mul3A_774 = vector.broadcast %select_n3A_720 : f32 to vector<16xf32>
          %mul3A_775 = arith.mulf %get3A_773, %mul3A_774 : vector<16xf32>
          %add3A_776 = arith.addf %add3A_651, %mul3A_775 : vector<16xf32>
          %get3A_777 = arith.index_cast %scan3A_709 : i32 to index
          %get3A_778 = arith.constant 128 : index
          %get3A_779 = tpu.vector_load %arg6[%get3A_777, %get3A_778] {strides = array<i32>} : memref<112x256xf32, #tpu.memory_space<vmem>>, vector<1x16xf32>,
          %get3A_780 = vector.shape_cast %get3A_779 : vector<1x16xf32> to vector<16xf32>
          %mul3A_781 = vector.broadcast %select_n3A_720 : f32 to vector<16xf32>
          %mul3A_782 = arith.mulf %get3A_780, %mul3A_781 : vector<16xf32>
          %add3A_783 = arith.addf %add3A_658, %mul3A_782 : vector<16xf32>
          %get3A_784 = arith.index_cast %scan3A_709 : i32 to index
          %get3A_785 = arith.constant 144 : index
          %get3A_786 = tpu.vector_load %arg6[%get3A_784, %get3A_785] {strides = array<i32>} : memref<112x256xf32, #tpu.memory_space<vmem>>, vector<1x16xf32>,
          %get3A_787 = vector.shape_cast %get3A_786 : vector<1x16xf32> to vector<16xf32>
          %mul3A_788 = vector.broadcast %select_n3A_720 : f32 to vector<16xf32>
          %mul3A_789 = arith.mulf %get3A_787, %mul3A_788 : vector<16xf32>
          %add3A_790 = arith.addf %add3A_665, %mul3A_789 : vector<16xf32>
          %get3A_791 = arith.index_cast %scan3A_709 : i32 to index
          %get3A_792 = arith.constant 160 : index
          %get3A_793 = tpu.vector_load %arg6[%get3A_791, %get3A_792] {strides = array<i32>} : memref<112x256xf32, #tpu.memory_space<vmem>>, vector<1x16xf32>,
          %get3A_794 = vector.shape_cast %get3A_793 : vector<1x16xf32> to vector<16xf32>
          %mul3A_795 = vector.broadcast %select_n3A_720 : f32 to vector<16xf32>
          %mul3A_796 = arith.mulf %get3A_794, %mul3A_795 : vector<16xf32>
          %add3A_797 = arith.addf %add3A_672, %mul3A_796 : vector<16xf32>
          %get3A_798 = arith.index_cast %scan3A_709 : i32 to index
          %get3A_799 = arith.constant 176 : index
          %get3A_800 = tpu.vector_load %arg6[%get3A_798, %get3A_799] {strides = array<i32>} : memref<112x256xf32, #tpu.memory_space<vmem>>, vector<1x16xf32>,
          %get3A_801 = vector.shape_cast %get3A_800 : vector<1x16xf32> to vector<16xf32>
          %mul3A_802 = vector.broadcast %select_n3A_720 : f32 to vector<16xf32>
          %mul3A_803 = arith.mulf %get3A_801, %mul3A_802 : vector<16xf32>
          %add3A_804 = arith.addf %add3A_679, %mul3A_803 : vector<16xf32>
          %get3A_805 = arith.index_cast %scan3A_709 : i32 to index
          %get3A_806 = arith.constant 192 : index
          %get3A_807 = tpu.vector_load %arg6[%get3A_805, %get3A_806] {strides = array<i32>} : memref<112x256xf32, #tpu.memory_space<vmem>>, vector<1x16xf32>,
          %get3A_808 = vector.shape_cast %get3A_807 : vector<1x16xf32> to vector<16xf32>
          %mul3A_809 = vector.broadcast %select_n3A_720 : f32 to vector<16xf32>
          %mul3A_810 = arith.mulf %get3A_808, %mul3A_809 : vector<16xf32>
          %add3A_811 = arith.addf %add3A_686, %mul3A_810 : vector<16xf32>
          %get3A_812 = arith.index_cast %scan3A_709 : i32 to index
          %get3A_813 = arith.constant 208 : index
          %get3A_814 = tpu.vector_load %arg6[%get3A_812, %get3A_813] {strides = array<i32>} : memref<112x256xf32, #tpu.memory_space<vmem>>, vector<1x16xf32>,
          %get3A_815 = vector.shape_cast %get3A_814 : vector<1x16xf32> to vector<16xf32>
          %mul3A_816 = vector.broadcast %select_n3A_720 : f32 to vector<16xf32>
          %mul3A_817 = arith.mulf %get3A_815, %mul3A_816 : vector<16xf32>
          %add3A_818 = arith.addf %add3A_693, %mul3A_817 : vector<16xf32>
          %get3A_819 = arith.index_cast %scan3A_709 : i32 to index
          %get3A_820 = arith.constant 224 : index
          %get3A_821 = tpu.vector_load %arg6[%get3A_819, %get3A_820] {strides = array<i32>} : memref<112x256xf32, #tpu.memory_space<vmem>>, vector<1x16xf32>,
          %get3A_822 = vector.shape_cast %get3A_821 : vector<1x16xf32> to vector<16xf32>
          %mul3A_823 = vector.broadcast %select_n3A_720 : f32 to vector<16xf32>
          %mul3A_824 = arith.mulf %get3A_822, %mul3A_823 : vector<16xf32>
          %add3A_825 = arith.addf %add3A_700, %mul3A_824 : vector<16xf32>
          %get3A_826 = arith.index_cast %scan3A_709 : i32 to index
          %get3A_827 = arith.constant 240 : index
          %get3A_828 = tpu.vector_load %arg6[%get3A_826, %get3A_827] {strides = array<i32>} : memref<112x256xf32, #tpu.memory_space<vmem>>, vector<1x16xf32>,
          %get3A_829 = vector.shape_cast %get3A_828 : vector<1x16xf32> to vector<16xf32>
          %mul3A_830 = vector.broadcast %select_n3A_720 : f32 to vector<16xf32>
          %mul3A_831 = arith.mulf %get3A_829, %mul3A_830 : vector<16xf32>
          %add3A_832 = arith.addf %add3A_707, %mul3A_831 : vector<16xf32>
          %scan3A_833 = arith.constant 5 : i32
          %scan3A_834 = arith.addi %scan3A_195, %scan3A_833 : i32
          %add3A_835 = arith.addi %multiple_of3A, %scan3A_834 : i32
          %ge3A_836 = arith.cmpi sge, %add3A_835, %max3A : i32
          %lt3A_837 = arith.cmpi slt, %add3A_835, %squeeze3A_20 : i32
          %and3A_838 = arith.andi %ge3A_836, %lt3A_837 : i1
          %get3A_839 = arith.index_cast %scan3A_834 : i32 to index
          %get3A_840 = tpu.vector_load %arg7[%get3A_839] {strides = array<i32>} : memref<128xf32, #tpu.memory_space<vmem>>, vector<16xf32>,
          %get3A_841 = vector.shape_cast %get3A_840 : vector<16xf32> to vector<16xf32>
          %slice3A_842 = vector.extract_strided_slice %get3A_841 {offsets = [0], sizes = [1], strides = [1]} : vector<16xf32> to vector<1xf32>
          %squeeze3A_843 = vector.extract %slice3A_842[0] : f32 from vector<1xf32>
          %jit3A_844 = arith.constant 0.000000e+00 : f32
          %select_n3A_845 = arith.select %and3A_838, %squeeze3A_843, %jit3A_844 : f32
          %get3A_846 = arith.index_cast %scan3A_834 : i32 to index
          %get3A_847 = arith.constant 0 : index
          %get3A_848 = tpu.vector_load %arg6[%get3A_846, %get3A_847] {strides = array<i32>} : memref<112x256xf32, #tpu.memory_space<vmem>>, vector<1x16xf32>,
          %get3A_849 = vector.shape_cast %get3A_848 : vector<1x16xf32> to vector<16xf32>
          %mul3A_850 = vector.broadcast %select_n3A_845 : f32 to vector<16xf32>
          %mul3A_851 = arith.mulf %get3A_849, %mul3A_850 : vector<16xf32>
          %add3A_852 = arith.addf %add3A_727, %mul3A_851 : vector<16xf32>
          %get3A_853 = arith.index_cast %scan3A_834 : i32 to index
          %get3A_854 = arith.constant 16 : index
          %get3A_855 = tpu.vector_load %arg6[%get3A_853, %get3A_854] {strides = array<i32>} : memref<112x256xf32, #tpu.memory_space<vmem>>, vector<1x16xf32>,
          %get3A_856 = vector.shape_cast %get3A_855 : vector<1x16xf32> to vector<16xf32>
          %mul3A_857 = vector.broadcast %select_n3A_845 : f32 to vector<16xf32>
          %mul3A_858 = arith.mulf %get3A_856, %mul3A_857 : vector<16xf32>
          %add3A_859 = arith.addf %add3A_734, %mul3A_858 : vector<16xf32>
          %get3A_860 = arith.index_cast %scan3A_834 : i32 to index
          %get3A_861 = arith.constant 32 : index
          %get3A_862 = tpu.vector_load %arg6[%get3A_860, %get3A_861] {strides = array<i32>} : memref<112x256xf32, #tpu.memory_space<vmem>>, vector<1x16xf32>,
          %get3A_863 = vector.shape_cast %get3A_862 : vector<1x16xf32> to vector<16xf32>
          %mul3A_864 = vector.broadcast %select_n3A_845 : f32 to vector<16xf32>
          %mul3A_865 = arith.mulf %get3A_863, %mul3A_864 : vector<16xf32>
          %add3A_866 = arith.addf %add3A_741, %mul3A_865 : vector<16xf32>
          %get3A_867 = arith.index_cast %scan3A_834 : i32 to index
          %get3A_868 = arith.constant 48 : index
          %get3A_869 = tpu.vector_load %arg6[%get3A_867, %get3A_868] {strides = array<i32>} : memref<112x256xf32, #tpu.memory_space<vmem>>, vector<1x16xf32>,
          %get3A_870 = vector.shape_cast %get3A_869 : vector<1x16xf32> to vector<16xf32>
          %mul3A_871 = vector.broadcast %select_n3A_845 : f32 to vector<16xf32>
          %mul3A_872 = arith.mulf %get3A_870, %mul3A_871 : vector<16xf32>
          %add3A_873 = arith.addf %add3A_748, %mul3A_872 : vector<16xf32>
          %get3A_874 = arith.index_cast %scan3A_834 : i32 to index
          %get3A_875 = arith.constant 64 : index
          %get3A_876 = tpu.vector_load %arg6[%get3A_874, %get3A_875] {strides = array<i32>} : memref<112x256xf32, #tpu.memory_space<vmem>>, vector<1x16xf32>,
          %get3A_877 = vector.shape_cast %get3A_876 : vector<1x16xf32> to vector<16xf32>
          %mul3A_878 = vector.broadcast %select_n3A_845 : f32 to vector<16xf32>
          %mul3A_879 = arith.mulf %get3A_877, %mul3A_878 : vector<16xf32>
          %add3A_880 = arith.addf %add3A_755, %mul3A_879 : vector<16xf32>
          %get3A_881 = arith.index_cast %scan3A_834 : i32 to index
          %get3A_882 = arith.constant 80 : index
          %get3A_883 = tpu.vector_load %arg6[%get3A_881, %get3A_882] {strides = array<i32>} : memref<112x256xf32, #tpu.memory_space<vmem>>, vector<1x16xf32>,
          %get3A_884 = vector.shape_cast %get3A_883 : vector<1x16xf32> to vector<16xf32>
          %mul3A_885 = vector.broadcast %select_n3A_845 : f32 to vector<16xf32>
          %mul3A_886 = arith.mulf %get3A_884, %mul3A_885 : vector<16xf32>
          %add3A_887 = arith.addf %add3A_762, %mul3A_886 : vector<16xf32>
          %get3A_888 = arith.index_cast %scan3A_834 : i32 to index
          %get3A_889 = arith.constant 96 : index
          %get3A_890 = tpu.vector_load %arg6[%get3A_888, %get3A_889] {strides = array<i32>} : memref<112x256xf32, #tpu.memory_space<vmem>>, vector<1x16xf32>,
          %get3A_891 = vector.shape_cast %get3A_890 : vector<1x16xf32> to vector<16xf32>
          %mul3A_892 = vector.broadcast %select_n3A_845 : f32 to vector<16xf32>
          %mul3A_893 = arith.mulf %get3A_891, %mul3A_892 : vector<16xf32>
          %add3A_894 = arith.addf %add3A_769, %mul3A_893 : vector<16xf32>
          %get3A_895 = arith.index_cast %scan3A_834 : i32 to index
          %get3A_896 = arith.constant 112 : index
          %get3A_897 = tpu.vector_load %arg6[%get3A_895, %get3A_896] {strides = array<i32>} : memref<112x256xf32, #tpu.memory_space<vmem>>, vector<1x16xf32>,
          %get3A_898 = vector.shape_cast %get3A_897 : vector<1x16xf32> to vector<16xf32>
          %mul3A_899 = vector.broadcast %select_n3A_845 : f32 to vector<16xf32>
          %mul3A_900 = arith.mulf %get3A_898, %mul3A_899 : vector<16xf32>
          %add3A_901 = arith.addf %add3A_776, %mul3A_900 : vector<16xf32>
          %get3A_902 = arith.index_cast %scan3A_834 : i32 to index
          %get3A_903 = arith.constant 128 : index
          %get3A_904 = tpu.vector_load %arg6[%get3A_902, %get3A_903] {strides = array<i32>} : memref<112x256xf32, #tpu.memory_space<vmem>>, vector<1x16xf32>,
          %get3A_905 = vector.shape_cast %get3A_904 : vector<1x16xf32> to vector<16xf32>
          %mul3A_906 = vector.broadcast %select_n3A_845 : f32 to vector<16xf32>
          %mul3A_907 = arith.mulf %get3A_905, %mul3A_906 : vector<16xf32>
          %add3A_908 = arith.addf %add3A_783, %mul3A_907 : vector<16xf32>
          %get3A_909 = arith.index_cast %scan3A_834 : i32 to index
          %get3A_910 = arith.constant 144 : index
          %get3A_911 = tpu.vector_load %arg6[%get3A_909, %get3A_910] {strides = array<i32>} : memref<112x256xf32, #tpu.memory_space<vmem>>, vector<1x16xf32>,
          %get3A_912 = vector.shape_cast %get3A_911 : vector<1x16xf32> to vector<16xf32>
          %mul3A_913 = vector.broadcast %select_n3A_845 : f32 to vector<16xf32>
          %mul3A_914 = arith.mulf %get3A_912, %mul3A_913 : vector<16xf32>
          %add3A_915 = arith.addf %add3A_790, %mul3A_914 : vector<16xf32>
          %get3A_916 = arith.index_cast %scan3A_834 : i32 to index
          %get3A_917 = arith.constant 160 : index
          %get3A_918 = tpu.vector_load %arg6[%get3A_916, %get3A_917] {strides = array<i32>} : memref<112x256xf32, #tpu.memory_space<vmem>>, vector<1x16xf32>,
          %get3A_919 = vector.shape_cast %get3A_918 : vector<1x16xf32> to vector<16xf32>
          %mul3A_920 = vector.broadcast %select_n3A_845 : f32 to vector<16xf32>
          %mul3A_921 = arith.mulf %get3A_919, %mul3A_920 : vector<16xf32>
          %add3A_922 = arith.addf %add3A_797, %mul3A_921 : vector<16xf32>
          %get3A_923 = arith.index_cast %scan3A_834 : i32 to index
          %get3A_924 = arith.constant 176 : index
          %get3A_925 = tpu.vector_load %arg6[%get3A_923, %get3A_924] {strides = array<i32>} : memref<112x256xf32, #tpu.memory_space<vmem>>, vector<1x16xf32>,
          %get3A_926 = vector.shape_cast %get3A_925 : vector<1x16xf32> to vector<16xf32>
          %mul3A_927 = vector.broadcast %select_n3A_845 : f32 to vector<16xf32>
          %mul3A_928 = arith.mulf %get3A_926, %mul3A_927 : vector<16xf32>
          %add3A_929 = arith.addf %add3A_804, %mul3A_928 : vector<16xf32>
          %get3A_930 = arith.index_cast %scan3A_834 : i32 to index
          %get3A_931 = arith.constant 192 : index
          %get3A_932 = tpu.vector_load %arg6[%get3A_930, %get3A_931] {strides = array<i32>} : memref<112x256xf32, #tpu.memory_space<vmem>>, vector<1x16xf32>,
          %get3A_933 = vector.shape_cast %get3A_932 : vector<1x16xf32> to vector<16xf32>
          %mul3A_934 = vector.broadcast %select_n3A_845 : f32 to vector<16xf32>
          %mul3A_935 = arith.mulf %get3A_933, %mul3A_934 : vector<16xf32>
          %add3A_936 = arith.addf %add3A_811, %mul3A_935 : vector<16xf32>
          %get3A_937 = arith.index_cast %scan3A_834 : i32 to index
          %get3A_938 = arith.constant 208 : index
          %get3A_939 = tpu.vector_load %arg6[%get3A_937, %get3A_938] {strides = array<i32>} : memref<112x256xf32, #tpu.memory_space<vmem>>, vector<1x16xf32>,
          %get3A_940 = vector.shape_cast %get3A_939 : vector<1x16xf32> to vector<16xf32>
          %mul3A_941 = vector.broadcast %select_n3A_845 : f32 to vector<16xf32>
          %mul3A_942 = arith.mulf %get3A_940, %mul3A_941 : vector<16xf32>
          %add3A_943 = arith.addf %add3A_818, %mul3A_942 : vector<16xf32>
          %get3A_944 = arith.index_cast %scan3A_834 : i32 to index
          %get3A_945 = arith.constant 224 : index
          %get3A_946 = tpu.vector_load %arg6[%get3A_944, %get3A_945] {strides = array<i32>} : memref<112x256xf32, #tpu.memory_space<vmem>>, vector<1x16xf32>,
          %get3A_947 = vector.shape_cast %get3A_946 : vector<1x16xf32> to vector<16xf32>
          %mul3A_948 = vector.broadcast %select_n3A_845 : f32 to vector<16xf32>
          %mul3A_949 = arith.mulf %get3A_947, %mul3A_948 : vector<16xf32>
          %add3A_950 = arith.addf %add3A_825, %mul3A_949 : vector<16xf32>
          %get3A_951 = arith.index_cast %scan3A_834 : i32 to index
          %get3A_952 = arith.constant 240 : index
          %get3A_953 = tpu.vector_load %arg6[%get3A_951, %get3A_952] {strides = array<i32>} : memref<112x256xf32, #tpu.memory_space<vmem>>, vector<1x16xf32>,
          %get3A_954 = vector.shape_cast %get3A_953 : vector<1x16xf32> to vector<16xf32>
          %mul3A_955 = vector.broadcast %select_n3A_845 : f32 to vector<16xf32>
          %mul3A_956 = arith.mulf %get3A_954, %mul3A_955 : vector<16xf32>
          %add3A_957 = arith.addf %add3A_832, %mul3A_956 : vector<16xf32>
          %scan3A_958 = arith.constant 6 : i32
          %scan3A_959 = arith.addi %scan3A_195, %scan3A_958 : i32
          %add3A_960 = arith.addi %multiple_of3A, %scan3A_959 : i32
          %ge3A_961 = arith.cmpi sge, %add3A_960, %max3A : i32
          %lt3A_962 = arith.cmpi slt, %add3A_960, %squeeze3A_20 : i32
          %and3A_963 = arith.andi %ge3A_961, %lt3A_962 : i1
          %get3A_964 = arith.index_cast %scan3A_959 : i32 to index
          %get3A_965 = tpu.vector_load %arg7[%get3A_964] {strides = array<i32>} : memref<128xf32, #tpu.memory_space<vmem>>, vector<16xf32>,
          %get3A_966 = vector.shape_cast %get3A_965 : vector<16xf32> to vector<16xf32>
          %slice3A_967 = vector.extract_strided_slice %get3A_966 {offsets = [0], sizes = [1], strides = [1]} : vector<16xf32> to vector<1xf32>
          %squeeze3A_968 = vector.extract %slice3A_967[0] : f32 from vector<1xf32>
          %jit3A_969 = arith.constant 0.000000e+00 : f32
          %select_n3A_970 = arith.select %and3A_963, %squeeze3A_968, %jit3A_969 : f32
          %get3A_971 = arith.index_cast %scan3A_959 : i32 to index
          %get3A_972 = arith.constant 0 : index
          %get3A_973 = tpu.vector_load %arg6[%get3A_971, %get3A_972] {strides = array<i32>} : memref<112x256xf32, #tpu.memory_space<vmem>>, vector<1x16xf32>,
          %get3A_974 = vector.shape_cast %get3A_973 : vector<1x16xf32> to vector<16xf32>
          %mul3A_975 = vector.broadcast %select_n3A_970 : f32 to vector<16xf32>
          %mul3A_976 = arith.mulf %get3A_974, %mul3A_975 : vector<16xf32>
          %add3A_977 = arith.addf %add3A_852, %mul3A_976 : vector<16xf32>
          %get3A_978 = arith.index_cast %scan3A_959 : i32 to index
          %get3A_979 = arith.constant 16 : index
          %get3A_980 = tpu.vector_load %arg6[%get3A_978, %get3A_979] {strides = array<i32>} : memref<112x256xf32, #tpu.memory_space<vmem>>, vector<1x16xf32>,
          %get3A_981 = vector.shape_cast %get3A_980 : vector<1x16xf32> to vector<16xf32>
          %mul3A_982 = vector.broadcast %select_n3A_970 : f32 to vector<16xf32>
          %mul3A_983 = arith.mulf %get3A_981, %mul3A_982 : vector<16xf32>
          %add3A_984 = arith.addf %add3A_859, %mul3A_983 : vector<16xf32>
          %get3A_985 = arith.index_cast %scan3A_959 : i32 to index
          %get3A_986 = arith.constant 32 : index
          %get3A_987 = tpu.vector_load %arg6[%get3A_985, %get3A_986] {strides = array<i32>} : memref<112x256xf32, #tpu.memory_space<vmem>>, vector<1x16xf32>,
          %get3A_988 = vector.shape_cast %get3A_987 : vector<1x16xf32> to vector<16xf32>
          %mul3A_989 = vector.broadcast %select_n3A_970 : f32 to vector<16xf32>
          %mul3A_990 = arith.mulf %get3A_988, %mul3A_989 : vector<16xf32>
          %add3A_991 = arith.addf %add3A_866, %mul3A_990 : vector<16xf32>
          %get3A_992 = arith.index_cast %scan3A_959 : i32 to index
          %get3A_993 = arith.constant 48 : index
          %get3A_994 = tpu.vector_load %arg6[%get3A_992, %get3A_993] {strides = array<i32>} : memref<112x256xf32, #tpu.memory_space<vmem>>, vector<1x16xf32>,
          %get3A_995 = vector.shape_cast %get3A_994 : vector<1x16xf32> to vector<16xf32>
          %mul3A_996 = vector.broadcast %select_n3A_970 : f32 to vector<16xf32>
          %mul3A_997 = arith.mulf %get3A_995, %mul3A_996 : vector<16xf32>
          %add3A_998 = arith.addf %add3A_873, %mul3A_997 : vector<16xf32>
          %get3A_999 = arith.index_cast %scan3A_959 : i32 to index
          %get3A_1000 = arith.constant 64 : index
          %get3A_1001 = tpu.vector_load %arg6[%get3A_999, %get3A_1000] {strides = array<i32>} : memref<112x256xf32, #tpu.memory_space<vmem>>, vector<1x16xf32>,
          %get3A_1002 = vector.shape_cast %get3A_1001 : vector<1x16xf32> to vector<16xf32>
          %mul3A_1003 = vector.broadcast %select_n3A_970 : f32 to vector<16xf32>
          %mul3A_1004 = arith.mulf %get3A_1002, %mul3A_1003 : vector<16xf32>
          %add3A_1005 = arith.addf %add3A_880, %mul3A_1004 : vector<16xf32>
          %get3A_1006 = arith.index_cast %scan3A_959 : i32 to index
          %get3A_1007 = arith.constant 80 : index
          %get3A_1008 = tpu.vector_load %arg6[%get3A_1006, %get3A_1007] {strides = array<i32>} : memref<112x256xf32, #tpu.memory_space<vmem>>, vector<1x16xf32>,
          %get3A_1009 = vector.shape_cast %get3A_1008 : vector<1x16xf32> to vector<16xf32>
          %mul3A_1010 = vector.broadcast %select_n3A_970 : f32 to vector<16xf32>
          %mul3A_1011 = arith.mulf %get3A_1009, %mul3A_1010 : vector<16xf32>
          %add3A_1012 = arith.addf %add3A_887, %mul3A_1011 : vector<16xf32>
          %get3A_1013 = arith.index_cast %scan3A_959 : i32 to index
          %get3A_1014 = arith.constant 96 : index
          %get3A_1015 = tpu.vector_load %arg6[%get3A_1013, %get3A_1014] {strides = array<i32>} : memref<112x256xf32, #tpu.memory_space<vmem>>, vector<1x16xf32>,
          %get3A_1016 = vector.shape_cast %get3A_1015 : vector<1x16xf32> to vector<16xf32>
          %mul3A_1017 = vector.broadcast %select_n3A_970 : f32 to vector<16xf32>
          %mul3A_1018 = arith.mulf %get3A_1016, %mul3A_1017 : vector<16xf32>
          %add3A_1019 = arith.addf %add3A_894, %mul3A_1018 : vector<16xf32>
          %get3A_1020 = arith.index_cast %scan3A_959 : i32 to index
          %get3A_1021 = arith.constant 112 : index
          %get3A_1022 = tpu.vector_load %arg6[%get3A_1020, %get3A_1021] {strides = array<i32>} : memref<112x256xf32, #tpu.memory_space<vmem>>, vector<1x16xf32>,
          %get3A_1023 = vector.shape_cast %get3A_1022 : vector<1x16xf32> to vector<16xf32>
          %mul3A_1024 = vector.broadcast %select_n3A_970 : f32 to vector<16xf32>
          %mul3A_1025 = arith.mulf %get3A_1023, %mul3A_1024 : vector<16xf32>
          %add3A_1026 = arith.addf %add3A_901, %mul3A_1025 : vector<16xf32>
          %get3A_1027 = arith.index_cast %scan3A_959 : i32 to index
          %get3A_1028 = arith.constant 128 : index
          %get3A_1029 = tpu.vector_load %arg6[%get3A_1027, %get3A_1028] {strides = array<i32>} : memref<112x256xf32, #tpu.memory_space<vmem>>, vector<1x16xf32>,
          %get3A_1030 = vector.shape_cast %get3A_1029 : vector<1x16xf32> to vector<16xf32>
          %mul3A_1031 = vector.broadcast %select_n3A_970 : f32 to vector<16xf32>
          %mul3A_1032 = arith.mulf %get3A_1030, %mul3A_1031 : vector<16xf32>
          %add3A_1033 = arith.addf %add3A_908, %mul3A_1032 : vector<16xf32>
          %get3A_1034 = arith.index_cast %scan3A_959 : i32 to index
          %get3A_1035 = arith.constant 144 : index
          %get3A_1036 = tpu.vector_load %arg6[%get3A_1034, %get3A_1035] {strides = array<i32>} : memref<112x256xf32, #tpu.memory_space<vmem>>, vector<1x16xf32>,
          %get3A_1037 = vector.shape_cast %get3A_1036 : vector<1x16xf32> to vector<16xf32>
          %mul3A_1038 = vector.broadcast %select_n3A_970 : f32 to vector<16xf32>
          %mul3A_1039 = arith.mulf %get3A_1037, %mul3A_1038 : vector<16xf32>
          %add3A_1040 = arith.addf %add3A_915, %mul3A_1039 : vector<16xf32>
          %get3A_1041 = arith.index_cast %scan3A_959 : i32 to index
          %get3A_1042 = arith.constant 160 : index
          %get3A_1043 = tpu.vector_load %arg6[%get3A_1041, %get3A_1042] {strides = array<i32>} : memref<112x256xf32, #tpu.memory_space<vmem>>, vector<1x16xf32>,
          %get3A_1044 = vector.shape_cast %get3A_1043 : vector<1x16xf32> to vector<16xf32>
          %mul3A_1045 = vector.broadcast %select_n3A_970 : f32 to vector<16xf32>
          %mul3A_1046 = arith.mulf %get3A_1044, %mul3A_1045 : vector<16xf32>
          %add3A_1047 = arith.addf %add3A_922, %mul3A_1046 : vector<16xf32>
          %get3A_1048 = arith.index_cast %scan3A_959 : i32 to index
          %get3A_1049 = arith.constant 176 : index
          %get3A_1050 = tpu.vector_load %arg6[%get3A_1048, %get3A_1049] {strides = array<i32>} : memref<112x256xf32, #tpu.memory_space<vmem>>, vector<1x16xf32>,
          %get3A_1051 = vector.shape_cast %get3A_1050 : vector<1x16xf32> to vector<16xf32>
          %mul3A_1052 = vector.broadcast %select_n3A_970 : f32 to vector<16xf32>
          %mul3A_1053 = arith.mulf %get3A_1051, %mul3A_1052 : vector<16xf32>
          %add3A_1054 = arith.addf %add3A_929, %mul3A_1053 : vector<16xf32>
          %get3A_1055 = arith.index_cast %scan3A_959 : i32 to index
          %get3A_1056 = arith.constant 192 : index
          %get3A_1057 = tpu.vector_load %arg6[%get3A_1055, %get3A_1056] {strides = array<i32>} : memref<112x256xf32, #tpu.memory_space<vmem>>, vector<1x16xf32>,
          %get3A_1058 = vector.shape_cast %get3A_1057 : vector<1x16xf32> to vector<16xf32>
          %mul3A_1059 = vector.broadcast %select_n3A_970 : f32 to vector<16xf32>
          %mul3A_1060 = arith.mulf %get3A_1058, %mul3A_1059 : vector<16xf32>
          %add3A_1061 = arith.addf %add3A_936, %mul3A_1060 : vector<16xf32>
          %get3A_1062 = arith.index_cast %scan3A_959 : i32 to index
          %get3A_1063 = arith.constant 208 : index
          %get3A_1064 = tpu.vector_load %arg6[%get3A_1062, %get3A_1063] {strides = array<i32>} : memref<112x256xf32, #tpu.memory_space<vmem>>, vector<1x16xf32>,
          %get3A_1065 = vector.shape_cast %get3A_1064 : vector<1x16xf32> to vector<16xf32>
          %mul3A_1066 = vector.broadcast %select_n3A_970 : f32 to vector<16xf32>
          %mul3A_1067 = arith.mulf %get3A_1065, %mul3A_1066 : vector<16xf32>
          %add3A_1068 = arith.addf %add3A_943, %mul3A_1067 : vector<16xf32>
          %get3A_1069 = arith.index_cast %scan3A_959 : i32 to index
          %get3A_1070 = arith.constant 224 : index
          %get3A_1071 = tpu.vector_load %arg6[%get3A_1069, %get3A_1070] {strides = array<i32>} : memref<112x256xf32, #tpu.memory_space<vmem>>, vector<1x16xf32>,
          %get3A_1072 = vector.shape_cast %get3A_1071 : vector<1x16xf32> to vector<16xf32>
          %mul3A_1073 = vector.broadcast %select_n3A_970 : f32 to vector<16xf32>
          %mul3A_1074 = arith.mulf %get3A_1072, %mul3A_1073 : vector<16xf32>
          %add3A_1075 = arith.addf %add3A_950, %mul3A_1074 : vector<16xf32>
          %get3A_1076 = arith.index_cast %scan3A_959 : i32 to index
          %get3A_1077 = arith.constant 240 : index
          %get3A_1078 = tpu.vector_load %arg6[%get3A_1076, %get3A_1077] {strides = array<i32>} : memref<112x256xf32, #tpu.memory_space<vmem>>, vector<1x16xf32>,
          %get3A_1079 = vector.shape_cast %get3A_1078 : vector<1x16xf32> to vector<16xf32>
          %mul3A_1080 = vector.broadcast %select_n3A_970 : f32 to vector<16xf32>
          %mul3A_1081 = arith.mulf %get3A_1079, %mul3A_1080 : vector<16xf32>
          %add3A_1082 = arith.addf %add3A_957, %mul3A_1081 : vector<16xf32>
          %scan3A_1083 = arith.constant 7 : i32
          %scan3A_1084 = arith.addi %scan3A_195, %scan3A_1083 : i32
          %add3A_1085 = arith.addi %multiple_of3A, %scan3A_1084 : i32
          %ge3A_1086 = arith.cmpi sge, %add3A_1085, %max3A : i32
          %lt3A_1087 = arith.cmpi slt, %add3A_1085, %squeeze3A_20 : i32
          %and3A_1088 = arith.andi %ge3A_1086, %lt3A_1087 : i1
          %get3A_1089 = arith.index_cast %scan3A_1084 : i32 to index
          %get3A_1090 = tpu.vector_load %arg7[%get3A_1089] {strides = array<i32>} : memref<128xf32, #tpu.memory_space<vmem>>, vector<16xf32>,
          %get3A_1091 = vector.shape_cast %get3A_1090 : vector<16xf32> to vector<16xf32>
          %slice3A_1092 = vector.extract_strided_slice %get3A_1091 {offsets = [0], sizes = [1], strides = [1]} : vector<16xf32> to vector<1xf32>
          %squeeze3A_1093 = vector.extract %slice3A_1092[0] : f32 from vector<1xf32>
          %jit3A_1094 = arith.constant 0.000000e+00 : f32
          %select_n3A_1095 = arith.select %and3A_1088, %squeeze3A_1093, %jit3A_1094 : f32
          %get3A_1096 = arith.index_cast %scan3A_1084 : i32 to index
          %get3A_1097 = arith.constant 0 : index
          %get3A_1098 = tpu.vector_load %arg6[%get3A_1096, %get3A_1097] {strides = array<i32>} : memref<112x256xf32, #tpu.memory_space<vmem>>, vector<1x16xf32>,
          %get3A_1099 = vector.shape_cast %get3A_1098 : vector<1x16xf32> to vector<16xf32>
          %mul3A_1100 = vector.broadcast %select_n3A_1095 : f32 to vector<16xf32>
          %mul3A_1101 = arith.mulf %get3A_1099, %mul3A_1100 : vector<16xf32>
          %add3A_1102 = arith.addf %add3A_977, %mul3A_1101 : vector<16xf32>
          %get3A_1103 = arith.index_cast %scan3A_1084 : i32 to index
          %get3A_1104 = arith.constant 16 : index
          %get3A_1105 = tpu.vector_load %arg6[%get3A_1103, %get3A_1104] {strides = array<i32>} : memref<112x256xf32, #tpu.memory_space<vmem>>, vector<1x16xf32>,
          %get3A_1106 = vector.shape_cast %get3A_1105 : vector<1x16xf32> to vector<16xf32>
          %mul3A_1107 = vector.broadcast %select_n3A_1095 : f32 to vector<16xf32>
          %mul3A_1108 = arith.mulf %get3A_1106, %mul3A_1107 : vector<16xf32>
          %add3A_1109 = arith.addf %add3A_984, %mul3A_1108 : vector<16xf32>
          %get3A_1110 = arith.index_cast %scan3A_1084 : i32 to index
          %get3A_1111 = arith.constant 32 : index
          %get3A_1112 = tpu.vector_load %arg6[%get3A_1110, %get3A_1111] {strides = array<i32>} : memref<112x256xf32, #tpu.memory_space<vmem>>, vector<1x16xf32>,
          %get3A_1113 = vector.shape_cast %get3A_1112 : vector<1x16xf32> to vector<16xf32>
          %mul3A_1114 = vector.broadcast %select_n3A_1095 : f32 to vector<16xf32>
          %mul3A_1115 = arith.mulf %get3A_1113, %mul3A_1114 : vector<16xf32>
          %add3A_1116 = arith.addf %add3A_991, %mul3A_1115 : vector<16xf32>
          %get3A_1117 = arith.index_cast %scan3A_1084 : i32 to index
          %get3A_1118 = arith.constant 48 : index
          %get3A_1119 = tpu.vector_load %arg6[%get3A_1117, %get3A_1118] {strides = array<i32>} : memref<112x256xf32, #tpu.memory_space<vmem>>, vector<1x16xf32>,
          %get3A_1120 = vector.shape_cast %get3A_1119 : vector<1x16xf32> to vector<16xf32>
          %mul3A_1121 = vector.broadcast %select_n3A_1095 : f32 to vector<16xf32>
          %mul3A_1122 = arith.mulf %get3A_1120, %mul3A_1121 : vector<16xf32>
          %add3A_1123 = arith.addf %add3A_998, %mul3A_1122 : vector<16xf32>
          %get3A_1124 = arith.index_cast %scan3A_1084 : i32 to index
          %get3A_1125 = arith.constant 64 : index
          %get3A_1126 = tpu.vector_load %arg6[%get3A_1124, %get3A_1125] {strides = array<i32>} : memref<112x256xf32, #tpu.memory_space<vmem>>, vector<1x16xf32>,
          %get3A_1127 = vector.shape_cast %get3A_1126 : vector<1x16xf32> to vector<16xf32>
          %mul3A_1128 = vector.broadcast %select_n3A_1095 : f32 to vector<16xf32>
          %mul3A_1129 = arith.mulf %get3A_1127, %mul3A_1128 : vector<16xf32>
          %add3A_1130 = arith.addf %add3A_1005, %mul3A_1129 : vector<16xf32>
          %get3A_1131 = arith.index_cast %scan3A_1084 : i32 to index
          %get3A_1132 = arith.constant 80 : index
          %get3A_1133 = tpu.vector_load %arg6[%get3A_1131, %get3A_1132] {strides = array<i32>} : memref<112x256xf32, #tpu.memory_space<vmem>>, vector<1x16xf32>,
          %get3A_1134 = vector.shape_cast %get3A_1133 : vector<1x16xf32> to vector<16xf32>
          %mul3A_1135 = vector.broadcast %select_n3A_1095 : f32 to vector<16xf32>
          %mul3A_1136 = arith.mulf %get3A_1134, %mul3A_1135 : vector<16xf32>
          %add3A_1137 = arith.addf %add3A_1012, %mul3A_1136 : vector<16xf32>
          %get3A_1138 = arith.index_cast %scan3A_1084 : i32 to index
          %get3A_1139 = arith.constant 96 : index
          %get3A_1140 = tpu.vector_load %arg6[%get3A_1138, %get3A_1139] {strides = array<i32>} : memref<112x256xf32, #tpu.memory_space<vmem>>, vector<1x16xf32>,
          %get3A_1141 = vector.shape_cast %get3A_1140 : vector<1x16xf32> to vector<16xf32>
          %mul3A_1142 = vector.broadcast %select_n3A_1095 : f32 to vector<16xf32>
          %mul3A_1143 = arith.mulf %get3A_1141, %mul3A_1142 : vector<16xf32>
          %add3A_1144 = arith.addf %add3A_1019, %mul3A_1143 : vector<16xf32>
          %get3A_1145 = arith.index_cast %scan3A_1084 : i32 to index
          %get3A_1146 = arith.constant 112 : index
          %get3A_1147 = tpu.vector_load %arg6[%get3A_1145, %get3A_1146] {strides = array<i32>} : memref<112x256xf32, #tpu.memory_space<vmem>>, vector<1x16xf32>,
          %get3A_1148 = vector.shape_cast %get3A_1147 : vector<1x16xf32> to vector<16xf32>
          %mul3A_1149 = vector.broadcast %select_n3A_1095 : f32 to vector<16xf32>
          %mul3A_1150 = arith.mulf %get3A_1148, %mul3A_1149 : vector<16xf32>
          %add3A_1151 = arith.addf %add3A_1026, %mul3A_1150 : vector<16xf32>
          %get3A_1152 = arith.index_cast %scan3A_1084 : i32 to index
          %get3A_1153 = arith.constant 128 : index
          %get3A_1154 = tpu.vector_load %arg6[%get3A_1152, %get3A_1153] {strides = array<i32>} : memref<112x256xf32, #tpu.memory_space<vmem>>, vector<1x16xf32>,
          %get3A_1155 = vector.shape_cast %get3A_1154 : vector<1x16xf32> to vector<16xf32>
          %mul3A_1156 = vector.broadcast %select_n3A_1095 : f32 to vector<16xf32>
          %mul3A_1157 = arith.mulf %get3A_1155, %mul3A_1156 : vector<16xf32>
          %add3A_1158 = arith.addf %add3A_1033, %mul3A_1157 : vector<16xf32>
          %get3A_1159 = arith.index_cast %scan3A_1084 : i32 to index
          %get3A_1160 = arith.constant 144 : index
          %get3A_1161 = tpu.vector_load %arg6[%get3A_1159, %get3A_1160] {strides = array<i32>} : memref<112x256xf32, #tpu.memory_space<vmem>>, vector<1x16xf32>,
          %get3A_1162 = vector.shape_cast %get3A_1161 : vector<1x16xf32> to vector<16xf32>
          %mul3A_1163 = vector.broadcast %select_n3A_1095 : f32 to vector<16xf32>
          %mul3A_1164 = arith.mulf %get3A_1162, %mul3A_1163 : vector<16xf32>
          %add3A_1165 = arith.addf %add3A_1040, %mul3A_1164 : vector<16xf32>
          %get3A_1166 = arith.index_cast %scan3A_1084 : i32 to index
          %get3A_1167 = arith.constant 160 : index
          %get3A_1168 = tpu.vector_load %arg6[%get3A_1166, %get3A_1167] {strides = array<i32>} : memref<112x256xf32, #tpu.memory_space<vmem>>, vector<1x16xf32>,
          %get3A_1169 = vector.shape_cast %get3A_1168 : vector<1x16xf32> to vector<16xf32>
          %mul3A_1170 = vector.broadcast %select_n3A_1095 : f32 to vector<16xf32>
          %mul3A_1171 = arith.mulf %get3A_1169, %mul3A_1170 : vector<16xf32>
          %add3A_1172 = arith.addf %add3A_1047, %mul3A_1171 : vector<16xf32>
          %get3A_1173 = arith.index_cast %scan3A_1084 : i32 to index
          %get3A_1174 = arith.constant 176 : index
          %get3A_1175 = tpu.vector_load %arg6[%get3A_1173, %get3A_1174] {strides = array<i32>} : memref<112x256xf32, #tpu.memory_space<vmem>>, vector<1x16xf32>,
          %get3A_1176 = vector.shape_cast %get3A_1175 : vector<1x16xf32> to vector<16xf32>
          %mul3A_1177 = vector.broadcast %select_n3A_1095 : f32 to vector<16xf32>
          %mul3A_1178 = arith.mulf %get3A_1176, %mul3A_1177 : vector<16xf32>
          %add3A_1179 = arith.addf %add3A_1054, %mul3A_1178 : vector<16xf32>
          %get3A_1180 = arith.index_cast %scan3A_1084 : i32 to index
          %get3A_1181 = arith.constant 192 : index
          %get3A_1182 = tpu.vector_load %arg6[%get3A_1180, %get3A_1181] {strides = array<i32>} : memref<112x256xf32, #tpu.memory_space<vmem>>, vector<1x16xf32>,
          %get3A_1183 = vector.shape_cast %get3A_1182 : vector<1x16xf32> to vector<16xf32>
          %mul3A_1184 = vector.broadcast %select_n3A_1095 : f32 to vector<16xf32>
          %mul3A_1185 = arith.mulf %get3A_1183, %mul3A_1184 : vector<16xf32>
          %add3A_1186 = arith.addf %add3A_1061, %mul3A_1185 : vector<16xf32>
          %get3A_1187 = arith.index_cast %scan3A_1084 : i32 to index
          %get3A_1188 = arith.constant 208 : index
          %get3A_1189 = tpu.vector_load %arg6[%get3A_1187, %get3A_1188] {strides = array<i32>} : memref<112x256xf32, #tpu.memory_space<vmem>>, vector<1x16xf32>,
          %get3A_1190 = vector.shape_cast %get3A_1189 : vector<1x16xf32> to vector<16xf32>
          %mul3A_1191 = vector.broadcast %select_n3A_1095 : f32 to vector<16xf32>
          %mul3A_1192 = arith.mulf %get3A_1190, %mul3A_1191 : vector<16xf32>
          %add3A_1193 = arith.addf %add3A_1068, %mul3A_1192 : vector<16xf32>
          %get3A_1194 = arith.index_cast %scan3A_1084 : i32 to index
          %get3A_1195 = arith.constant 224 : index
          %get3A_1196 = tpu.vector_load %arg6[%get3A_1194, %get3A_1195] {strides = array<i32>} : memref<112x256xf32, #tpu.memory_space<vmem>>, vector<1x16xf32>,
          %get3A_1197 = vector.shape_cast %get3A_1196 : vector<1x16xf32> to vector<16xf32>
          %mul3A_1198 = vector.broadcast %select_n3A_1095 : f32 to vector<16xf32>
          %mul3A_1199 = arith.mulf %get3A_1197, %mul3A_1198 : vector<16xf32>
          %add3A_1200 = arith.addf %add3A_1075, %mul3A_1199 : vector<16xf32>
          %get3A_1201 = arith.index_cast %scan3A_1084 : i32 to index
          %get3A_1202 = arith.constant 240 : index
          %get3A_1203 = tpu.vector_load %arg6[%get3A_1201, %get3A_1202] {strides = array<i32>} : memref<112x256xf32, #tpu.memory_space<vmem>>, vector<1x16xf32>,
          %get3A_1204 = vector.shape_cast %get3A_1203 : vector<1x16xf32> to vector<16xf32>
          %mul3A_1205 = vector.broadcast %select_n3A_1095 : f32 to vector<16xf32>
          %mul3A_1206 = arith.mulf %get3A_1204, %mul3A_1205 : vector<16xf32>
          %add3A_1207 = arith.addf %add3A_1082, %mul3A_1206 : vector<16xf32>
          scf.yield %add3A_1102, %add3A_1109, %add3A_1116, %add3A_1123, %add3A_1130, %add3A_1137, %add3A_1144, %add3A_1151, %add3A_1158, %add3A_1165, %add3A_1172, %add3A_1179, %add3A_1186, %add3A_1193, %add3A_1200, %add3A_1207 : vector<16xf32>, vector<16xf32>, vector<16xf32>, vector<16xf32>, vector<16xf32>, vector<16xf32>, vector<16xf32>, vector<16xf32>, vector<16xf32>, vector<16xf32>, vector<16xf32>, vector<16xf32>, vector<16xf32>, vector<16xf32>, vector<16xf32>, vector<16xf32>
        }
        %scan3A_194 = arith.constant 112 : i32
        scf.yield %scan3A_193#0, %scan3A_193#1, %scan3A_193#2, %scan3A_193#3, %scan3A_193#4, %scan3A_193#5, %scan3A_193#6, %scan3A_193#7, %scan3A_193#8, %scan3A_193#9, %scan3A_193#10, %scan3A_193#11, %scan3A_193#12, %scan3A_193#13, %scan3A_193#14, %scan3A_193#15 : vector<16xf32>, vector<16xf32>, vector<16xf32>, vector<16xf32>, vector<16xf32>, vector<16xf32>, vector<16xf32>, vector<16xf32>, vector<16xf32>, vector<16xf32>, vector<16xf32>, vector<16xf32>, vector<16xf32>, vector<16xf32>, vector<16xf32>, vector<16xf32>
      }
      %swap3A = arith.index_cast %scan3A_9 : i32 to index
      %swap3A_85 = arith.constant 0 : index
      %swap3A_86 = tpu.vector_load %arg9[%swap3A, %swap3A_85] {strides = array<i32>} : memref<16x256xf32, #tpu.memory_space<vmem>>, vector<1x16xf32>,
      %swap3A_87 = vector.shape_cast %swap3A_86 : vector<1x16xf32> to vector<16xf32>
      %swap3A_88 = vector.shape_cast %while3A_84#0 : vector<16xf32> to vector<1x16xf32>
      tpu.vector_store %arg9[%swap3A, %swap3A_85], %swap3A_88 {strides = array<i32>} : memref<16x256xf32, #tpu.memory_space<vmem>>, vector<1x16xf32>,
      %swap3A_89 = arith.index_cast %scan3A_9 : i32 to index
      %swap3A_90 = arith.constant 16 : index
      %swap3A_91 = tpu.vector_load %arg9[%swap3A_89, %swap3A_90] {strides = array<i32>} : memref<16x256xf32, #tpu.memory_space<vmem>>, vector<1x16xf32>,
      %swap3A_92 = vector.shape_cast %swap3A_91 : vector<1x16xf32> to vector<16xf32>
      %swap3A_93 = vector.shape_cast %while3A_84#1 : vector<16xf32> to vector<1x16xf32>
      tpu.vector_store %arg9[%swap3A_89, %swap3A_90], %swap3A_93 {strides = array<i32>} : memref<16x256xf32, #tpu.memory_space<vmem>>, vector<1x16xf32>,
      %swap3A_94 = arith.index_cast %scan3A_9 : i32 to index
      %swap3A_95 = arith.constant 32 : index
      %swap3A_96 = tpu.vector_load %arg9[%swap3A_94, %swap3A_95] {strides = array<i32>} : memref<16x256xf32, #tpu.memory_space<vmem>>, vector<1x16xf32>,
      %swap3A_97 = vector.shape_cast %swap3A_96 : vector<1x16xf32> to vector<16xf32>
      %swap3A_98 = vector.shape_cast %while3A_84#2 : vector<16xf32> to vector<1x16xf32>
      tpu.vector_store %arg9[%swap3A_94, %swap3A_95], %swap3A_98 {strides = array<i32>} : memref<16x256xf32, #tpu.memory_space<vmem>>, vector<1x16xf32>,
      %swap3A_99 = arith.index_cast %scan3A_9 : i32 to index
      %swap3A_100 = arith.constant 48 : index
      %swap3A_101 = tpu.vector_load %arg9[%swap3A_99, %swap3A_100] {strides = array<i32>} : memref<16x256xf32, #tpu.memory_space<vmem>>, vector<1x16xf32>,
      %swap3A_102 = vector.shape_cast %swap3A_101 : vector<1x16xf32> to vector<16xf32>
      %swap3A_103 = vector.shape_cast %while3A_84#3 : vector<16xf32> to vector<1x16xf32>
      tpu.vector_store %arg9[%swap3A_99, %swap3A_100], %swap3A_103 {strides = array<i32>} : memref<16x256xf32, #tpu.memory_space<vmem>>, vector<1x16xf32>,
      %swap3A_104 = arith.index_cast %scan3A_9 : i32 to index
      %swap3A_105 = arith.constant 64 : index
      %swap3A_106 = tpu.vector_load %arg9[%swap3A_104, %swap3A_105] {strides = array<i32>} : memref<16x256xf32, #tpu.memory_space<vmem>>, vector<1x16xf32>,
      %swap3A_107 = vector.shape_cast %swap3A_106 : vector<1x16xf32> to vector<16xf32>
      %swap3A_108 = vector.shape_cast %while3A_84#4 : vector<16xf32> to vector<1x16xf32>
      tpu.vector_store %arg9[%swap3A_104, %swap3A_105], %swap3A_108 {strides = array<i32>} : memref<16x256xf32, #tpu.memory_space<vmem>>, vector<1x16xf32>,
      %swap3A_109 = arith.index_cast %scan3A_9 : i32 to index
      %swap3A_110 = arith.constant 80 : index
      %swap3A_111 = tpu.vector_load %arg9[%swap3A_109, %swap3A_110] {strides = array<i32>} : memref<16x256xf32, #tpu.memory_space<vmem>>, vector<1x16xf32>,
      %swap3A_112 = vector.shape_cast %swap3A_111 : vector<1x16xf32> to vector<16xf32>
      %swap3A_113 = vector.shape_cast %while3A_84#5 : vector<16xf32> to vector<1x16xf32>
      tpu.vector_store %arg9[%swap3A_109, %swap3A_110], %swap3A_113 {strides = array<i32>} : memref<16x256xf32, #tpu.memory_space<vmem>>, vector<1x16xf32>,
      %swap3A_114 = arith.index_cast %scan3A_9 : i32 to index
      %swap3A_115 = arith.constant 96 : index
      %swap3A_116 = tpu.vector_load %arg9[%swap3A_114, %swap3A_115] {strides = array<i32>} : memref<16x256xf32, #tpu.memory_space<vmem>>, vector<1x16xf32>,
      %swap3A_117 = vector.shape_cast %swap3A_116 : vector<1x16xf32> to vector<16xf32>
      %swap3A_118 = vector.shape_cast %while3A_84#6 : vector<16xf32> to vector<1x16xf32>
      tpu.vector_store %arg9[%swap3A_114, %swap3A_115], %swap3A_118 {strides = array<i32>} : memref<16x256xf32, #tpu.memory_space<vmem>>, vector<1x16xf32>,
      %swap3A_119 = arith.index_cast %scan3A_9 : i32 to index
      %swap3A_120 = arith.constant 112 : index
      %swap3A_121 = tpu.vector_load %arg9[%swap3A_119, %swap3A_120] {strides = array<i32>} : memref<16x256xf32, #tpu.memory_space<vmem>>, vector<1x16xf32>,
      %swap3A_122 = vector.shape_cast %swap3A_121 : vector<1x16xf32> to vector<16xf32>
      %swap3A_123 = vector.shape_cast %while3A_84#7 : vector<16xf32> to vector<1x16xf32>
      tpu.vector_store %arg9[%swap3A_119, %swap3A_120], %swap3A_123 {strides = array<i32>} : memref<16x256xf32, #tpu.memory_space<vmem>>, vector<1x16xf32>,
      %swap3A_124 = arith.index_cast %scan3A_9 : i32 to index
      %swap3A_125 = arith.constant 128 : index
      %swap3A_126 = tpu.vector_load %arg9[%swap3A_124, %swap3A_125] {strides = array<i32>} : memref<16x256xf32, #tpu.memory_space<vmem>>, vector<1x16xf32>,
      %swap3A_127 = vector.shape_cast %swap3A_126 : vector<1x16xf32> to vector<16xf32>
      %swap3A_128 = vector.shape_cast %while3A_84#8 : vector<16xf32> to vector<1x16xf32>
      tpu.vector_store %arg9[%swap3A_124, %swap3A_125], %swap3A_128 {strides = array<i32>} : memref<16x256xf32, #tpu.memory_space<vmem>>, vector<1x16xf32>,
      %swap3A_129 = arith.index_cast %scan3A_9 : i32 to index
      %swap3A_130 = arith.constant 144 : index
      %swap3A_131 = tpu.vector_load %arg9[%swap3A_129, %swap3A_130] {strides = array<i32>} : memref<16x256xf32, #tpu.memory_space<vmem>>, vector<1x16xf32>,
      %swap3A_132 = vector.shape_cast %swap3A_131 : vector<1x16xf32> to vector<16xf32>
      %swap3A_133 = vector.shape_cast %while3A_84#9 : vector<16xf32> to vector<1x16xf32>
      tpu.vector_store %arg9[%swap3A_129, %swap3A_130], %swap3A_133 {strides = array<i32>} : memref<16x256xf32, #tpu.memory_space<vmem>>, vector<1x16xf32>,
      %swap3A_134 = arith.index_cast %scan3A_9 : i32 to index
      %swap3A_135 = arith.constant 160 : index
      %swap3A_136 = tpu.vector_load %arg9[%swap3A_134, %swap3A_135] {strides = array<i32>} : memref<16x256xf32, #tpu.memory_space<vmem>>, vector<1x16xf32>,
      %swap3A_137 = vector.shape_cast %swap3A_136 : vector<1x16xf32> to vector<16xf32>
      %swap3A_138 = vector.shape_cast %while3A_84#10 : vector<16xf32> to vector<1x16xf32>
      tpu.vector_store %arg9[%swap3A_134, %swap3A_135], %swap3A_138 {strides = array<i32>} : memref<16x256xf32, #tpu.memory_space<vmem>>, vector<1x16xf32>,
      %swap3A_139 = arith.index_cast %scan3A_9 : i32 to index
      %swap3A_140 = arith.constant 176 : index
      %swap3A_141 = tpu.vector_load %arg9[%swap3A_139, %swap3A_140] {strides = array<i32>} : memref<16x256xf32, #tpu.memory_space<vmem>>, vector<1x16xf32>,
      %swap3A_142 = vector.shape_cast %swap3A_141 : vector<1x16xf32> to vector<16xf32>
      %swap3A_143 = vector.shape_cast %while3A_84#11 : vector<16xf32> to vector<1x16xf32>
      tpu.vector_store %arg9[%swap3A_139, %swap3A_140], %swap3A_143 {strides = array<i32>} : memref<16x256xf32, #tpu.memory_space<vmem>>, vector<1x16xf32>,
      %swap3A_144 = arith.index_cast %scan3A_9 : i32 to index
      %swap3A_145 = arith.constant 192 : index
      %swap3A_146 = tpu.vector_load %arg9[%swap3A_144, %swap3A_145] {strides = array<i32>} : memref<16x256xf32, #tpu.memory_space<vmem>>, vector<1x16xf32>,
      %swap3A_147 = vector.shape_cast %swap3A_146 : vector<1x16xf32> to vector<16xf32>
      %swap3A_148 = vector.shape_cast %while3A_84#12 : vector<16xf32> to vector<1x16xf32>
      tpu.vector_store %arg9[%swap3A_144, %swap3A_145], %swap3A_148 {strides = array<i32>} : memref<16x256xf32, #tpu.memory_space<vmem>>, vector<1x16xf32>,
      %swap3A_149 = arith.index_cast %scan3A_9 : i32 to index
      %swap3A_150 = arith.constant 208 : index
      %swap3A_151 = tpu.vector_load %arg9[%swap3A_149, %swap3A_150] {strides = array<i32>} : memref<16x256xf32, #tpu.memory_space<vmem>>, vector<1x16xf32>,
      %swap3A_152 = vector.shape_cast %swap3A_151 : vector<1x16xf32> to vector<16xf32>
      %swap3A_153 = vector.shape_cast %while3A_84#13 : vector<16xf32> to vector<1x16xf32>
      tpu.vector_store %arg9[%swap3A_149, %swap3A_150], %swap3A_153 {strides = array<i32>} : memref<16x256xf32, #tpu.memory_space<vmem>>, vector<1x16xf32>,
      %swap3A_154 = arith.index_cast %scan3A_9 : i32 to index
      %swap3A_155 = arith.constant 224 : index
      %swap3A_156 = tpu.vector_load %arg9[%swap3A_154, %swap3A_155] {strides = array<i32>} : memref<16x256xf32, #tpu.memory_space<vmem>>, vector<1x16xf32>,
      %swap3A_157 = vector.shape_cast %swap3A_156 : vector<1x16xf32> to vector<16xf32>
      %swap3A_158 = vector.shape_cast %while3A_84#14 : vector<16xf32> to vector<1x16xf32>
      tpu.vector_store %arg9[%swap3A_154, %swap3A_155], %swap3A_158 {strides = array<i32>} : memref<16x256xf32, #tpu.memory_space<vmem>>, vector<1x16xf32>,
      %swap3A_159 = arith.index_cast %scan3A_9 : i32 to index
      %swap3A_160 = arith.constant 240 : index
      %swap3A_161 = tpu.vector_load %arg9[%swap3A_159, %swap3A_160] {strides = array<i32>} : memref<16x256xf32, #tpu.memory_space<vmem>>, vector<1x16xf32>,
      %swap3A_162 = vector.shape_cast %swap3A_161 : vector<1x16xf32> to vector<16xf32>
      %swap3A_163 = vector.shape_cast %while3A_84#15 : vector<16xf32> to vector<1x16xf32>
      tpu.vector_store %arg9[%swap3A_159, %swap3A_160], %swap3A_163 {strides = array<i32>} : memref<16x256xf32, #tpu.memory_space<vmem>>, vector<1x16xf32>,
      %scan3A_164 = arith.constant 0 : i32
      scf.yield %scan3A_164 : i32
    }
    %scan3A_8 = arith.constant 16 : i32
    "tpu.region"() ({
      %run_scoped3A = tpu.sem_alloc : memref<!tpu.dma_semaphore, #tpu.memory_space<semaphore_mem>>
      %dma_start3A = arith.constant 0 : i32
      %dma_start3A_9 = tpu.memref_slice %arg5[%mul3A_2, %dma_start3A] : memref<512x256xf32, #tpu.memory_space<hbm>> -> memref<16x256xf32, #tpu.memory_space<hbm>>
      %dma_start3A_10 = arith.constant 0 : i32
      %dma_start3A_11 = tpu.memref_slice %arg5[%mul3A_2, %dma_start3A_10] : memref<512x256xf32, #tpu.memory_space<hbm>> -> memref<16x256xf32, #tpu.memory_space<hbm>>
      tpu.enqueue_dma source(%arg9 : memref<16x256xf32, #tpu.memory_space<vmem>>) target(%dma_start3A_11 : memref<16x256xf32, #tpu.memory_space<hbm>>) target_semaphore(%run_scoped3A : memref<!tpu.dma_semaphore, #tpu.memory_space<semaphore_mem>>)
      %dma_wait3A = arith.constant 0 : i32
      %dma_wait3A_12 = tpu.memref_slice %arg5[%mul3A_2, %dma_wait3A] : memref<512x256xf32, #tpu.memory_space<hbm>> -> memref<16x256xf32, #tpu.memory_space<hbm>>
      %dma_wait3A_13 = arith.constant 0 : i32
      %dma_wait3A_14 = tpu.memref_slice %arg5[%mul3A_2, %dma_wait3A_13] : memref<512x256xf32, #tpu.memory_space<hbm>> -> memref<16x256xf32, #tpu.memory_space<hbm>>
      tpu.wait_dma2 semaphore(%run_scoped3A : memref<!tpu.dma_semaphore, #tpu.memory_space<semaphore_mem>>) src(%arg9 : memref<16x256xf32, #tpu.memory_space<vmem>>) dst(%dma_wait3A_14 : memref<16x256xf32, #tpu.memory_space<hbm>>)
      tpu.yield
    }) : () -> ()
    return
  }
}

module attributes {stable_mosaic.version = 14 : i64} {
  func.func @_tc_fn(%arg0: i32, %arg1: memref<2000x256xf32, #tpu.memory_space<vmem>>, %arg2: memref<1x2000x1xi32, #tpu.memory_space<vmem>>, %arg3: memref<1x256xf32, #tpu.memory_space<vmem>>, %arg4: memref<1x1xf32, #tpu.memory_space<vmem>>, %arg5: memref<1x528xi32, #tpu.memory_space<vmem>>, %arg6: memref<1x2000x1xf32, #tpu.memory_space<vmem>>) attributes {dimension_semantics = [#tpu.dimension_semantics<arbitrary>], iteration_bounds = array<i64: 25>, scalar_prefetch = 0 : i64, scratch_operands = 0 : i64, tpu.core_type = #tpu.core_type<tc>, window_params = [{transform_indices = @transform_0, window_bounds = array<i64: 2000, 256>}, {transform_indices = @transform_1, window_bounds = array<i64: 1, 2000, 1>}, {pipeline_mode = #tpu.pipeline_mode<synchronous>, transform_indices = @transform_2, window_bounds = array<i64: 1, 256>}, {pipeline_mode = #tpu.pipeline_mode<synchronous>, transform_indices = @transform_3, window_bounds = array<i64: 1, 1>}, {pipeline_mode = #tpu.pipeline_mode<synchronous>, transform_indices = @transform_4, window_bounds = array<i64: 1, 528>}, {transform_indices = @transform_5, window_bounds = array<i64: 1, 2000, 1>}]} {
    %eq3A = arith.constant 0 : i32
    %eq3A_0 = arith.cmpi eq, %arg0, %eq3A : i32
    %convert_element_type3A = arith.extui %eq3A_0 : i1 to i32
    %cond3A = arith.constant 0 : i32
    %cond3A_1 = arith.cmpi ne, %convert_element_type3A, %cond3A : i32
    scf.if %cond3A_1 {
      %broadcast_in_dim3A_39 = arith.constant 0 : i32
      %broadcast_in_dim3A_40 = vector.broadcast %broadcast_in_dim3A_39 : i32 to vector<1x528xi32>
      %swap3A_41 = arith.constant 0 : index
      %swap3A_42 = arith.constant 0 : index
      %swap3A_43 = vector.load %arg5[%swap3A_41, %swap3A_42] : memref<1x528xi32, #tpu.memory_space<vmem>>, vector<1x528xi32>
      tpu.vector_store %arg5[%swap3A_41, %swap3A_42], %broadcast_in_dim3A_40 {strides = array<i32>} : memref<1x528xi32, #tpu.memory_space<vmem>>, vector<1x528xi32>,
    } else {
    }
    %get3A = arith.constant 0 : index
    %get3A_2 = arith.constant 0 : index
    %get3A_3 = arith.constant 0 : index
    %get3A_4 = vector.load %arg2[%get3A, %get3A_2, %get3A_3] : memref<1x2000x1xi32, #tpu.memory_space<vmem>>, vector<1x2000x1xi32>
    %get3A_5 = vector.shape_cast %get3A_4 : vector<1x2000x1xi32> to vector<2000x1xi32>
    %iota3A = tpu.iota {dimensions = array<i32: 1>} : vector<2000x528xi32>
    %get3A_6 = arith.constant 0 : index
    %get3A_7 = arith.constant 0 : index
    %get3A_8 = vector.load %arg5[%get3A_6, %get3A_7] : memref<1x528xi32, #tpu.memory_space<vmem>>, vector<1x528xi32>
    %lt3A = vector.broadcast %get3A_5 : vector<2000x1xi32> to vector<2000x528xi32>
    %lt3A_9 = arith.cmpi slt, %lt3A, %iota3A : vector<2000x528xi32>
    %convert_element_type3A_10 = arith.extui %lt3A_9 : vector<2000x528xi1> to vector<2000x528xi32>
    %reduce_sum3A = arith.constant dense<0> : vector<528xi32>
    %reduce_sum3A_11 = vector.multi_reduction <add>, %convert_element_type3A_10, %reduce_sum3A [0] : vector<2000x528xi32> to vector<528xi32>
    %broadcast_in_dim3A = vector.shape_cast %reduce_sum3A_11 : vector<528xi32> to vector<1x528xi32>
    %add3A = arith.addi %get3A_8, %broadcast_in_dim3A : vector<1x528xi32>
    %swap3A = arith.constant 0 : index
    %swap3A_12 = arith.constant 0 : index
    %swap3A_13 = vector.load %arg5[%swap3A, %swap3A_12] : memref<1x528xi32, #tpu.memory_space<vmem>>, vector<1x528xi32>
    tpu.vector_store %arg5[%swap3A, %swap3A_12], %add3A {strides = array<i32>} : memref<1x528xi32, #tpu.memory_space<vmem>>, vector<1x528xi32>,
    %get3A_14 = arith.constant 0 : index
    %get3A_15 = arith.constant 0 : index
    %get3A_16 = vector.load %arg1[%get3A_14, %get3A_15] : memref<2000x256xf32, #tpu.memory_space<vmem>>, vector<2000x256xf32>
    %get3A_17 = arith.constant 0 : index
    %get3A_18 = arith.constant 0 : index
    %get3A_19 = vector.load %arg3[%get3A_17, %get3A_18] : memref<1x256xf32, #tpu.memory_space<vmem>>, vector<1x256xf32>
    %mul3A = vector.broadcast %get3A_19 : vector<1x256xf32> to vector<2000x256xf32>
    %mul3A_20 = arith.mulf %get3A_16, %mul3A : vector<2000x256xf32>
    %reduce_sum3A_21 = arith.constant dense<0.000000e+00> : vector<2000xf32>
    %reduce_sum3A_22 = vector.multi_reduction <add>, %mul3A_20, %reduce_sum3A_21 [1] : vector<2000x256xf32> to vector<2000xf32>
    %broadcast_in_dim3A_23 = vector.shape_cast %reduce_sum3A_22 : vector<2000xf32> to vector<2000x1xf32>
    %get3A_24 = arith.constant 0 : index
    %get3A_25 = arith.constant 0 : index
    %get3A_26 = vector.load %arg4[%get3A_24, %get3A_25] : memref<1x1xf32, #tpu.memory_space<vmem>>, vector<1x1xf32>
    %get3A_27 = vector.extract %get3A_26[0, 0] : f32 from vector<1x1xf32>
    %add3A_28 = vector.broadcast %get3A_27 : f32 to vector<2000x1xf32>
    %add3A_29 = arith.addf %broadcast_in_dim3A_23, %add3A_28 : vector<2000x1xf32>
    %logistic3A = arith.negf %add3A_29 : vector<2000x1xf32>
    %logistic3A_30 = math.exp %logistic3A : vector<2000x1xf32>
    %logistic3A_31 = arith.constant 1.000000e+00 : f32
    %logistic3A_32 = vector.broadcast %logistic3A_31 : f32 to vector<2000x1xf32>
    %logistic3A_33 = arith.addf %logistic3A_32, %logistic3A_30 : vector<2000x1xf32>
    %logistic3A_34 = arith.divf %logistic3A_32, %logistic3A_33 : vector<2000x1xf32>
    %reshape3A = vector.shape_cast %logistic3A_34 : vector<2000x1xf32> to vector<1x2000x1xf32>
    %swap3A_35 = arith.constant 0 : index
    %swap3A_36 = arith.constant 0 : index
    %swap3A_37 = arith.constant 0 : index
    %swap3A_38 = vector.load %arg6[%swap3A_35, %swap3A_36, %swap3A_37] : memref<1x2000x1xf32, #tpu.memory_space<vmem>>, vector<1x2000x1xf32>
    tpu.vector_store %arg6[%swap3A_35, %swap3A_36, %swap3A_37], %reshape3A {strides = array<i32>} : memref<1x2000x1xf32, #tpu.memory_space<vmem>>, vector<1x2000x1xf32>,
    return
  }
  func.func @transform_0(%arg0: i32) -> (i32, i32) {
    %c0_i32 = arith.constant 0 : i32
    %c0_i32_0 = arith.constant 0 : i32
    return %arg0, %c0_i32 : i32, i32
  }
  func.func @transform_1(%arg0: i32) -> (i32, i32, i32) {
    %c0_i32 = arith.constant 0 : i32
    %c0_i32_0 = arith.constant 0 : i32
    %c0_i32_1 = arith.constant 0 : i32
    return %arg0, %c0_i32, %c0_i32_0 : i32, i32, i32
  }
  func.func @transform_2(%arg0: i32) -> (i32, i32) {
    %c0_i32 = arith.constant 0 : i32
    %c0_i32_0 = arith.constant 0 : i32
    %c0_i32_1 = arith.constant 0 : i32
    return %c0_i32, %c0_i32_0 : i32, i32
  }
  func.func @transform_3(%arg0: i32) -> (i32, i32) {
    %c0_i32 = arith.constant 0 : i32
    %c0_i32_0 = arith.constant 0 : i32
    %c0_i32_1 = arith.constant 0 : i32
    return %c0_i32, %c0_i32_0 : i32, i32
  }
  func.func @transform_4(%arg0: i32) -> (i32, i32) {
    %c0_i32 = arith.constant 0 : i32
    %c0_i32_0 = arith.constant 0 : i32
    %c0_i32_1 = arith.constant 0 : i32
    return %c0_i32, %c0_i32_0 : i32, i32
  }
  func.func @transform_5(%arg0: i32) -> (i32, i32, i32) {
    %c0_i32 = arith.constant 0 : i32
    %c0_i32_0 = arith.constant 0 : i32
    %c0_i32_1 = arith.constant 0 : i32
    return %arg0, %c0_i32, %c0_i32_0 : i32, i32, i32
  }
}

</mosaic_0001>

<sc_bundles>
// kernel: kernel.4.cloned.1.call-start
scs
__scs_entry_jumppad:
0x0: {  	(pc) =	sbr.rel $0x88, $3  }
0x1: {  	(tag) =	ssettag $0x0;
	lr =	simm.s32 $0x1  }
0x2: {  	[smem:$0x3F9D] =	sst lr;
	_ =	strace $0xD0000000  }
0x3: {  	_ = 	snop  }
0x4: {  	_ = 	snop  }
0x5: {  	_ = 	snop  }
0x6: {  	_ = 	snop  }
0x7: {  	_ = 	snop  }
__scs_overlays_trampoline_lowered:
0x8: {  	[smem:$0x3FAC] =	sst s0  }
0x9: {  	[smem:$0x3FAD] =	sst s1  }
0xa: {  	[smem:$0x3FAE] =	sst s2  }
0xb: {  	[smem:$0x3FAF] =	sst s3  }
0xc: {  	[smem:$0x3FB0] =	sst s4  }
0xd: {  	[smem:$0x3FB1] =	sst s5  }
0xe: {  	[smem:$0x3FB2] =	sst s6  }
0xf: {  	[smem:$0x3FB3] =	sst s7  }
0x10: {  	[smem:$0x3FB4] =	sst s8  }
0x11: {  	[smem:$0x3FB5] =	sst s9;
	s0 =	simm.s32 @!p0 $0x0  }
0x12: {  	s1 =	sld [smem:$0x3F9B];
	s0 =	simm.s32 @p0 $0x1  }
0x13: {  	[smem:$0x3FB6] =	sst s0;
	s0 =	simm.s32 @!p1 $0x0  }
0x14: {  	s2 =	sld [smem:$0x3F9A];
	s0 =	simm.s32 @p1 $0x1  }
0x15: {  	[smem:$0x3FB7] =	sst s0;
	s0 =	simm.s32 @!p2 $0x0  }
0x16: {  	s3 =	sld [smem:$0x3FDB];
	s0 =	simm.s32 @p2 $0x1  }
0x17: {  	s4 =	simm.s32 $0x1BF5;
	[smem:$0x3FB9] =	sst s0  }
0x18: {  	s0 =	sld [smem:$0x3F9C];
	_ =	swait.ge [sflag:s4], $0x0  }
0x19: {  	s7 =	sld [smem:$0x3F9D]  }
0x1a: {  	s8 =	sadd.s32 $0xFFFFE003, lr  }
0x1b: {  	s9 =	sadd.s32 $0xFFFFFEF7, lr;
	s5 =	simm.s32 $0xFFFFFFFF;
	p2 =	slt.u32 s8, $0xFFFFF086  }
0x1c: {  	p1 =	slt.u32 s9, $0xF7A;
	s5 =	simm.s32 @!p2 $0x0  }
0x1d: {  	s5 =	simm.s32 @p1 $0x1;
	p0 =	seq.s32 s7, s2  }
0x1e: {  	s7 =	smul.u32 @!p0 $0xF7A, s2;
	p2 =	seq.s32 @!p0 s5, $0x0  }
0x1f: {  	s9 =	smul.u32 $0xF7A, s1;
	s8 =	simm.s32 @!p0 $0x1BF5;
	p2 =	por !p2, p0  }
0x20: {  	[sflag:s8] =	ssyncset.s32 @!p0 $0xFFFFF086;
	s6 =	sadd.s32 @!p0 s3, s7;
	s7 =	simm.s32 @!p0 $0x108  }
0x21: {  	s3 =	sadd.s32 s3, s9;
	s6 =	sadd.s32 @!p0 $0x88, s6;
	s7 =	simm.s32 @p2 $0x1082  }
0x22: {  	[simem:s7], [sflag:s8] =	dma.local @!p0 [hbm:s6], $0xF7A  }
0x23: {  	s9 =	sor.u32 $0xD0000000, s2;
	s6 =	simm.s32 $0x108;
	_ =	swait.ge @!p0 [sflag:s8], $0x0  }
0x24: {  	s3 =	sadd.s32 $0x88, s3;
	s6 =	simm.s32 @!p1 $0x1082;
	[sflag:s4] =	ssyncset.s32 $0xFFFFF086  }
0x25: {  	[simem:s6], [sflag:s4] =	dma.local [hbm:s3], $0xF7A  }
0x26: {  	[smem:$0x3F9D] =	sst s1;
	(tag) =	ssettag s2;
	_ =	strace s9  }
0x27: {  	s1 =	sld [smem:$0x3FAD]  }
0x28: {  	s2 =	sld [smem:$0x3FAE]  }
0x29: {  	s4 =	sld [smem:$0x3FB0]  }
0x2a: {  	p0 =	seq.s32 s5, $0x0;
	s5 =	sld [smem:$0x3FB1]  }
0x2b: {  	s6 =	sld [smem:$0x3FB2]  }
0x2c: {  	s7 =	sld [smem:$0x3FB3]  }
0x2d: {  	s3 =	simm.s32 $0x108;
	s8 =	sld [smem:$0x3FB4]  }
0x2e: {  	s3 =	simm.s32 @!p0 $0x1082;
	s9 =	sld [smem:$0x3FB5]  }
0x2f: {  	lr =	sadd.s32 s0, s3;
	s0 =	sld [smem:$0x3FAC]  }
0x30: {  	s3 =	sld [smem:$0x3FAF]  }
0x31: {  	[smem:$0x3FB8] =	sst s10  }
0x32: {  	s10 =	sld [smem:$0x3FB6];
	_ =	sdelay $0x3  }
0x33: {  	p0 =	seq.s32 s10, $0x1;
	s10 =	sld [smem:$0x3FB8];
	_ =	sdelay $0x3  }
0x34: {  	[smem:$0x3FB8] =	sst s10  }
0x35: {  	s10 =	sld [smem:$0x3FB7];
	_ =	sdelay $0x3  }
0x36: {  	p1 =	seq.s32 s10, $0x1;
	s10 =	sld [smem:$0x3FB8];
	_ =	sdelay $0x3  }
0x37: {  	[smem:$0x3FB8] =	sst s10  }
0x38: {  	s10 =	sld [smem:$0x3FB9]  }
0x39: {  	_ = 	snop;
	(pc) =	sbr.ind lr, $3  }
0x3a: {  	_ = 	snop  }
0x3b: {  	_ = 	snop  }
0x3c: {  	p2 =	seq.s32 s10, $0x1;
	s10 =	sld [smem:$0x3FB8]  }
0x3d: {  	_ =	shalt  }
0x3e: {  	_ =	shalt  }
0x3f: {  	_ =	shalt  }
0x40: {  	_ =	shalt  }
0x41: {  	_ =	shalt  }
0x42: {  	_ =	shalt  }
0x43: {  	_ =	shalt  }
0x44: {  	_ =	shalt  }
0x45: {  	_ =	shalt  }
0x46: {  	_ =	shalt  }
0x47: {  	_ =	shalt  }
0x48: {  	_ =	shalt  }
0x49: {  	_ =	shalt  }
0x4a: {  	_ =	shalt  }
0x4b: {  	_ =	shalt  }
0x4c: {  	_ =	shalt  }
0x4d: {  	_ =	shalt  }
0x4e: {  	_ =	shalt  }
0x4f: {  	_ =	shalt  }
0x50: {  	_ =	shalt  }
0x51: {  	_ =	shalt  }
0x52: {  	_ =	shalt  }
0x53: {  	_ =	shalt  }
0x54: {  	_ =	shalt  }
0x55: {  	_ =	shalt  }
0x56: {  	_ =	shalt  }
0x57: {  	_ =	shalt  }
0x58: {  	_ =	shalt  }
0x59: {  	_ =	shalt  }
0x5a: {  	_ =	shalt  }
0x5b: {  	_ =	shalt  }
0x5c: {  	_ =	shalt  }
0x5d: {  	_ =	shalt  }
0x5e: {  	_ =	shalt  }
0x5f: {  	_ =	shalt  }
0x60: {  	_ =	shalt  }
0x61: {  	_ =	shalt  }
0x62: {  	_ =	shalt  }
0x63: {  	_ =	shalt  }
0x64: {  	_ =	shalt  }
0x65: {  	_ =	shalt  }
0x66: {  	_ =	shalt  }
0x67: {  	_ =	shalt  }
0x68: {  	_ =	shalt  }
0x69: {  	_ =	shalt  }
0x6a: {  	_ =	shalt  }
0x6b: {  	_ =	shalt  }
0x6c: {  	_ =	shalt  }
0x6d: {  	_ =	shalt  }
0x6e: {  	_ =	shalt  }
0x6f: {  	_ =	shalt  }
0x70: {  	_ =	shalt  }
0x71: {  	_ =	shalt  }
0x72: {  	_ =	shalt  }
0x73: {  	_ =	shalt  }
0x74: {  	_ =	shalt  }
0x75: {  	_ =	shalt  }
0x76: {  	_ =	shalt  }
0x77: {  	_ =	shalt  }
0x78: {  	_ =	shalt  }
0x79: {  	_ =	shalt  }
0x7a: {  	_ =	shalt  }
0x7b: {  	_ =	shalt  }
0x7c: {  	_ =	shalt  }
0x7d: {  	_ =	shalt  }
0x7e: {  	_ =	shalt  }
0x7f: {  	_ =	shalt  }
0x80: {  	_ =	shalt  }
0x81: {  	_ =	shalt  }
0x82: {  	_ =	shalt  }
0x83: {  	_ =	shalt  }
0x84: {  	_ =	shalt  }
0x85: {  	_ =	shalt  }
0x86: {  	_ =	shalt  }
0x87: {  	_ =	shalt  }
.Lfunc_end0:
.L_simem_size_0:
called_computation_lowered:
.L_overlay_start_0:
0x88: {  	s2 =	sld [smem:$0x3FD9]  }
0x89: {  	s3 =	sld [smem:$0x3FFE];
	_ =	sdelay $0x1  }
0x8a: {  	s1 =	srdreg.scid  }
0x8b: {  	s0 =	sand.u32 $0x1, s1  }
0x8c: {  	s17 =	sshll.u32 s0, $0xA;
	s2 =	sadd.s32 s3, s2  }
0x8d: {  	s2 =	sadd.s32 s2, s17  }
0x8e: {  	[smem:$0x3FC4] =	sst s2  }
0x8f: {  	_ = 	snop  }
0x90: {  	s2 =	sld [smem:$0x3FC9]  }
0x91: {  	s18 =	sld [smem:$0x3FD0];
	(tm) =	ssettm $0x1  }
0x92: {  	s4 =	sld [smem:$0x3FFB];
	_ =	sdelay $0x3  }
0x93: {  	_ =	strace s4  }
0x94: {  	s4 =	sld [smem:$0x3FFC];
	_ =	sdelay $0x3  }
0x95: {  	_ =	strace s4  }
0x96: {  	s4 =	sld [smem:$0x3FFD];
	_ =	sdelay $0x3  }
0x97: {  	_ =	strace s4  }
0x98: {  	_ =	strace $0x8FFFFFFF  }
0x99: {  	s19 =	sld [smem:$0x3FDB];
	_ =	sdelay $0x1  }
0x9a: {  	s5 =	simm.s32 $_scs_section_size  }
0x9b: {  	s6 =	simm.s32 $_size__tile_overlayer_lowered;
	s7 =	simm.s32 $_tile_overlayer_lowered  }
0x9c: {  	s22 =	simm.s32 $0x1BFF;
	s21 =	sshll.u32 s7, $0x1;
	s4 =	sadd.s32 s5, s19  }
0x9d: {  	s8 =	simm.s32 $0x0;
	s20 =	sshll.u32 s6, $0x1;
	s6 =	sadd.s32 s21, s4  }
0x9e: {  	[timem:s8], [sflag:s22] =	dma.local [hbm:s6], s20  }
0x9f: {  	_ =	swait.ge [sflag:s22], s20  }
0xa0: {  	s5 =	ssub.s32 $0x0, s20;
	[sflag:s22] =	ssyncset.done $0x0  }
0xa1: {  	[sflag:s22] =	ssyncadd.s32 s5;
	_ =	sdelay $0x1  }
0xa2: {  	s23 =	simm.s32 $0x1B8B  }
0xa3: {  	_ =	swait.ge [sflag:s23], $0x1  }
0xa4: {  	[sflag:s23] =	ssyncset.done $0x0  }
0xa5: {  	s25 =	simm.s32 $0x1B8E;
	s24 =	sld [smem:$0x3FFE];
	[sflag:s23] =	ssyncadd.s32 $0xFFFFFFFF  }
0xa6: {  	s26 =	simm.s32 $execute0_lowered;
	[smem:$0x3FD2] =	sst s25  }
0xa7: {  	s6 =	sshll.u32 s26, $0x1;
	_ =	strace $0x80000046;
	[dreg:$0x1] =	wrdreg $0xFFFFFFFF  }
0xa8: {  	s28 =	simm.s32 $_size_execute0_lowered;
	s4 =	sadd.s32 s4, s6;
	[dreg:$0x0] =	wrdreg $0x0  }
0xa9: {  	s6 =	sshll.u32 s28, $0x1;
	[dreg:$0x2] =	wrdreg s4  }
0xaa: {  	[dreg:$0x3] =	wrdreg s6  }
0xab: {  	[dreg:$0x4] =	wrdreg $0xC0  }
0xac: {  	_ =	task [dreg:s8], $0x5FFFF  }
0xad: {  	[dreg:$0x1] =	wrdreg $0xFFFFFFFF  }
0xae: {  	[dreg:$0x0] =	wrdreg $0x60  }
0xaf: {  	[dreg:$0x2] =	wrdreg s2  }
0xb0: {  	[dreg:$0x3] =	wrdreg s24  }
0xb1: {  	[dreg:$0x4] =	wrdreg s18  }
0xb2: {  	[dreg:$0x5] =	wrdreg $0x9  }
0xb3: {  	_ =	task.clear_ibuf [dreg:s8], $0x6FFFF;
	_ =	strace $0x90000046  }
0xb4: {  	s29 =	simm.s32 $0x9;
	_ =	strace $0x80000048  }
0xb5: {  	_ =	swait.ge [sflag:s29], $0x1  }
0xb6: {  	[sflag:s29] =	ssyncadd.s32 $0xFFFFFFFF  }
0xb7: {  	_ =	strace $0x90000048  }
0xb8: {  	_ =	sfence  }
0xb9: {  	s30 =	sld [smem:$0x0];
	_ =	sdelay $0x2  }
0xba: {  	s31 =	sshll.u32 s1, $0xD;
	s1 =	sshrl.u32 s1, $0x2  }
0xbb: {  	s3 =	sand.u32 $0x4000, s31;
	s1 =	sadd.s32 s1, s30  }
0xbc: {  	s0 =	sor.u32 s3, s0;
	s1 =	sshll.u32 s1, $0x11  }
0xbd: {  	s0 =	sor.u32 s1, s0  }
0xbe: {  	s0 =	sadd.s32 $0x8F2B, s0  }
0xbf: {  	[sflag:s0] =	ssyncadd.remote.s32 $0x1  }
0xc0: {  	_ =	sfence.sel $0xFFFF  }
0xc1: {  	[dreg:$0x0] =	wrdreg $0xFFFFFFFF;
	(pc) =	sbr.abs _section_cstart, $3  }
0xc2: {  	[dreg:$0x1] =	wrdreg $0xFFFFFFFF  }
0xc3: {  	_ =	task.clear_ibuf [dreg:s8], $0x2FFFF;
	_ =	strace $0x9FFFFFFF  }
0xc4: {  	(tm) =	ssettm $0x7FFFFFFF  }
0xc5: {  	_ =	shalt  }
tec
execute0_lowered:
.L_overlay_start_1:
0x0: {  	(tag) =	ssettag $0x1  }
0x1: {  	s1 =	rddreg [dreg:$0x0]  }
0x2: {  	s2 =	rddreg [dreg:$0x1]  }
0x3: {  	s0 =	rddreg [dreg:$0x2]  }
0x4: {  	s5 =	srdreg.scid;
	s4 =	simm.s32 $0x0;
	s3 =	stileid.u32  }
0x5: {  	s10 =	simm.s32 $0x7000;
	s5 =	sand.u32 $0x1, s5;
	[smem:$0x7FF] =	sst s4  }
.Ltmp0:
0x6: {  	s6 =	sshll.u32 s3, $0x5;
	s7 =	sshll.u32 s5, $0x4;
	(pc) =	sbr.rel .LBB2_1-.Ltmp0, $4  }
0x7: {  	_ =	strace $0x80000047;
	s8 =	ssub.s32 $0x2, s5;
	s6 =	sor.u32 s7, s6  }
0x8: {  	s31 =	sshrl.u32 s8, $0x1;
	s9 =	sshll.u32 s6, $0x5;
	s12 =	sadd.s32 $0x7080, s6  }
0x9: {  	s5 =	sadd.s32 $0x1A00, s2;
	s7 =	ssub.s32 s8, s31;
	s6 =	sadd.s32 s0, s9;
	v0 =	vmov s12  }
0xa: {  	s7 =	smax.u32 s7, $0x1;
	s9 =	simm.s32 $0x1;
	s12 =	simm.s32 $0x0;
	[tilespmem:$0x1FFF0] =	vst v0  }
.LBB2_7:
0xb: {  	s12 =	sadd.s32 $0x1, s12  }
0xc: {  	p0 =	sne.s32 s12, s7  }
.Ltmp1:
0xd: {  	s0 =	simm.s32 $0x7300;
	(pc) =	sbr.rel @!p0 .LBB2_8-.Ltmp1, $4  }
0xe: {  	[hbm4b:s6+s4] =	stream.linear.scatter [tilespmem:s0], [sflag:$0x1], $0x1000, $0x38;
	[tilespmem:$0x8300] =	vst v63  }
0xf: {  	_ =	swait.ge [sflag:s9], $0x1000  }
0x10: {  	[sflag:s9] =	ssyncset.done $0x0  }
0x11: {  	[sflag:s9] =	ssyncadd.s32 $0xFFFFF000  }
.LBB2_1:
.Ltmp2:
0x12: {  	s0 =	simm.s32 $0x7080;
	(pc) =	sbr.rel .LBB2_2-.Ltmp2, $4  }
0x13: {  	[tilespmem:s0], [sflag:$0x1] =	stream.linear.gather [hbm4b:s5+s4], $0x280, $0x38;
	[tilespmem:$0x8300] =	vst v63  }
0x14: {  	_ =	swait.ge [sflag:s9], $0x280  }
0x15: {  	[sflag:s9] =	ssyncset.done $0x0  }
0x16: {  	s13 =	simm.s32 $0x0;
	[sflag:s9] =	ssyncadd.s32 $0xFFFFFD80  }
.LBB2_6:
0x17: {  	s0 =	sshll.u32 s13, $0x8;
	s3 =	sshll.u32 s13, $0x7  }
0x18: {  	s0 =	sand.u32 $0x800, s0;
	s3 =	sand.u32 $0x380, s3  }
0x19: {  	s0 =	sor.u32 s3, s0  }
0x1a: {  	[tilespmem:s0+$0x7300] =	vst v12  }
0x1b: {  	[tilespmem:s0+$0x7310] =	vst v43  }
0x1c: {  	[tilespmem:s0+$0x7320] =	vst v10  }
0x1d: {  	[tilespmem:s0+$0x7340] =	vst v8  }
0x1e: {  	[tilespmem:s0+$0x7350] =	vst v7  }
0x1f: {  	[tilespmem:s0+$0x7360] =	vst v6  }
0x20: {  	[tilespmem:s0+$0x7370] =	vst v5  }
0x21: {  	[tilespmem:s0+$0x7700] =	vst v4  }
0x22: {  	[tilespmem:s0+$0x7710] =	vst v3  }
0x23: {  	s13 =	sadd.s32 $0x1, s13;
	[tilespmem:s0+$0x7720] =	vst v2  }
0x24: {  	v0 =	vld [tilespmem:$0x1FFE0];
	p0 =	sne.s32 s13, $0x10;
	[tilespmem:s0+$0x7730] =	vst v16  }
.Ltmp3:
0x25: {  	[tilespmem:s0+$0x7740] =	vst v15;
	(pc) =	sbr.rel @!p0 .LBB2_7-.Ltmp3, $4  }
0x26: {  	[tilespmem:s0+$0x7750] =	vst v14  }
0x27: {  	[tilespmem:s0+$0x7760] =	vst v13  }
0x28: {  	[tilespmem:s0+$0x7770] =	vst v17  }
0x29: {  	[tilespmem:s0+$0x7330] =	vst v0  }
.LBB2_2:
0x2a: {  	v1 =	vld [tilespmem:$0x1FFF0];
	_ =	sdelay $0x7  }
0x2b: {  	v0 =	vld.idx.msk [tilespmem:v1+s13+$0x0 ss:$0x1], $0xffff  }
0x2c: {  	v1 =	vld.idx.msk [tilespmem:v1+s13+$0x1 ss:$0x1], $0xffff;
	_ =	sdelay $0x3  }
0x2d: {  	(v2sf) =	vpush v0, $0x0  }
0x2e: {  	(v2sf) =	vpush v1, $0x0;
	_ =	sdelay $0xd  }
0x2f: {  	s14 =	spop (v2sf)  }
0x30: {  	s15 =	spop (v2sf);
	s16 =	sand.u32 $0xFFFFFFF8, s14  }
0x31: {  	s0 =	ssub.s32 s15, s16  }
0x32: {  	s17 =	sadd.s32 $0x6F, s0  }
0x33: {  	s18 =	smulhi.u32 $0x92492493, s17;
	s19 =	sshra.s32 s17, $0x1F  }
0x34: {  	s0 =	ssub.s32 $0xFFFFFF91, s0;
	s19 =	smul.u32 $0x92492493, s19  }
0x35: {  	s18 =	sadd.s32 s0, s18  }
0x36: {  	s18 =	sadd.s32 s19, s18  }
0x37: {  	s18 =	sadd.s32 s17, s18  }
0x38: {  	s31 =	sshrl.u32 s18, $0x1F;
	s18 =	sshra.s32 s18, $0x6  }
0x39: {  	s18 =	sadd.s32 s31, s18  }
0x3a: {  	s19 =	smul.u32 $0xFFFFFF90, s18;
	_ =	sdelay $0x1  }
0x3b: {  	p0 =	slt.s32 s17, $0x1;
	p1 =	sne.s32 s19, s0  }
0x3c: {  	p0 =	por !p0, !p1  }
0x3d: {  	s0 =	simm.s32 $0x1;
	p0 =	por !p0, !p0  }
0x3e: {  	s0 =	simm.s32 @!p0 $0x0  }
0x3f: {  	s17 =	ssub.s32 s18, s0  }
0x40: {  	v17 =	vimm.f32 $0.0e+00;
	p0 =	slt.s32 s17, $0x1  }
.Ltmp4:
0x41: {  	v13 =	vimm.f32 $0.0e+00;
	v14 =	vimm.f32 $0.0e+00;
	v15 =	vimm.f32 $0.0e+00;
	(pc) =	sbr.rel @p0 .LBB2_6-.Ltmp4, $4  }
0x42: {  	v16 =	vimm.f32 $0.0e+00;
	v2 =	vimm.f32 $0.0e+00;
	v3 =	vimm.f32 $0.0e+00  }
0x43: {  	v4 =	vimm.f32 $0.0e+00;
	v5 =	vimm.f32 $0.0e+00;
	v6 =	vimm.f32 $0.0e+00  }
0x44: {  	v7 =	vimm.f32 $0.0e+00;
	v8 =	vimm.f32 $0.0e+00;
	v0 =	vimm.f32 $0.0e+00  }
0x45: {  	v10 =	vimm.f32 $0.0e+00;
	v43 =	vimm.f32 $0.0e+00;
	v12 =	vimm.f32 $0.0e+00;
	[tilespmem:$0x1FFE0] =	vst v0;
	s19 =	smov.u32 s16;
	s18 =	simm.s32 $0x0  }
.LBB2_3:
0x46: {  	s0 =	smul.u32 $0x70, s18;
	_ =	sdelay $0x1  }
0x47: {  	s31 =	sadd.s32 s16, s0  }
0x48: {  	p0 =	slt.s32 s31, $0xC2E0;
	s0 =	smov.u32 s31  }
0x49: {  	p1 =	slt.s32 s19, $0xC2E0;
	s20 =	smov.u32 s19;
	s0 =	simm.s32 @!p0 $0xC2E0  }
0x4a: {  	s20 =	simm.s32 @!p1 $0xC2E0;
	s21 =	sshll.u32 s0, $0x5  }
0x4b: {  	[dreg:$0x4] =	wrdreg s20;
	s30 =	sadd.s32 s1, s21  }
0x4c: {  	[tilespmem:s4], [sflag:$0x1] =	stream.linear.gather [hbm4b:s30+s4], $0x7000, $0x38;
	[tilespmem:$0x8300] =	vst v63  }
0x4d: {  	_ =	swait.ge [sflag:s9], $0x7000  }
0x4e: {  	s0 =	sshrl.u32 s0, $0x3;
	[sflag:s9] =	ssyncset.done $0x0  }
0x4f: {  	s0 =	sadd.s32 s2, s0;
	[sflag:s9] =	ssyncadd.s32 $0xFFFF9000  }
0x50: {  	[tilespmem:s10], [sflag:$0x1] =	stream.linear.gather [hbm4b:s0+s4], $0x70, $0x38;
	[tilespmem:$0x8300] =	vst v63  }
0x51: {  	_ =	swait.ge [sflag:s9], $0x70  }
0x52: {  	[sflag:s9] =	ssyncset.done $0x0  }
0x53: {  	s26 =	simm.s32 $0x400;
	v9 =	vld [tilespmem:$0x1FFE0];
	[sflag:s9] =	ssyncadd.s32 $0xFFFFFF90  }
0x54: {  	v46 =	vld [tilespmem:s26+$0xFFFFFF80]  }
0x55: {  	v45 =	vld [tilespmem:s26+$0xFFFFFF90]  }
0x56: {  	v44 =	vld [tilespmem:s26+$0xFFFFFFA0]  }
0x57: {  	v11 =	vmov v43;
	v43 =	vld [tilespmem:s26+$0xFFFFFFB0]  }
0x58: {  	v33 =	vld [tilespmem:s26+$0xFFFFFFC0]  }
0x59: {  	v31 =	vld [tilespmem:s26+$0xFFFFFFD0]  }
0x5a: {  	v32 =	vld [tilespmem:s26+$0xFFFFFFE0]  }
0x5b: {  	v30 =	vld [tilespmem:s26+$0xFFFFFFF0]  }
0x5c: {  	v24 =	vld [tilespmem:s26+$0x380]  }
0x5d: {  	v22 =	vld [tilespmem:s26+$0x390]  }
0x5e: {  	v23 =	vld [tilespmem:s26+$0x3A0]  }
0x5f: {  	v21 =	vld [tilespmem:s26+$0x3B0]  }
0x60: {  	v0 =	vld [tilespmem:s26+$0x3C0]  }
0x61: {  	v49 =	vld [tilespmem:s26+$0xFFFFFF00]  }
0x62: {  	v47 =	vld [tilespmem:s26+$0xFFFFFF10]  }
0x63: {  	v48 =	vld [tilespmem:s26+$0xFFFFFF20]  }
0x64: {  	v37 =	vld [tilespmem:s26+$0xFFFFFF40]  }
0x65: {  	v35 =	vld [tilespmem:s26+$0xFFFFFF50]  }
0x66: {  	v36 =	vld [tilespmem:s26+$0xFFFFFF60]  }
0x67: {  	v34 =	vld [tilespmem:s26+$0xFFFFFF70]  }
0x68: {  	s20 =	simm.s32 $0x7004;
	v28 =	vld [tilespmem:s26+$0x300]  }
0x69: {  	v19 =	vld [tilespmem:s20+$0x3]  }
0x6a: {  	v27 =	vld [tilespmem:s26+$0x310]  }
0x6b: {  	v26 =	vld [tilespmem:s26+$0x320]  }
0x6c: {  	v25 =	vld [tilespmem:s26+$0x330]  }
0x6d: {  	v20 =	vld [tilespmem:s20+$0x2]  }
0x6e: {  	v29 =	vld [tilespmem:s20+$0x1]  }
0x6f: {  	v38 =	vld [tilespmem:s20+$0x0]  }
0x70: {  	v39 =	vld [tilespmem:s20+$0xFFFFFFFF]  }
0x71: {  	v40 =	vld [tilespmem:s20+$0xFFFFFFFE];
	(v2sf) =	vpush v19, $0x0  }
0x72: {  	v41 =	vld [tilespmem:s20+$0xFFFFFFFD];
	(v2sf) =	vpush v20, $0x0  }
0x73: {  	(v2sf) =	vpush v29, $0x0;
	v29 =	vld [tilespmem:s20+$0xFFFFFFFC]  }
0x74: {  	v50 =	vld [tilespmem:s26+$0xFFFFFE80];
	(v2sf) =	vpush v38, $0x0  }
0x75: {  	v51 =	vld [tilespmem:s26+$0xFFFFFE90];
	(v2sf) =	vpush v39, $0x0  }
0x76: {  	v52 =	vld [tilespmem:s26+$0xFFFFFEA0];
	(v2sf) =	vpush v40, $0x0  }
0x77: {  	v53 =	vld [tilespmem:s26+$0xFFFFFEB0];
	(v2sf) =	vpush v41, $0x0  }
0x78: {  	v42 =	vld [tilespmem:s26+$0xFFFFFEC0];
	(v2sf) =	vpush v29, $0x0  }
0x79: {  	v54 =	vld [tilespmem:s26+$0xFFFFFE00]  }
0x7a: {  	v55 =	vld [tilespmem:s26+$0xFFFFFD00]  }
0x7b: {  	v56 =	vld [tilespmem:s26+$0xFFFFFD10]  }
0x7c: {  	v57 =	vld [tilespmem:s26+$0xFFFFFC80]  }
0x7d: {  	v58 =	vld [tilespmem:s26+$0xFFFFFC00]  }
0x7e: {  	v59 =	vld [tilespmem:s26+$0xFFFFFC10]  }
0x7f: {  	v60 =	vld [tilespmem:s26+$0xFFFFFC20]  }
0x80: {  	v61 =	vld [tilespmem:s26+$0xFFFFFC30];
	s22 =	spop (v2sf)  }
0x81: {  	v62 =	vld [tilespmem:s26+$0xFFFFFC90];
	s23 =	spop (v2sf)  }
0x82: {  	v63 =	vld [tilespmem:s26+$0xFFFFFCA0];
	s24 =	spop (v2sf)  }
0x83: {  	v1 =	vld [tilespmem:s26+$0xFFFFFCB0];
	s28 =	spop (v2sf)  }
0x84: {  	s3 =	rddreg [dreg:$0x4];
	v18 =	vld [tilespmem:s26+$0xFFFFFD20];
	s25 =	spop (v2sf)  }
0x85: {  	p0 =	sgt.s32 s31, s14;
	s0 =	sadd.s32 $0xFFFFFFF8, s3;
	[tilespmem:$0x1FFC0] =	vst v0;
	v0 =	vld [tilespmem:s26+$0x3D0];
	s29 =	spop (v2sf)  }
0x86: {  	s21 =	smov.u32 s14;
	s3 =	sadd.s32 $0x8, s0;
	v19 =	vld [tilespmem:s26+$0x340];
	s30 =	spop (v2sf)  }
0x87: {  	s21 =	smov.u32 @p0 s31;
	p0 =	slt.s32 s3, s15;
	v20 =	vld [tilespmem:s26+$0x350];
	s31 =	spop (v2sf)  }
0x88: {  	s8 =	sadd.s32 $0x9, s0;
	p1 =	sge.s32 s3, s21;
	v38 =	vld [tilespmem:s26+$0xFFFFFEF0];
	s31 =	simm.s32 @!p0 $0x0  }
0x89: {  	s11 =	sadd.s32 $0xA, s0;
	v39 =	vld [tilespmem:s26+$0xFFFFFEE0];
	p0 =	slt.s32 s8, s15;
	s31 =	simm.s32 @!p1 $0x0  }
0x8a: {  	[tilespmem:$0x1FFD0] =	vst v0;
	v0 =	vld [tilespmem:s26+$0xFFFFFF30];
	p1 =	sge.s32 s8, s21;
	s30 =	simm.s32 @!p0 $0x0;
	p0 =	slt.s32 s11, s15  }
0x8b: {  	v40 =	vld [tilespmem:s26+$0xFFFFFD80];
	s8 =	sadd.s32 $0xB, s0;
	v58 =	vmul.f32 s31, v58;
	s30 =	simm.s32 @!p1 $0x0;
	v59 =	vmul.f32 s31, v59;
	p1 =	sge.s32 s11, s21  }
0x8c: {  	v41 =	vld [tilespmem:s26+$0xFFFFFED0];
	v60 =	vmul.f32 s31, v60;
	s29 =	simm.s32 @!p0 $0x0;
	p0 =	slt.s32 s8, s15;
	s11 =	sadd.s32 $0xC, s0;
	v57 =	vmul.f32 s30, v57  }
0x8d: {  	v29 =	vld [tilespmem:s26+$0x280];
	s29 =	simm.s32 @!p1 $0x0;
	v63 =	vmul.f32 s30, v63;
	v1 =	vmul.f32 s30, v1;
	p1 =	sge.s32 s8, s21;
	s25 =	simm.s32 @!p0 $0x0;
	v12 =	vadd.f32 v58, v12  }
0x8e: {  	p0 =	slt.s32 s11, s15;
	s8 =	sadd.s32 $0xD, s0;
	v58 =	vmul.f32 s31, v61;
	v61 =	vld [tilespmem:s26+$0xFFFFFD30];
	v11 =	vadd.f32 v59, v11;
	v59 =	vmul.f32 s30, v62;
	s25 =	simm.s32 @!p1 $0x0  }
0x8f: {  	v10 =	vadd.f32 v60, v10;
	v60 =	vld [tilespmem:s26+$0xFFFFFD90];
	v55 =	vmul.f32 s29, v55;
	v56 =	vmul.f32 s29, v56;
	p1 =	sge.s32 s11, s21;
	s28 =	simm.s32 @!p0 $0x0;
	p0 =	slt.s32 s8, s15  }
0x90: {  	v18 =	vmul.f32 s29, v18;
	v62 =	vmul.f32 s25, v40;
	v40 =	vld [tilespmem:s26+$0x290];
	s28 =	simm.s32 @!p1 $0x0;
	p1 =	sge.s32 s8, s21;
	s24 =	simm.s32 @!p0 $0x0  }
0x91: {  	s11 =	sadd.s32 $0xE, s0;
	v9 =	vadd.f32 v58, v9;
	v12 =	vadd.f32 v57, v12;
	v57 =	vld [tilespmem:s26+$0xFFFFFDA0];
	v54 =	vmul.f32 s28, v54;
	s24 =	simm.s32 @!p1 $0x0  }
0x92: {  	p0 =	slt.s32 s11, s15;
	v11 =	vadd.f32 v59, v11;
	v59 =	vld [tilespmem:s26+$0xFFFFFDB0];
	v50 =	vmul.f32 s24, v50;
	v51 =	vmul.f32 s24, v51  }
0x93: {  	v10 =	vadd.f32 v63, v10;
	v58 =	vld [tilespmem:s26+$0xFFFFFE10];
	p1 =	sge.s32 s11, s21;
	s23 =	simm.s32 @!p0 $0x0;
	v52 =	vmul.f32 s24, v52;
	v42 =	vmul.f32 s24, v42  }
0x94: {  	s23 =	simm.s32 @!p1 $0x0;
	v38 =	vmul.f32 s24, v38;
	v1 =	vadd.f32 v1, v9;
	v9 =	vadd.f32 v55, v12;
	v12 =	vld [tilespmem:s26+$0xFFFFFE20]  }
0x95: {  	v10 =	vadd.f32 v18, v10;
	v18 =	vld [tilespmem:s26+$0xFFFFFE30];
	v49 =	vmul.f32 s23, v49;
	v47 =	vmul.f32 s23, v47  }
0x96: {  	v11 =	vadd.f32 v56, v11;
	v56 =	vld [tilespmem:s26+$0xFFFFFE40];
	v48 =	vmul.f32 s23, v48;
	v0 =	vmul.f32 s23, v0  }
0x97: {  	v55 =	vld [tilespmem:s26+$0xFFFFFD40];
	v37 =	vmul.f32 s23, v37;
	v35 =	vmul.f32 s23, v35  }
0x98: {  	s0 =	sadd.s32 $0xF, s0;
	v36 =	vmul.f32 s23, v36;
	v61 =	vmul.f32 s29, v61;
	v9 =	vadd.f32 v62, v9;
	v62 =	vld [tilespmem:s26+$0xFFFFFC60]  }
0x99: {  	p0 =	slt.s32 s0, s15;
	v63 =	vmul.f32 s25, v60;
	v60 =	vmul.f32 s28, v58;
	v58 =	vld [tilespmem:s26+$0xFFFFFCC0]  }
0x9a: {  	p1 =	sge.s32 s0, s21;
	s22 =	simm.s32 @!p0 $0x0;
	v28 =	vmul.f32 s23, v28;
	v1 =	vadd.f32 v61, v1;
	v57 =	vmul.f32 s25, v57;
	v61 =	vld [tilespmem:s26+$0xFFFFFC50]  }
0x9b: {  	s22 =	simm.s32 @!p1 $0x0;
	v25 =	vmul.f32 s23, v25;
	v59 =	vmul.f32 s25, v59;
	v11 =	vadd.f32 v63, v11;
	v63 =	vld [tilespmem:s26+$0xFFFFFC70]  }
0x9c: {  	v45 =	vmul.f32 s22, v45;
	v9 =	vadd.f32 v54, v9;
	v54 =	vld [tilespmem:s26+$0xFFFFFDD0];
	v10 =	vadd.f32 v57, v10  }
0x9d: {  	v57 =	vld [tilespmem:s26+$0xFFFFFDC0];
	v1 =	vadd.f32 v59, v1;
	v12 =	vmul.f32 s28, v12;
	v18 =	vmul.f32 s28, v18  }
0x9e: {  	v33 =	vmul.f32 s22, v33;
	v11 =	vadd.f32 v60, v11;
	v9 =	vadd.f32 v50, v9;
	v50 =	vld [tilespmem:s26+$0x90]  }
0x9f: {  	v31 =	vmul.f32 s22, v31;
	v10 =	vadd.f32 v12, v10;
	v1 =	vadd.f32 v18, v1;
	v18 =	vld [tilespmem:s26+$0xFFFFFC40]  }
0xa0: {  	v12 =	vmul.f32 s24, v53;
	v11 =	vadd.f32 v51, v11;
	v53 =	vmul.f32 s31, v61;
	v61 =	vld [tilespmem:s26+$0xFFFFFD60]  }
0xa1: {  	v60 =	vmul.f32 s31, v62;
	v62 =	vmul.f32 s30, v58;
	v58 =	vld [tilespmem:s26+$0xFFFFFE70];
	v10 =	vadd.f32 v52, v10  }
0xa2: {  	v32 =	vmul.f32 s22, v32;
	v1 =	vadd.f32 v12, v1;
	v11 =	vadd.f32 v47, v11;
	v47 =	vld [tilespmem:s26+$0xFFFFFCD0]  }
0xa3: {  	v30 =	vmul.f32 s22, v30;
	v52 =	vmul.f32 s22, v43;
	v43 =	vld [tilespmem:s26+$0xFFFFFCF0];
	v7 =	vadd.f32 v53, v7  }
0xa4: {  	v53 =	vld [tilespmem:s26+$0xFFFFFE50];
	v10 =	vadd.f32 v48, v10;
	v0 =	vadd.f32 v0, v1;
	v1 =	vmul.f32 s22, v44  }
0xa5: {  	v9 =	vadd.f32 v49, v9;
	v12 =	vmul.f32 s22, v46;
	v6 =	vadd.f32 v60, v6;
	v44 =	vld [tilespmem:s26+$0xFFFFFCE0]  }
0xa6: {  	v18 =	vmul.f32 s31, v18;
	v59 =	vadd.f32 v1, v10;
	v1 =	vld [tilespmem:s26+$0xFFFFFD50];
	v0 =	vadd.f32 v52, v0  }
0xa7: {  	v60 =	vmul.f32 s25, v57;
	v49 =	vadd.f32 v12, v9;
	v10 =	vmul.f32 s29, v55;
	v52 =	vld [tilespmem:s26+$0xFFFFFDF0]  }
0xa8: {  	v47 =	vmul.f32 s30, v47;
	[tilespmem:$0x1FFE0] =	vst v0;
	v0 =	vadd.f32 v18, v8;
	v18 =	vmul.f32 s31, v63;
	v63 =	vld [tilespmem:s26+$0xFFFFFD70]  }
0xa9: {  	v57 =	vld [tilespmem:s26+$0x10];
	v11 =	vadd.f32 v45, v11;
	v43 =	vmul.f32 s30, v43;
	v8 =	vmul.f32 s29, v61  }
0xaa: {  	v48 =	vld [tilespmem:s26+$0x2A0];
	v61 =	vmul.f32 s25, v54;
	v44 =	vmul.f32 s30, v44;
	v7 =	vadd.f32 v47, v7  }
0xab: {  	v5 =	vadd.f32 v18, v5;
	v18 =	vld [tilespmem:s26+$0xFFFFFDE0];
	v0 =	vadd.f32 v62, v0;
	v62 =	vmul.f32 s28, v56  }
0xac: {  	v9 =	vld [tilespmem:s26+$0x190];
	v6 =	vadd.f32 v44, v6;
	v1 =	vmul.f32 s29, v1;
	v45 =	vmul.f32 s25, v52  }
0xad: {  	v55 =	vld [tilespmem:s26+$0xFFFFFE60];
	v5 =	vadd.f32 v43, v5;
	v0 =	vadd.f32 v10, v0;
	v46 =	vmul.f32 s29, v63  }
0xae: {  	v47 =	vld [tilespmem:s26+$0x100];
	v44 =	vmul.f32 s28, v53;
	v1 =	vadd.f32 v1, v7;
	v6 =	vadd.f32 v8, v6  }
0xaf: {  	v56 =	vld [tilespmem:s26+$0x0];
	v10 =	vmul.f32 s30, v50;
	v0 =	vadd.f32 v60, v0;
	v5 =	vadd.f32 v46, v5  }
0xb0: {  	v50 =	vld [tilespmem:s26+$0x230];
	v7 =	vmul.f32 s28, v58;
	v18 =	vmul.f32 s25, v18;
	v1 =	vadd.f32 v61, v1  }
0xb1: {  	v63 =	vmul.f32 s24, v41;
	v41 =	vld [tilespmem:s26+$0x80];
	v0 =	vadd.f32 v62, v0;
	v5 =	vadd.f32 v45, v5  }
0xb2: {  	v43 =	vmul.f32 s28, v55;
	v60 =	vld [tilespmem:s26+$0x20];
	v6 =	vadd.f32 v18, v6;
	v1 =	vadd.f32 v44, v1  }
0xb3: {  	v58 =	vmul.f32 s23, v34;
	v46 =	vld [tilespmem:s26+$0x200];
	v0 =	vadd.f32 v42, v0;
	v5 =	vadd.f32 v7, v5  }
0xb4: {  	v61 =	vld [tilespmem:s26+$0x30];
	v44 =	vmul.f32 s24, v39;
	v6 =	vadd.f32 v43, v6;
	v1 =	vadd.f32 v63, v1  }
0xb5: {  	v62 =	vld [tilespmem:s26+$0xA0];
	v34 =	vmul.f32 s28, v50;
	v0 =	vadd.f32 v37, v0;
	v5 =	vadd.f32 v38, v5  }
0xb6: {  	v45 =	vld [tilespmem:s26+$0x180];
	v63 =	vmul.f32 s31, v56;
	v6 =	vadd.f32 v44, v6;
	v1 =	vadd.f32 v35, v1  }
0xb7: {  	v7 =	vmul.f32 s30, v41;
	v44 =	vadd.f32 v33, v0;
	v0 =	vld [tilespmem:s26+$0xB0];
	v5 =	vadd.f32 v58, v5  }
0xb8: {  	v6 =	vadd.f32 v36, v6;
	v53 =	vadd.f32 v31, v1;
	v1 =	vld [tilespmem:s26+$0x110];
	v31 =	vmul.f32 s31, v57  }
0xb9: {  	v41 =	vmul.f32 s29, v47;
	v8 =	vmul.f32 s31, v61;
	v42 =	vadd.f32 v30, v5;
	v30 =	vld [tilespmem:s26+$0x120]  }
0xba: {  	v54 =	vadd.f32 v32, v6;
	v6 =	vmul.f32 s31, v60;
	v3 =	vadd.f32 v31, v3;
	v31 =	vld [tilespmem:s26+$0x130]  }
0xbb: {  	v18 =	vld [tilespmem:s26+$0x210];
	v56 =	vmul.f32 s28, v46;
	v4 =	vadd.f32 v63, v4;
	v16 =	vadd.f32 v8, v16  }
0xbc: {  	v43 =	vmovc v11;
	v11 =	vld [tilespmem:s26+$0x1A0];
	v36 =	vmul.f32 s30, v62;
	v2 =	vadd.f32 v6, v2;
	v0 =	vmul.f32 s30, v0  }
0xbd: {  	v47 =	vld [tilespmem:s26+$0x1B0];
	v4 =	vadd.f32 v7, v4;
	v3 =	vadd.f32 v10, v3;
	v1 =	vmul.f32 s29, v1  }
0xbe: {  	v2 =	vadd.f32 v36, v2;
	v0 =	vadd.f32 v0, v16;
	v16 =	vld [tilespmem:s26+$0x220];
	v30 =	vmul.f32 s29, v30  }
0xbf: {  	v52 =	vld [tilespmem:s26+$0x2C0];
	v51 =	vmul.f32 s25, v45;
	v4 =	vadd.f32 v41, v4;
	v31 =	vmul.f32 s29, v31  }
0xc0: {  	v61 =	vld [tilespmem:s26+$0xC0];
	v1 =	vadd.f32 v1, v3;
	v2 =	vadd.f32 v30, v2;
	v30 =	vmul.f32 s25, v9  }
0xc1: {  	v18 =	vmul.f32 s28, v18;
	v55 =	vmul.f32 s25, v11;
	v4 =	vadd.f32 v51, v4;
	v3 =	vld [tilespmem:s26+$0x2B0]  }
0xc2: {  	v57 =	vld [tilespmem:s26+$0x240];
	v35 =	vmul.f32 s25, v47;
	v0 =	vadd.f32 v31, v0;
	v1 =	vadd.f32 v30, v1  }
0xc3: {  	v58 =	vld [tilespmem:s26+$0x140];
	v4 =	vadd.f32 v56, v4;
	v2 =	vadd.f32 v55, v2;
	v16 =	vmul.f32 s28, v16  }
0xc4: {  	v30 =	vld [tilespmem:s26+$0x2D0];
	v0 =	vadd.f32 v35, v0;
	v1 =	vadd.f32 v18, v1;
	v18 =	vmul.f32 s24, v29  }
0xc5: {  	v24 =	vmul.f32 s22, v24;
	v2 =	vadd.f32 v16, v2;
	v29 =	vld [tilespmem:s26+$0x150];
	v16 =	vmul.f32 s24, v40  }
0xc6: {  	v3 =	vmul.f32 s24, v3;
	v0 =	vadd.f32 v34, v0;
	v4 =	vadd.f32 v18, v4;
	v18 =	vld [tilespmem:s26+$0x40]  }
0xc7: {  	v60 =	vmul.f32 s24, v48;
	v1 =	vadd.f32 v16, v1;
	v16 =	vmul.f32 s23, v27;
	v27 =	vld [tilespmem:s26+$0x50]  }
0xc8: {  	v0 =	vadd.f32 v3, v0;
	v3 =	vmul.f32 s23, v26;
	v26 =	vld [tilespmem:s26+$0x60];
	v4 =	vadd.f32 v28, v4  }
0xc9: {  	v21 =	vmul.f32 s22, v21;
	v2 =	vadd.f32 v60, v2;
	v1 =	vadd.f32 v16, v1;
	v28 =	vld [tilespmem:s26+$0x70]  }
0xca: {  	v16 =	vmul.f32 s22, v22;
	v0 =	vadd.f32 v25, v0;
	v31 =	vadd.f32 v24, v4;
	v24 =	vld [tilespmem:s26+$0xE0]  }
0xcb: {  	v22 =	vmul.f32 s22, v23;
	v2 =	vadd.f32 v3, v2;
	v23 =	vld [tilespmem:s26+$0xD0]  }
0xcc: {  	v47 =	vadd.f32 v16, v1;
	v39 =	vadd.f32 v21, v0;
	v0 =	vld [tilespmem:s26+$0x160]  }
0xcd: {  	v36 =	vadd.f32 v22, v2;
	v2 =	vld [tilespmem:$0x1FFD0];
	v1 =	vmul.f32 s31, v18;
	v21 =	vmul.f32 s31, v26  }
0xce: {  	v18 =	vld [tilespmem:s26+$0xF0];
	v22 =	vmul.f32 s31, v27  }
0xcf: {  	v1 =	vadd.f32 v1, v15;
	v15 =	vld [tilespmem:s26+$0x170];
	v13 =	vadd.f32 v21, v13;
	v24 =	vmul.f32 s30, v24  }
0xd0: {  	v14 =	vadd.f32 v22, v14;
	v21 =	vld [tilespmem:s26+$0x1C0];
	v22 =	vmul.f32 s30, v23  }
0xd1: {  	v25 =	vmul.f32 s30, v61;
	v23 =	vld [tilespmem:s26+$0x1D0];
	v0 =	vmul.f32 s29, v0;
	v13 =	vadd.f32 v24, v13  }
0xd2: {  	v26 =	vmul.f32 s31, v28;
	v14 =	vadd.f32 v22, v14;
	v22 =	vld [tilespmem:s26+$0x1E0]  }
0xd3: {  	v1 =	vadd.f32 v25, v1;
	v25 =	vmul.f32 s29, v58;
	v13 =	vadd.f32 v0, v13;
	v0 =	vld [tilespmem:$0x1FFC0]  }
0xd4: {  	v19 =	vmul.f32 s23, v19;
	v27 =	vld [tilespmem:s26+$0x250];
	v17 =	vadd.f32 v26, v17;
	v18 =	vmul.f32 s30, v18  }
0xd5: {  	v20 =	vmul.f32 s23, v20;
	v24 =	vld [tilespmem:s26+$0x1F0];
	v1 =	vadd.f32 v25, v1;
	v21 =	vmul.f32 s25, v21  }
0xd6: {  	v28 =	vld [tilespmem:s26+$0x260];
	v26 =	vmul.f32 s29, v29;
	v25 =	vmul.f32 s24, v52;
	v18 =	vadd.f32 v18, v17  }
0xd7: {  	v29 =	vld [tilespmem:s26+$0x270];
	v15 =	vmul.f32 s29, v15;
	v3 =	vadd.f32 v21, v1;
	v1 =	vmul.f32 s25, v22  }
0xd8: {  	v62 =	vld [tilespmem:s26+$0x2E0];
	v14 =	vadd.f32 v26, v14;
	v48 =	vmul.f32 s22, v0;
	v0 =	vmul.f32 s25, v23  }
0xd9: {  	v26 =	vmul.f32 s24, v30;
	v15 =	vadd.f32 v15, v18;
	v21 =	vadd.f32 v1, v13;
	v1 =	vld [tilespmem:s26+$0x360]  }
0xda: {  	v18 =	vmul.f32 s22, v2;
	v13 =	vld [tilespmem:s26+$0x370];
	v63 =	vadd.f32 v0, v14;
	v14 =	vmul.f32 s25, v24  }
0xdb: {  	v2 =	vmul.f32 s28, v27;
	v0 =	vld [tilespmem:s26+$0x2F0];
	v24 =	vmul.f32 s28, v57  }
0xdc: {  	v29 =	vmul.f32 s28, v29;
	v23 =	vmul.f32 s28, v28;
	v22 =	vadd.f32 v14, v15;
	v14 =	vld [tilespmem:s26+$0x3E0]  }
0xdd: {  	s25 =	simm.s32 $0x0;
	v27 =	vadd.f32 v24, v3;
	v28 =	vadd.f32 v2, v63;
	v24 =	vmul.f32 s24, v62;
	v15 =	vld [tilespmem:s26+$0x3F0];
	s26 =	simm.s32 $0xC00  }
.LBB2_4:
0xde: {  	v30 =	vld [tilespmem:s26+$0xFFFFFF80]  }
0xdf: {  	v17 =	vld [tilespmem:s26+$0xFFFFFFE0]  }
0xe0: {  	v35 =	vld [tilespmem:s26+$0xFFFFFF40]  }
0xe1: {  	[tilespmem:$0x1FED0] =	vst v36;
	v36 =	vld [tilespmem:s26+$0xFFFFFF50]  }
0xe2: {  	v37 =	vld [tilespmem:s26+$0xFFFFFF60]  }
0xe3: {  	v38 =	vld [tilespmem:s26+$0xFFFFFF70]  }
0xe4: {  	[tilespmem:$0x1FEE0] =	vst v39;
	v39 =	vld [tilespmem:s26+$0x300]  }
0xe5: {  	v40 =	vld [tilespmem:s26+$0x310]  }
0xe6: {  	[tilespmem:$0x1FE60] =	vst v44;
	v44 =	vmov v49;
	v49 =	vld [tilespmem:s26+$0x320]  }
0xe7: {  	v50 =	vld [tilespmem:s26+$0x330]  }
0xe8: {  	v51 =	vld [tilespmem:s26+$0x340]  }
0xe9: {  	v52 =	vld [tilespmem:s26+$0x350]  }
0xea: {  	[tilespmem:$0x1FE70] =	vst v53;
	v53 =	vld [tilespmem:s26+$0xFFFFFE80]  }
0xeb: {  	[tilespmem:$0x1FE80] =	vst v54;
	v54 =	vld [tilespmem:s26+$0xFFFFFE90]  }
0xec: {  	v55 =	vld [tilespmem:s26+$0xFFFFFEA0]  }
0xed: {  	v56 =	vld [tilespmem:s26+$0xFFFFFEB0]  }
0xee: {  	v61 =	vld [tilespmem:s26+$0xFFFFFEC0]  }
0xef: {  	v62 =	vld [tilespmem:s26+$0xFFFFFED0]  }
0xf0: {  	v63 =	vld [tilespmem:s26+$0xFFFFFEE0]  }
0xf1: {  	v16 =	vld [tilespmem:s26+$0xFFFFFEF0]  }
0xf2: {  	v3 =	vld [tilespmem:s26+$0x290]  }
0xf3: {  	v4 =	vld [tilespmem:s26+$0x2A0]  }
0xf4: {  	v5 =	vld [tilespmem:s26+$0x2B0];
	v21 =	vadd.f32 v23, v21  }
0xf5: {  	v6 =	vld [tilespmem:s26+$0x2C0]  }
0xf6: {  	v7 =	vld [tilespmem:s26+$0x2D0];
	v21 =	vadd.f32 v24, v21;
	v1 =	vmul.f32 s23, v1  }
0xf7: {  	s20 =	sadd.s32 $0x8, s20;
	v8 =	vld [tilespmem:s26+$0xFFFFFE00]  }
0xf8: {  	v1 =	vadd.f32 v1, v21;
	v21 =	vld [tilespmem:s20+$0x3]  }
0xf9: {  	v9 =	vld [tilespmem:s26+$0xFFFFFE10]  }
0xfa: {  	v10 =	vld [tilespmem:s26+$0xFFFFFE20]  }
0xfb: {  	v12 =	vld [tilespmem:s26+$0xFFFFFE40]  }
0xfc: {  	v46 =	vld [tilespmem:s26+$0x210]  }
0xfd: {  	v32 =	vld [tilespmem:s26+$0xFFFFFCA0];
	(v2sf) =	vpush v21, $0x0  }
0xfe: {  	v23 =	vld [tilespmem:s26+$0xFFFFFF90]  }
0xff: {  	v25 =	vadd.f32 v25, v27;
	v27 =	vld [tilespmem:s26+$0xFFFFFFA0]  }
0x100: {  	v26 =	vadd.f32 v26, v28;
	v28 =	vld [tilespmem:s26+$0xFFFFFF20]  }
0x101: {  	v22 =	vadd.f32 v29, v22;
	v29 =	vld [tilespmem:s26+$0xFFFFFF30]  }
0x102: {  	v21 =	vld [tilespmem:s20+$0x2]  }
0x103: {  	v24 =	vld [tilespmem:s26+$0xFFFFFFC0];
	v0 =	vmul.f32 s24, v0  }
0x104: {  	v19 =	vadd.f32 v19, v25;
	v25 =	vld [tilespmem:s26+$0xFFFFFF00]  }
0x105: {  	v20 =	vadd.f32 v20, v26;
	v26 =	vld [tilespmem:s26+$0xFFFFFF10];
	v13 =	vmul.f32 s23, v13;
	v0 =	vadd.f32 v0, v22  }
0x106: {  	v14 =	vmul.f32 s22, v14;
	v2 =	vadd.f32 v48, v19;
	v19 =	vld [tilespmem:s26+$0x3C0]  }
0x107: {  	v22 =	vld [tilespmem:s26+$0xFFFFFFB0];
	v0 =	vadd.f32 v13, v0;
	v13 =	vmul.f32 s22, v15;
	(v2sf) =	vpush v21, $0x0  }
0x108: {  	v1 =	vadd.f32 v14, v1;
	v21 =	vld [tilespmem:s20+$0x1]  }
0x109: {  	s0 =	rddreg [dreg:$0x4];
	v15 =	vld [tilespmem:s26+$0xFFFFFFD0];
	v0 =	vadd.f32 v13, v0  }
0x10a: {  	s0 =	sadd.s32 s25, s0;
	[tilespmem:$0x1FFA0] =	vst v1;
	v1 =	vld [tilespmem:s26+$0x380]  }
0x10b: {  	s3 =	sadd.s32 $0xF, s0;
	[tilespmem:$0x1FFB0] =	vst v0;
	v0 =	vld [tilespmem:s26+$0xFFFFFFF0]  }
0x10c: {  	p0 =	slt.s32 s3, s15;
	v13 =	vld [tilespmem:s26+$0x390];
	s22 =	spop (v2sf)  }
0x10d: {  	p1 =	sge.s32 s3, s21;
	(v2sf) =	vpush v21, $0x0;
	v21 =	vld [tilespmem:s20+$0x0];
	s22 =	simm.s32 @!p0 $0x0  }
0x10e: {  	[tilespmem:$0x1FF80] =	vst v2;
	v2 =	vadd.f32 v18, v20;
	v18 =	vld [tilespmem:s26+$0x3B0];
	s22 =	simm.s32 @!p1 $0x0  }
0x10f: {  	v20 =	vld [tilespmem:s26+$0x3D0];
	v1 =	vmul.f32 s22, v1  }
0x110: {  	v14 =	vld [tilespmem:s26+$0x3A0];
	v0 =	vmul.f32 s22, v0  }
0x111: {  	v33 =	vmul.f32 s22, v15;
	v15 =	vld [tilespmem:s20+$0xFFFFFFFF];
	[tilespmem:$0x1FF40] =	vst v1;
	v1 =	vmul.f32 s22, v13  }
0x112: {  	(v2sf) =	vpush v21, $0x0;
	[tilespmem:$0x1FEC0] =	vst v0;
	v0 =	vld [tilespmem:s20+$0xFFFFFFFE]  }
0x113: {  	[tilespmem:$0x1FF50] =	vst v1;
	v1 =	vld [tilespmem:s20+$0xFFFFFFFD]  }
0x114: {  	v11 =	vmul.f32 s22, v24;
	v13 =	vld [tilespmem:s20+$0xFFFFFFFC]  }
0x115: {  	[tilespmem:$0x1FF90] =	vst v2;
	v2 =	vld [tilespmem:s26+$0x280]  }
0x116: {  	s28 =	sadd.s32 $0xE, s0;
	v34 =	vmul.f32 s22, v17;
	v17 =	vld [tilespmem:s26+$0xFFFFFE50];
	[tilespmem:$0x1FE90] =	vst v11;
	s23 =	spop (v2sf);
	(v2sf) =	vpush v15, $0x0  }
0x117: {  	p0 =	slt.s32 s28, s15;
	v41 =	vmul.f32 s22, v14;
	[tilespmem:$0x1FEA0] =	vst v33;
	v11 =	vld [tilespmem:s26+$0xFFFFFE30];
	(v2sf) =	vpush v0, $0x0  }
0x118: {  	p1 =	sge.s32 s28, s21;
	v45 =	vmul.f32 s22, v18;
	[tilespmem:$0x1FEB0] =	vst v34;
	v33 =	vld [tilespmem:s26+$0xFFFFFCB0];
	s23 =	simm.s32 @!p0 $0x0;
	(v2sf) =	vpush v1, $0x0  }
0x119: {  	v48 =	vmul.f32 s22, v19;
	[tilespmem:$0x1FF60] =	vst v41;
	v34 =	vld [tilespmem:s26+$0xFFFFFD20];
	s23 =	simm.s32 @!p1 $0x0;
	(v2sf) =	vpush v13, $0x0  }
0x11a: {  	v18 =	vmul.f32 s22, v20;
	[tilespmem:$0x1FF70] =	vst v45;
	v41 =	vld [tilespmem:s26+$0xFFFFFD30];
	v45 =	vmul.f32 s23, v25  }
0x11b: {  	v58 =	vmul.f32 s23, v29;
	v29 =	vmul.f32 s23, v35;
	v35 =	vld [tilespmem:s26+$0xFFFFFE70]  }
0x11c: {  	s29 =	sadd.s32 $0xD, s0;
	v60 =	vmul.f32 s23, v26;
	v24 =	vmul.f32 s23, v36;
	v36 =	vld [tilespmem:s26+$0x200]  }
0x11d: {  	p0 =	slt.s32 s29, s15;
	v19 =	vmul.f32 s23, v51;
	v51 =	vld [tilespmem:s26+$0x220];
	s24 =	spop (v2sf);
	v1 =	vmul.f32 s23, v39  }
0x11e: {  	p1 =	sge.s32 s29, s21;
	v57 =	vmul.f32 s23, v28;
	v20 =	vmul.f32 s23, v52;
	v52 =	vld [tilespmem:s26+$0x230];
	s24 =	simm.s32 @!p0 $0x0  }
0x11f: {  	v21 =	vmul.f32 s23, v37;
	v37 =	vld [tilespmem:s26+$0x240];
	s24 =	simm.s32 @!p1 $0x0;
	[tilespmem:$0x1FF00] =	vst v1;
	v1 =	vmul.f32 s23, v40  }
0x120: {  	s30 =	sadd.s32 $0xC, s0;
	v28 =	vmul.f32 s23, v38;
	v38 =	vld [tilespmem:s26+$0x250];
	v15 =	vmul.f32 s24, v54  }
0x121: {  	v0 =	vld [tilespmem:s26+$0xFFFFFE60];
	p0 =	slt.s32 s30, s15;
	v13 =	vmul.f32 s24, v56;
	s28 =	spop (v2sf);
	[tilespmem:$0x1FF10] =	vst v1;
	v1 =	vmul.f32 s23, v49  }
0x122: {  	v39 =	vld [tilespmem:s26+$0xFFFFFD90];
	p1 =	sge.s32 s30, s21;
	v54 =	vmul.f32 s24, v62;
	v56 =	vmul.f32 s24, v16;
	s28 =	simm.s32 @!p0 $0x0  }
0x123: {  	s31 =	sadd.s32 $0xA, s0;
	v16 =	vld [tilespmem:s26+$0xFFFFFD80];
	v2 =	vmul.f32 s24, v2;
	s28 =	simm.s32 @!p1 $0x0;
	[tilespmem:$0x1FF20] =	vst v1;
	v1 =	vmul.f32 s23, v50  }
0x124: {  	s8 =	sadd.s32 $0x8, s0;
	s11 =	sadd.s32 $0x9, s0;
	s30 =	sadd.s32 $0xB, s0;
	v25 =	vmul.f32 s24, v6;
	v6 =	vld [tilespmem:s26+$0xFFFFFD10];
	v62 =	vmul.f32 s28, v17  }
0x125: {  	p4 =	slt.s32 s31, s15;
	p3 =	slt.s32 s30, s15;
	v17 =	vld [tilespmem:s26+$0xFFFFFC00];
	[tilespmem:$0x1FF30] =	vst v1;
	v1 =	vmul.f32 s24, v55;
	v55 =	vmul.f32 s24, v63;
	s29 =	spop (v2sf)  }
0x126: {  	p1 =	sge.s32 s30, s21;
	v63 =	vmul.f32 s28, v0;
	v0 =	vmul.f32 s28, v35;
	v35 =	vld [tilespmem:s26+$0xFFFFFC10];
	s29 =	simm.s32 @!p3 $0x0;
	s30 =	spop (v2sf)  }
0x127: {  	v26 =	vmul.f32 s24, v7;
	p0 =	sge.s32 s31, s21;
	v50 =	vmul.f32 s28, v46;
	v46 =	vld [tilespmem:s26+$0xFFFFFC20];
	s29 =	simm.s32 @!p1 $0x0;
	s31 =	spop (v2sf)  }
0x128: {  	v7 =	vmul.f32 s28, v8;
	v8 =	vmul.f32 s28, v9;
	v9 =	vld [tilespmem:s26+$0xFFFFFC80];
	p1 =	slt.s32 s8, s15;
	s30 =	simm.s32 @!p4 $0x0;
	s0 =	spop (v2sf)  }
0x129: {  	v14 =	vmul.f32 s24, v53;
	v53 =	vmul.f32 s24, v61;
	v49 =	vld [tilespmem:s26+$0xFFFFFC90];
	s30 =	simm.s32 @!p0 $0x0;
	p0 =	sge.s32 s8, s21;
	s0 =	simm.s32 @!p1 $0x0  }
0x12a: {  	v40 =	vmul.f32 s24, v5;
	v5 =	vld [tilespmem:s26+$0xFFFFFD00];
	v61 =	vmul.f32 s28, v12;
	p3 =	slt.s32 s11, s15;
	s0 =	simm.s32 @!p0 $0x0  }
0x12b: {  	p2 =	sge.s32 s11, s21;
	[tilespmem:$0x1FEF0] =	vst v2;
	v2 =	vmov v31;
	v31 =	vld [tilespmem:s26+$0xFFFFFC30];
	v12 =	vmul.f32 s28, v36;
	s31 =	simm.s32 @!p3 $0x0;
	v35 =	vmul.f32 s0, v35  }
0x12c: {  	s31 =	simm.s32 @!p2 $0x0;
	v17 =	vmul.f32 s0, v17;
	v36 =	vmul.f32 s0, v46;
	v46 =	vmov v42;
	v42 =	vld [tilespmem:s26+$0xFFFFFDA0]  }
0x12d: {  	v9 =	vmul.f32 s31, v9;
	v35 =	vadd.f32 v35, v43;
	v43 =	vld [tilespmem:s26+$0xFFFFFDB0]  }
0x12e: {  	v49 =	vmul.f32 s31, v49;
	v17 =	vadd.f32 v17, v44;
	v36 =	vadd.f32 v36, v59;
	v59 =	vld [tilespmem:$0x1FFE0]  }
0x12f: {  	v32 =	vmul.f32 s31, v32;
	v44 =	vld [tilespmem:s26+$0xFFFFFDC0]  }
0x130: {  	v5 =	vmul.f32 s30, v5;
	v9 =	vadd.f32 v9, v17;
	v17 =	vadd.f32 v49, v35;
	v35 =	vld [tilespmem:s26+$0xFFFFFDD0]  }
0x131: {  	v6 =	vmul.f32 s30, v6;
	v31 =	vmul.f32 s0, v31;
	v32 =	vadd.f32 v32, v36;
	v36 =	vld [tilespmem:s26+$0xFFFFFD40]  }
0x132: {  	v34 =	vmul.f32 s30, v34;
	v33 =	vmul.f32 s31, v33;
	v5 =	vadd.f32 v5, v9;
	v9 =	vld [tilespmem:s26+$0xFFFFFD50]  }
0x133: {  	v6 =	vadd.f32 v6, v17;
	v17 =	vmul.f32 s29, v42;
	v42 =	vld [tilespmem:s26+$0xFFFFFC50];
	v31 =	vadd.f32 v31, v59  }
0x134: {  	v39 =	vmul.f32 s29, v39;
	v32 =	vadd.f32 v34, v32;
	v59 =	vmul.f32 s30, v41;
	v41 =	vld [tilespmem:s26+$0xFFFFFCC0]  }
0x135: {  	v10 =	vmul.f32 s28, v10;
	v49 =	vmul.f32 s29, v43;
	v43 =	vld [tilespmem:s26+$0xFFFFFC60];
	v31 =	vadd.f32 v33, v31  }
0x136: {  	v16 =	vmul.f32 s29, v16;
	v6 =	vadd.f32 v39, v6;
	v39 =	vld [tilespmem:s26+$0xFFFFFC40];
	v17 =	vadd.f32 v17, v32  }
0x137: {  	v32 =	vmul.f32 s29, v35;
	v35 =	vmul.f32 s30, v36;
	v36 =	vld [tilespmem:s26+$0xFFFFFD60];
	v31 =	vadd.f32 v59, v31  }
0x138: {  	v11 =	vmul.f32 s28, v11;
	v5 =	vadd.f32 v16, v5;
	v6 =	vadd.f32 v8, v6;
	v59 =	vld [tilespmem:s26+$0xFFFFFCD0]  }
0x139: {  	v16 =	vmul.f32 s29, v44;
	v33 =	vld [tilespmem:s26+$0x110];
	v44 =	vadd.f32 v10, v17;
	v31 =	vadd.f32 v49, v31  }
0x13a: {  	v5 =	vadd.f32 v7, v5;
	v6 =	vadd.f32 v15, v6;
	v15 =	vld [tilespmem:s26+$0xFFFFFCE0]  }
0x13b: {  	v23 =	vmul.f32 s22, v23;
	v1 =	vadd.f32 v1, v44;
	v44 =	vld [tilespmem:s26+$0xFFFFFDE0];
	v49 =	vadd.f32 v11, v31  }
0x13c: {  	v27 =	vmul.f32 s22, v27;
	v17 =	vmul.f32 s31, v41;
	v5 =	vadd.f32 v14, v5;
	v41 =	vld [tilespmem:s26+$0x30]  }
0x13d: {  	v10 =	vmul.f32 s0, v39;
	v39 =	vld [tilespmem:s26+$0xFFFFFD70];
	v14 =	vmul.f32 s31, v59;
	v59 =	vadd.f32 v13, v49  }
0x13e: {  	v22 =	vmul.f32 s22, v22;
	v5 =	vadd.f32 v45, v5;
	v6 =	vadd.f32 v60, v6;
	v11 =	vld [tilespmem:s26+$0xFFFFFC70]  }
0x13f: {  	v8 =	vmul.f32 s30, v9;
	v1 =	vadd.f32 v57, v1;
	v45 =	vld [tilespmem:$0x1FE70];
	v9 =	vadd.f32 v58, v59  }
0x140: {  	v7 =	vmul.f32 s0, v43;
	v43 =	vadd.f32 v23, v6;
	v13 =	vld [tilespmem:s26+$0xFFFFFCF0]  }
0x141: {  	v23 =	vld [tilespmem:s26+$0x80];
	v59 =	vadd.f32 v27, v1;
	v1 =	vadd.f32 v22, v9  }
0x142: {  	v30 =	vmul.f32 s22, v30;
	v57 =	vmul.f32 s31, v15;
	v15 =	vld [tilespmem:$0x1FE80]  }
0x143: {  	v31 =	vmul.f32 s0, v42;
	v42 =	vmul.f32 s0, v11;
	[tilespmem:$0x1FFE0] =	vst v1;
	v1 =	vld [tilespmem:$0x1FE60]  }
0x144: {  	v49 =	vadd.f32 v30, v5;
	v58 =	vld [tilespmem:s26+$0xFFFFFDF0]  }
0x145: {  	v60 =	vmul.f32 s30, v39;
	v39 =	vld [tilespmem:s26+$0x10];
	v5 =	vadd.f32 v42, v46;
	v13 =	vmul.f32 s31, v13  }
0x146: {  	v9 =	vadd.f32 v31, v45;
	v31 =	vld [tilespmem:s26+$0xB0]  }
0x147: {  	v7 =	vadd.f32 v7, v15;
	v15 =	vld [tilespmem:s26+$0x180];
	v5 =	vadd.f32 v13, v5  }
0x148: {  	v22 =	vld [tilespmem:$0x1FE90];
	v1 =	vadd.f32 v10, v1  }
0x149: {  	v46 =	vld [tilespmem:s26+$0x1A0];
	v9 =	vadd.f32 v14, v9;
	v34 =	vmul.f32 s29, v58;
	v5 =	vadd.f32 v60, v5  }
0x14a: {  	v14 =	vmul.f32 s30, v36;
	v7 =	vadd.f32 v57, v7;
	v13 =	vld [tilespmem:s26+$0x100];
	v1 =	vadd.f32 v17, v1  }
0x14b: {  	v6 =	vmul.f32 s29, v44;
	v57 =	vld [tilespmem:$0x1FEC0];
	v8 =	vadd.f32 v8, v9;
	v5 =	vadd.f32 v34, v5  }
0x14c: {  	v7 =	vadd.f32 v14, v7;
	v14 =	vmul.f32 s29, v15;
	v15 =	vld [tilespmem:s26+$0x0];
	v1 =	vadd.f32 v35, v1  }
0x14d: {  	v8 =	vadd.f32 v32, v8;
	v32 =	vld [tilespmem:s26+$0xD0];
	v0 =	vadd.f32 v0, v5  }
0x14e: {  	v6 =	vadd.f32 v6, v7;
	v34 =	vld [tilespmem:s26+$0x50];
	v1 =	vadd.f32 v16, v1  }
0x14f: {  	v17 =	vld [tilespmem:s26+$0x190];
	v0 =	vadd.f32 v56, v0  }
0x150: {  	v10 =	vmul.f32 s0, v39;
	v6 =	vadd.f32 v63, v6;
	v63 =	vld [tilespmem:s26+$0x150];
	v1 =	vadd.f32 v61, v1  }
0x151: {  	v8 =	vadd.f32 v62, v8;
	v15 =	vmul.f32 s0, v15;
	v16 =	vld [tilespmem:s26+$0x20];
	v0 =	vadd.f32 v28, v0  }
0x152: {  	v58 =	vadd.f32 v10, v47;
	v35 =	vld [tilespmem:s26+$0x90];
	v1 =	vadd.f32 v53, v1  }
0x153: {  	v42 =	vadd.f32 v57, v0;
	v0 =	vadd.f32 v15, v2;
	v2 =	vld [tilespmem:$0x1FED0]  }
0x154: {  	v56 =	vld [tilespmem:$0x1FEB0];
	v36 =	vmul.f32 s29, v17;
	v17 =	vmul.f32 s31, v23;
	v1 =	vadd.f32 v29, v1  }
0x155: {  	v13 =	vmul.f32 s30, v13;
	v8 =	vadd.f32 v54, v8;
	v6 =	vadd.f32 v55, v6;
	v55 =	vld [tilespmem:$0x1FF90]  }
0x156: {  	v0 =	vadd.f32 v17, v0;
	v16 =	vmul.f32 s0, v16;
	v44 =	vadd.f32 v22, v1;
	v1 =	vld [tilespmem:$0x1FEA0]  }
0x157: {  	v8 =	vadd.f32 v24, v8;
	v6 =	vadd.f32 v21, v6;
	v23 =	vld [tilespmem:s26+$0xA0];
	v11 =	vmul.f32 s31, v35  }
0x158: {  	v0 =	vadd.f32 v13, v0;
	v15 =	vadd.f32 v16, v2;
	v2 =	vld [tilespmem:$0x1FEE0]  }
0x159: {  	v9 =	vmul.f32 s30, v33;
	v24 =	vld [tilespmem:s26+$0x120];
	v54 =	vadd.f32 v56, v6;
	v6 =	vadd.f32 v11, v58  }
0x15a: {  	v0 =	vadd.f32 v14, v0;
	v14 =	vld [tilespmem:s26+$0x40]  }
0x15b: {  	v21 =	vld [tilespmem:s26+$0x130];
	v6 =	vadd.f32 v9, v6;
	v53 =	vadd.f32 v1, v8;
	v1 =	vmul.f32 s0, v41  }
0x15c: {  	v61 =	vld [tilespmem:s26+$0x1B0];
	v60 =	vmul.f32 s31, v23  }
0x15d: {  	v6 =	vadd.f32 v36, v6;
	v1 =	vadd.f32 v1, v2;
	v2 =	vld [tilespmem:$0x1FEF0]  }
0x15e: {  	v62 =	vmul.f32 s30, v24;
	v17 =	vld [tilespmem:s26+$0x1D0];
	v16 =	vmul.f32 s31, v31;
	v8 =	vadd.f32 v60, v15  }
0x15f: {  	v0 =	vadd.f32 v12, v0;
	v6 =	vadd.f32 v50, v6;
	v50 =	vmul.f32 s0, v14;
	v14 =	vld [tilespmem:$0x1FF00]  }
0x160: {  	v5 =	vmul.f32 s29, v46;
	v8 =	vadd.f32 v62, v8;
	v1 =	vadd.f32 v16, v1;
	v16 =	vld [tilespmem:s26+$0x140]  }
0x161: {  	v15 =	vmul.f32 s30, v21;
	v21 =	vld [tilespmem:$0x1FF40]  }
0x162: {  	v51 =	vmul.f32 s28, v51;
	v35 =	vld [tilespmem:s26+$0xE0];
	v5 =	vadd.f32 v5, v8;
	v0 =	vadd.f32 v2, v0  }
0x163: {  	v3 =	vmul.f32 s24, v3;
	v33 =	vmul.f32 s29, v17;
	v17 =	vld [tilespmem:$0x1FF20]  }
0x164: {  	v4 =	vmul.f32 s24, v4;
	v5 =	vadd.f32 v51, v5;
	v0 =	vadd.f32 v14, v0;
	v14 =	vld [tilespmem:$0x1FF10]  }
0x165: {  	v10 =	vmul.f32 s29, v61;
	v1 =	vadd.f32 v15, v1;
	v15 =	vmul.f32 s30, v16;
	v16 =	vld [tilespmem:s26+$0x70]  }
0x166: {  	v4 =	vadd.f32 v4, v5;
	v31 =	vadd.f32 v21, v0;
	v0 =	vld [tilespmem:$0x1FF50]  }
0x167: {  	v52 =	vmul.f32 s28, v52;
	v58 =	vld [tilespmem:$0x1FFA0];
	v2 =	vadd.f32 v3, v6;
	v1 =	vadd.f32 v10, v1  }
0x168: {  	v4 =	vadd.f32 v17, v4;
	v17 =	vld [tilespmem:$0x1FF30]  }
0x169: {  	v12 =	vld [tilespmem:s26+$0x60];
	v1 =	vadd.f32 v52, v1;
	v2 =	vadd.f32 v14, v2  }
0x16a: {  	v52 =	vld [tilespmem:$0x1FF70]  }
0x16b: {  	v1 =	vadd.f32 v40, v1;
	v47 =	vadd.f32 v0, v2;
	v0 =	vmul.f32 s0, v16;
	v16 =	vld [tilespmem:$0x1FF60]  }
0x16c: {  	v13 =	vld [tilespmem:s26+$0xC0]  }
0x16d: {  	v22 =	vld [tilespmem:s26+$0x1C0];
	v1 =	vadd.f32 v17, v1  }
0x16e: {  	v14 =	vld [tilespmem:s26+$0x160]  }
0x16f: {  	v12 =	vmul.f32 s0, v12;
	v10 =	vmul.f32 s0, v34;
	v39 =	vadd.f32 v52, v1;
	v1 =	vld [tilespmem:$0x1FF80]  }
0x170: {  	v51 =	vld [tilespmem:s26+$0xF0];
	v36 =	vadd.f32 v16, v4  }
0x171: {  	v4 =	vadd.f32 v10, v55;
	v10 =	vadd.f32 v12, v58;
	v12 =	vld [tilespmem:$0x1FFB0]  }
0x172: {  	v37 =	vmul.f32 s28, v37;
	v38 =	vmul.f32 s28, v38;
	v17 =	vld [tilespmem:s26+$0x170]  }
0x173: {  	v3 =	vmul.f32 s31, v32;
	v60 =	vmul.f32 s30, v14;
	v14 =	vld [tilespmem:s26+$0x270]  }
0x174: {  	v9 =	vmul.f32 s30, v63;
	v13 =	vmul.f32 s31, v13;
	v2 =	vld [tilespmem:s26+$0x1E0];
	v1 =	vadd.f32 v50, v1  }
0x175: {  	v57 =	vld [tilespmem:s26+$0x1F0];
	v56 =	vmul.f32 s31, v35;
	v7 =	vmul.f32 s29, v22;
	v3 =	vadd.f32 v3, v4  }
0x176: {  	s25 =	sadd.s32 $0x8, s25;
	v11 =	vmul.f32 s31, v51;
	v16 =	vld [tilespmem:s26+$0x2E0];
	v1 =	vadd.f32 v13, v1;
	v0 =	vadd.f32 v0, v12  }
0x177: {  	p0 =	slt.u32 s25, $0x68;
	v62 =	vmul.f32 s30, v17;
	v5 =	vadd.f32 v56, v10;
	v3 =	vadd.f32 v9, v3;
	v12 =	vld [tilespmem:s26+$0x260]  }
.Ltmp5:
0x178: {  	v29 =	vmul.f32 s28, v14;
	v14 =	vld [tilespmem:s26+$0x3E0];
	v13 =	vadd.f32 v15, v1;
	v61 =	vadd.f32 v11, v0;
	(pc) =	sbr.rel @p0 .LBB2_4-.Ltmp5, $4  }
0x179: {  	v2 =	vmul.f32 s29, v2;
	v4 =	vadd.f32 v60, v5;
	v1 =	vld [tilespmem:s26+$0x360];
	v3 =	vadd.f32 v33, v3  }
0x17a: {  	v6 =	vmul.f32 s29, v57;
	v15 =	vld [tilespmem:s26+$0x3F0];
	v7 =	vadd.f32 v7, v13;
	v63 =	vadd.f32 v62, v61  }
0x17b: {  	v24 =	vmul.f32 s24, v16;
	v21 =	vadd.f32 v2, v4;
	v0 =	vld [tilespmem:s26+$0x2F0];
	v28 =	vadd.f32 v38, v3  }
0x17c: {  	v13 =	vld [tilespmem:s26+$0x370];
	s26 =	sadd.s32 $0x800, s26;
	v27 =	vadd.f32 v37, v7;
	v23 =	vmul.f32 s28, v12;
	v22 =	vadd.f32 v6, v63  }
0x17d: {  	_ =	sdelay $0x1  }
0x17e: {  	v5 =	vadd.f32 v26, v28;
	v2 =	vadd.f32 v23, v21  }
0x17f: {  	v3 =	vadd.f32 v29, v22;
	v4 =	vadd.f32 v25, v27;
	v0 =	vmul.f32 s24, v0  }
0x180: {  	s18 =	sadd.s32 $0x1, s18;
	v1 =	vmul.f32 s23, v1;
	v5 =	vadd.f32 v20, v5;
	v2 =	vadd.f32 v24, v2  }
0x181: {  	v6 =	vmul.f32 s22, v14;
	p0 =	sne.s32 s18, s17;
	v4 =	vadd.f32 v19, v4;
	v0 =	vadd.f32 v0, v3  }
.Ltmp6:
0x182: {  	v3 =	vmul.f32 s23, v13;
	v1 =	vadd.f32 v1, v2;
	v2 =	vmul.f32 s22, v15;
	(pc) =	sbr.rel @p0 .LBB2_3-.Ltmp6, $4  }
.Ltmp7:
0x183: {  	_ = 	snop;
	(pc) =	sbr.rel @!p0 .LBB2_6-.Ltmp7, $4  }
0x184: {  	v16 =	vmovc v39;
	v7 =	vmovc v53;
	v8 =	vmov v44;
	v14 =	vadd.f32 v18, v5;
	v0 =	vadd.f32 v3, v0  }
0x185: {  	v10 =	vmovc v59;
	v12 =	vmovc v49;
	v15 =	vadd.f32 v48, v4;
	v5 =	vmov v42;
	v13 =	vadd.f32 v6, v1  }
0x186: {  	s19 =	sadd.s32 $0x70, s19;
	v4 =	vmovc v31;
	v6 =	vmovc v54;
	v17 =	vadd.f32 v2, v0;
	v2 =	vmov v36;
	v3 =	vmov v47  }
0x187: {  	_ = 	snop  }
.LBB2_8:
0x188: {  	_ =	sfence.sel $0x180000  }
0x189: {  	[bflag:$0x0] =	sbarrier.arrive $0xFFFF  }
0x18a: {  	_ =	strace $0x90000047  }
0x18b: {  	s0 =	stileid.u32;
	[bflag:$0x2] =	sbarrier.arrive $0xFFFF  }
0x18c: {  	p0 =	sne.s32 s0, $0x0;
	s0 =	rddreg [dreg:$0x3]  }
0x18d: {  	s0 =	sadd.s32 @!p0 $0x100000, s0  }
0x18e: {  	[sflag:s0] =	ssyncadd.tile.s32 @!p0 $0x1;
	_ =	shalt  }
.Lfunc_end2:
_tile_overlayer_lowered:
.L_overlay_start_2:
0x18f: {  	(tag) =	ssettag $0x2  }
0x190: {  	s0 =	rddreg [dreg:$0x0];
	s2 =	stileid.u32  }
0x191: {  	s1 =	rddreg [dreg:$0x1];
	p0 =	sne.s32 s2, $0x0  }
0x192: {  	s3 =	rddreg [dreg:$0x2];
	[bflag:$0x3] =	sbarrier.arrive $0xFFFF;
	s2 =	simm.s32 @!p0 $0x1C01  }
0x193: {  	[timem:s3], [sflag:s2] =	dma.local @!p0 [hbm:s0], s1  }
0x194: {  	s0 =	simm.s32 @!p0 $0x1  }
0x195: {  	_ =	swait.ge @!p0 [sflag:s0], s1  }
0x196: {  	s1 =	ssub.s32 @!p0 $0x0, s1;
	[sflag:s0] =	ssyncset.done @!p0 $0x0  }
0x197: {  	[sflag:s0] =	ssyncadd.s32 @!p0 s1  }
0x198: {  	[bflag:$0x3] =	sbarrier.arrive $0xFFFF  }
0x199: {  	_ =	shalt  }

</sc_bundles>
